<compile_context>
chip_gen: v7x
topology: tpu7x:2x2x1
jax: 0.10.2.dev20260603
libtpu: 0.0.44.dev20260713+nightly
codegen_flags: <defaults>
</compile_context>

<pallas_src>
import jax
import jax.numpy as jnp
from jax import lax
from jax.experimental import pallas as pl
from jax.experimental.pallas import tpu as pltpu
from jax.experimental.pallas import tpu_sc as plsc

B = 256
N_IN = 10000
N_OUT = 4096
N_CONN = 32
LANES = 16
NBUF = 4
WREC = 40


def _make_sc_kernel(n_in, n_out, b, n_conn, num_cores, num_subcores,
                    interpret=False):
    nw = num_cores * num_subcores
    rows_per_w = b // nw
    ngroups = n_out // LANES
    erec = n_conn * LANES
    wrec = WREC * LANES
    mesh = plsc.VectorSubcoreMesh(core_axis_name="c", subcore_axis_name="s",
                                  num_cores=num_cores,
                                  num_subcores=num_subcores)

    def body(xf, et, wt, out, xr_v, et_v, wt_v, out_v, *sems):
        wid = lax.axis_index("s") * num_cores + lax.axis_index("c")
        row0 = wid * rows_per_w
        pltpu.sync_copy(xf.at[pl.ds(row0 * n_in, rows_per_w * n_in)], xr_v)

        def streams(g, buf, sem):
            e = pltpu.make_async_copy(et.at[pl.ds(g * erec, erec)],
                                      et_v.at[buf], sem)
            w = pltpu.make_async_copy(wt.at[pl.ds(g * wrec, wrec)],
                                      wt_v.at[buf], sem)
            return e, w

        def start(g, buf, sem):
            e, w = streams(g, buf, sem)
            e.start()
            w.start()

        def wait(g, buf, sem):
            e, w = streams(g, buf, sem)
            e.wait()
            w.wait()

        CSTEP = 4

        def compute(g, buf):
            bias_vec = wt_v[buf, pl.ds(n_conn * LANES, LANES)]

            def cbody(cc, accs):
                off = cc * (CSTEP * LANES)
                accs = list(accs)
                for k in range(CSTEP):
                    idx = et_v[buf, pl.ds(off + k * LANES, LANES)]
                    w = wt_v[buf, pl.ds(off + k * LANES, LANES)]
                    for r in range(rows_per_w):
                        vals = plsc.load_gather(xr_v, [idx + (r * n_in)])
                        accs[r] = accs[r] + vals * w
                return tuple(accs)

            accs = lax.fori_loop(0, n_conn // CSTEP, cbody,
                                 (bias_vec,) * rows_per_w)
            for r in range(rows_per_w):
                out_v[pl.ds(r * n_out + g * LANES, LANES)] = accs[r]

        for j in range(NBUF):
            start(j, j, sems[j])

        def outer(i, carry):
            g0 = i * NBUF
            for j in range(NBUF):
                g = g0 + j
                wait(g, j, sems[j])
                compute(g, j)
                jp = (j - 1) % NBUF
                gn = g - 1 + NBUF

                @pl.when(jnp.logical_and(g >= 1, gn < ngroups))
                def _():
                    start(gn, jp, sems[jp])

            return carry

        lax.fori_loop(0, ngroups // NBUF, outer, 0)
        pltpu.sync_copy(out_v, out.at[pl.ds(row0 * n_out, rows_per_w * n_out)])

    return pl.kernel(
        body,
        out_type=jax.ShapeDtypeStruct((b * n_out,), jnp.float32),
        mesh=mesh,
        scratch_types=[
            pltpu.VMEM((b // nw * n_in,), jnp.float32),
            pltpu.VMEM((NBUF, erec), jnp.int32),
            pltpu.VMEM((NBUF, wrec), jnp.float32),
            pltpu.VMEM((b // nw * n_out,), jnp.float32),
        ] + [pltpu.SemaphoreType.DMA] * NBUF,
        compiler_params=pltpu.CompilerParams(needs_layout_passes=False),
        interpret=interpret,
    )


@jax.jit
def kernel(x, edges, kernel, bias):
    ng = N_OUT // LANES
    et = edges.reshape(ng, LANES, N_CONN).transpose(0, 2, 1).reshape(-1)
    wt = jnp.concatenate(
        [kernel.reshape(ng, LANES, N_CONN).transpose(0, 2, 1),
         bias.reshape(ng, 1, LANES),
         jnp.zeros((ng, WREC - N_CONN - 1, LANES), jnp.float32)],
        axis=1).reshape(-1)
    sc = _make_sc_kernel(N_IN, N_OUT, B, N_CONN, 2, 16)
    return sc(x.reshape(-1), et, wt).reshape(B, N_OUT)

# --- scband reference (transcript-rebuilt; emitter-appended) ---
"""Pipeline reference for scband-sprase-layer-with-connection-6717328851824 (READ-ONLY COPY).

The authoritative reference and input builder live on the scoring server;
editing this copy changes nothing except your own understanding.
"""

import jax, jax.numpy as jnp
import numpy as np

B = 256        # batch
N_IN = 10000   # n_inputs (rows of mapp)
N_OUT = 4096   # n_outputs (cols of mapp / units)
N_CONN = 32    # nonzeros per output column of mapp (regular structure)


def setup_inputs(seed: int = 0) -> dict:
    key = jax.random.key(seed)
    kx, ke, kw = jax.random.split(key, 3)
    # forward input
    x = jax.random.normal(kx, (B, N_IN), dtype=jnp.float32)
    # structure derived from mapp: for each output column j, the indices of its
    # nonzero input connections (self.edges[j] in the original layer).
    edges = jax.random.randint(ke, (N_OUT, N_CONN), 0, N_IN, dtype=jnp.int32)
    # learned params: per-output weight vector w_j of length n_conn_j (self.kernel),
    # glorot_uniform over fan_in=N_CONN, fan_out=1
    limit = jnp.sqrt(6.0 / (N_CONN + 1.0))
    kernel = jax.random.uniform(kw, (N_OUT, N_CONN), dtype=jnp.float32, minval=-limit, maxval=limit)
    bias = jnp.zeros((N_OUT,), dtype=jnp.float32)
    return {"x": x, "edges": edges, "kernel": kernel, "bias": bias}


def reference(x, edges, kernel, bias):
    # Original per-output loop:
    #   inn = tf.gather(x, self.edges[i], axis=1)   -> [B, n_conn_i]
    #   y0  = K.dot(inn, w_i)                       -> [B]
    #   y0  = K.bias_add(y0, bias[i:i+1])
    #   output = concat over i, reshape to [B, units]
    # With a regular n_conn per output this is exactly:
    gathered = jnp.take(x, edges, axis=1)            # [B, N_OUT, N_CONN]
    y = jnp.einsum('boc,oc->bo', gathered, kernel)    # per-output sparse dot
    y = y + bias[None, :]
    # activation is None in this config
    return y

if __name__ == "__main__":
    import jax
    _d = setup_inputs()
    print(jax.jit(kernel)(*tuple(_d.values())))

</pallas_src>

<mosaic_0001>
#map = affine_map<(d0, d1) -> (0)>
module attributes {stable_mosaic.version = 14 : i64} {
  func.func @body(%arg0: i32, %arg1: i32, %arg2: memref<2560000xf32, #tpu.memory_space<hbm>>, %arg3: memref<131072xi32, #tpu.memory_space<hbm>>, %arg4: memref<163840xf32, #tpu.memory_space<hbm>>, %arg5: memref<1048576xf32, #tpu.memory_space<hbm>>, %arg6: memref<80000xf32, #tpu.memory_space<vmem>>, %arg7: memref<4x512xi32, #tpu.memory_space<vmem>>, %arg8: memref<4x640xf32, #tpu.memory_space<vmem>>, %arg9: memref<32768xf32, #tpu.memory_space<vmem>>, %arg10: memref<!tpu.dma_semaphore, #tpu.memory_space<semaphore_mem>>, %arg11: memref<!tpu.dma_semaphore, #tpu.memory_space<semaphore_mem>>, %arg12: memref<!tpu.dma_semaphore, #tpu.memory_space<semaphore_mem>>, %arg13: memref<!tpu.dma_semaphore, #tpu.memory_space<semaphore_mem>>) attributes {dimension_semantics = [#tpu.dimension_semantics<core_parallel>, #tpu.dimension_semantics<subcore_parallel>], iteration_bounds = array<i64: 2, 16>, scalar_prefetch = 0 : i64, scratch_operands = 8 : i64, tpu.core_type = #tpu.core_type<sc_vector_subcore>, window_params = [{transform_indices = #map}, {transform_indices = #map}, {transform_indices = #map}, {transform_indices = #map}]} {
    %mul3A = arith.constant 2 : i32
    %mul3A_0 = arith.muli %arg1, %mul3A : i32
    %add3A = arith.addi %mul3A_0, %arg0 : i32
    %mul3A_1 = arith.constant 8 : i32
    %mul3A_2 = arith.muli %add3A, %mul3A_1 : i32
    %mul3A_3 = arith.constant 10000 : i32
    %mul3A_4 = arith.muli %mul3A_2, %mul3A_3 : i32
    "tpu.region"() ({
      %run_scoped3A = tpu.sem_alloc : memref<!tpu.dma_semaphore, #tpu.memory_space<semaphore_mem>>
      %dma_start3A_99 = tpu.memref_slice %arg2[%mul3A_4] : memref<2560000xf32, #tpu.memory_space<hbm>> -> memref<80000xf32, #tpu.memory_space<hbm>>
      %dma_start3A_100 = tpu.memref_slice %arg2[%mul3A_4] : memref<2560000xf32, #tpu.memory_space<hbm>> -> memref<80000xf32, #tpu.memory_space<hbm>>
      tpu.enqueue_dma source(%dma_start3A_100 : memref<80000xf32, #tpu.memory_space<hbm>>) target(%arg6 : memref<80000xf32, #tpu.memory_space<vmem>>) target_semaphore(%run_scoped3A : memref<!tpu.dma_semaphore, #tpu.memory_space<semaphore_mem>>)
      %dma_wait3A = tpu.memref_slice %arg2[%mul3A_4] : memref<2560000xf32, #tpu.memory_space<hbm>> -> memref<80000xf32, #tpu.memory_space<hbm>>
      %dma_wait3A_101 = tpu.memref_slice %arg2[%mul3A_4] : memref<2560000xf32, #tpu.memory_space<hbm>> -> memref<80000xf32, #tpu.memory_space<hbm>>
      tpu.wait_dma2 semaphore(%run_scoped3A : memref<!tpu.dma_semaphore, #tpu.memory_space<semaphore_mem>>) src(%dma_wait3A_101 : memref<80000xf32, #tpu.memory_space<hbm>>) dst(%arg6 : memref<80000xf32, #tpu.memory_space<vmem>>)
      tpu.yield
    }) : () -> ()
    %dma_start3A = arith.constant 0 : i32
    %dma_start3A_5 = arith.constant 0 : i32
    %dma_start3A_6 = tpu.memref_slice %arg7[%dma_start3A, %dma_start3A_5] : memref<4x512xi32, #tpu.memory_space<vmem>> -> memref<1x512xi32, #tpu.memory_space<vmem>>
    %dma_start3A_7 = tpu.memref_squeeze %dma_start3A_6 : memref<1x512xi32, #tpu.memory_space<vmem>> -> memref<512xi32, #tpu.memory_space<vmem>>
    %dma_start3A_8 = arith.constant 0 : i32
    %dma_start3A_9 = tpu.memref_slice %arg3[%dma_start3A_8] : memref<131072xi32, #tpu.memory_space<hbm>> -> memref<512xi32, #tpu.memory_space<hbm>>
    %dma_start3A_10 = arith.constant 0 : i32
    %dma_start3A_11 = tpu.memref_slice %arg7[%dma_start3A, %dma_start3A_10] : memref<4x512xi32, #tpu.memory_space<vmem>> -> memref<1x512xi32, #tpu.memory_space<vmem>>
    %dma_start3A_12 = tpu.memref_squeeze %dma_start3A_11 : memref<1x512xi32, #tpu.memory_space<vmem>> -> memref<512xi32, #tpu.memory_space<vmem>>
    %dma_start3A_13 = arith.constant 0 : i32
    %dma_start3A_14 = tpu.memref_slice %arg3[%dma_start3A_13] : memref<131072xi32, #tpu.memory_space<hbm>> -> memref<512xi32, #tpu.memory_space<hbm>>
    tpu.enqueue_dma source(%dma_start3A_14 : memref<512xi32, #tpu.memory_space<hbm>>) target(%dma_start3A_12 : memref<512xi32, #tpu.memory_space<vmem>>) target_semaphore(%arg10 : memref<!tpu.dma_semaphore, #tpu.memory_space<semaphore_mem>>)
    %dma_start3A_15 = arith.constant 0 : i32
    %dma_start3A_16 = arith.constant 0 : i32
    %dma_start3A_17 = tpu.memref_slice %arg8[%dma_start3A_15, %dma_start3A_16] : memref<4x640xf32, #tpu.memory_space<vmem>> -> memref<1x640xf32, #tpu.memory_space<vmem>>
    %dma_start3A_18 = tpu.memref_squeeze %dma_start3A_17 : memref<1x640xf32, #tpu.memory_space<vmem>> -> memref<640xf32, #tpu.memory_space<vmem>>
    %dma_start3A_19 = arith.constant 0 : i32
    %dma_start3A_20 = tpu.memref_slice %arg4[%dma_start3A_19] : memref<163840xf32, #tpu.memory_space<hbm>> -> memref<640xf32, #tpu.memory_space<hbm>>
    %dma_start3A_21 = arith.constant 0 : i32
    %dma_start3A_22 = tpu.memref_slice %arg8[%dma_start3A_15, %dma_start3A_21] : memref<4x640xf32, #tpu.memory_space<vmem>> -> memref<1x640xf32, #tpu.memory_space<vmem>>
    %dma_start3A_23 = tpu.memref_squeeze %dma_start3A_22 : memref<1x640xf32, #tpu.memory_space<vmem>> -> memref<640xf32, #tpu.memory_space<vmem>>
    %dma_start3A_24 = arith.constant 0 : i32
    %dma_start3A_25 = tpu.memref_slice %arg4[%dma_start3A_24] : memref<163840xf32, #tpu.memory_space<hbm>> -> memref<640xf32, #tpu.memory_space<hbm>>
    tpu.enqueue_dma source(%dma_start3A_25 : memref<640xf32, #tpu.memory_space<hbm>>) target(%dma_start3A_23 : memref<640xf32, #tpu.memory_space<vmem>>) target_semaphore(%arg10 : memref<!tpu.dma_semaphore, #tpu.memory_space<semaphore_mem>>)
    %dma_start3A_26 = arith.constant 1 : i32
    %dma_start3A_27 = arith.constant 0 : i32
    %dma_start3A_28 = tpu.memref_slice %arg7[%dma_start3A_26, %dma_start3A_27] : memref<4x512xi32, #tpu.memory_space<vmem>> -> memref<1x512xi32, #tpu.memory_space<vmem>>
    %dma_start3A_29 = tpu.memref_squeeze %dma_start3A_28 : memref<1x512xi32, #tpu.memory_space<vmem>> -> memref<512xi32, #tpu.memory_space<vmem>>
    %dma_start3A_30 = arith.constant 512 : i32
    %dma_start3A_31 = tpu.memref_slice %arg3[%dma_start3A_30] : memref<131072xi32, #tpu.memory_space<hbm>> -> memref<512xi32, #tpu.memory_space<hbm>>
    %dma_start3A_32 = arith.constant 0 : i32
    %dma_start3A_33 = tpu.memref_slice %arg7[%dma_start3A_26, %dma_start3A_32] : memref<4x512xi32, #tpu.memory_space<vmem>> -> memref<1x512xi32, #tpu.memory_space<vmem>>
    %dma_start3A_34 = tpu.memref_squeeze %dma_start3A_33 : memref<1x512xi32, #tpu.memory_space<vmem>> -> memref<512xi32, #tpu.memory_space<vmem>>
    %dma_start3A_35 = arith.constant 512 : i32
    %dma_start3A_36 = tpu.memref_slice %arg3[%dma_start3A_35] : memref<131072xi32, #tpu.memory_space<hbm>> -> memref<512xi32, #tpu.memory_space<hbm>>
    tpu.enqueue_dma source(%dma_start3A_36 : memref<512xi32, #tpu.memory_space<hbm>>) target(%dma_start3A_34 : memref<512xi32, #tpu.memory_space<vmem>>) target_semaphore(%arg11 : memref<!tpu.dma_semaphore, #tpu.memory_space<semaphore_mem>>)
    %dma_start3A_37 = arith.constant 1 : i32
    %dma_start3A_38 = arith.constant 0 : i32
    %dma_start3A_39 = tpu.memref_slice %arg8[%dma_start3A_37, %dma_start3A_38] : memref<4x640xf32, #tpu.memory_space<vmem>> -> memref<1x640xf32, #tpu.memory_space<vmem>>
    %dma_start3A_40 = tpu.memref_squeeze %dma_start3A_39 : memref<1x640xf32, #tpu.memory_space<vmem>> -> memref<640xf32, #tpu.memory_space<vmem>>
    %dma_start3A_41 = arith.constant 640 : i32
    %dma_start3A_42 = tpu.memref_slice %arg4[%dma_start3A_41] : memref<163840xf32, #tpu.memory_space<hbm>> -> memref<640xf32, #tpu.memory_space<hbm>>
    %dma_start3A_43 = arith.constant 0 : i32
    %dma_start3A_44 = tpu.memref_slice %arg8[%dma_start3A_37, %dma_start3A_43] : memref<4x640xf32, #tpu.memory_space<vmem>> -> memref<1x640xf32, #tpu.memory_space<vmem>>
    %dma_start3A_45 = tpu.memref_squeeze %dma_start3A_44 : memref<1x640xf32, #tpu.memory_space<vmem>> -> memref<640xf32, #tpu.memory_space<vmem>>
    %dma_start3A_46 = arith.constant 640 : i32
    %dma_start3A_47 = tpu.memref_slice %arg4[%dma_start3A_46] : memref<163840xf32, #tpu.memory_space<hbm>> -> memref<640xf32, #tpu.memory_space<hbm>>
    tpu.enqueue_dma source(%dma_start3A_47 : memref<640xf32, #tpu.memory_space<hbm>>) target(%dma_start3A_45 : memref<640xf32, #tpu.memory_space<vmem>>) target_semaphore(%arg11 : memref<!tpu.dma_semaphore, #tpu.memory_space<semaphore_mem>>)
    %dma_start3A_48 = arith.constant 2 : i32
    %dma_start3A_49 = arith.constant 0 : i32
    %dma_start3A_50 = tpu.memref_slice %arg7[%dma_start3A_48, %dma_start3A_49] : memref<4x512xi32, #tpu.memory_space<vmem>> -> memref<1x512xi32, #tpu.memory_space<vmem>>
    %dma_start3A_51 = tpu.memref_squeeze %dma_start3A_50 : memref<1x512xi32, #tpu.memory_space<vmem>> -> memref<512xi32, #tpu.memory_space<vmem>>
    %dma_start3A_52 = arith.constant 1024 : i32
    %dma_start3A_53 = tpu.memref_slice %arg3[%dma_start3A_52] : memref<131072xi32, #tpu.memory_space<hbm>> -> memref<512xi32, #tpu.memory_space<hbm>>
    %dma_start3A_54 = arith.constant 0 : i32
    %dma_start3A_55 = tpu.memref_slice %arg7[%dma_start3A_48, %dma_start3A_54] : memref<4x512xi32, #tpu.memory_space<vmem>> -> memref<1x512xi32, #tpu.memory_space<vmem>>
    %dma_start3A_56 = tpu.memref_squeeze %dma_start3A_55 : memref<1x512xi32, #tpu.memory_space<vmem>> -> memref<512xi32, #tpu.memory_space<vmem>>
    %dma_start3A_57 = arith.constant 1024 : i32
    %dma_start3A_58 = tpu.memref_slice %arg3[%dma_start3A_57] : memref<131072xi32, #tpu.memory_space<hbm>> -> memref<512xi32, #tpu.memory_space<hbm>>
    tpu.enqueue_dma source(%dma_start3A_58 : memref<512xi32, #tpu.memory_space<hbm>>) target(%dma_start3A_56 : memref<512xi32, #tpu.memory_space<vmem>>) target_semaphore(%arg12 : memref<!tpu.dma_semaphore, #tpu.memory_space<semaphore_mem>>)
    %dma_start3A_59 = arith.constant 2 : i32
    %dma_start3A_60 = arith.constant 0 : i32
    %dma_start3A_61 = tpu.memref_slice %arg8[%dma_start3A_59, %dma_start3A_60] : memref<4x640xf32, #tpu.memory_space<vmem>> -> memref<1x640xf32, #tpu.memory_space<vmem>>
    %dma_start3A_62 = tpu.memref_squeeze %dma_start3A_61 : memref<1x640xf32, #tpu.memory_space<vmem>> -> memref<640xf32, #tpu.memory_space<vmem>>
    %dma_start3A_63 = arith.constant 1280 : i32
    %dma_start3A_64 = tpu.memref_slice %arg4[%dma_start3A_63] : memref<163840xf32, #tpu.memory_space<hbm>> -> memref<640xf32, #tpu.memory_space<hbm>>
    %dma_start3A_65 = arith.constant 0 : i32
    %dma_start3A_66 = tpu.memref_slice %arg8[%dma_start3A_59, %dma_start3A_65] : memref<4x640xf32, #tpu.memory_space<vmem>> -> memref<1x640xf32, #tpu.memory_space<vmem>>
    %dma_start3A_67 = tpu.memref_squeeze %dma_start3A_66 : memref<1x640xf32, #tpu.memory_space<vmem>> -> memref<640xf32, #tpu.memory_space<vmem>>
    %dma_start3A_68 = arith.constant 1280 : i32
    %dma_start3A_69 = tpu.memref_slice %arg4[%dma_start3A_68] : memref<163840xf32, #tpu.memory_space<hbm>> -> memref<640xf32, #tpu.memory_space<hbm>>
    tpu.enqueue_dma source(%dma_start3A_69 : memref<640xf32, #tpu.memory_space<hbm>>) target(%dma_start3A_67 : memref<640xf32, #tpu.memory_space<vmem>>) target_semaphore(%arg12 : memref<!tpu.dma_semaphore, #tpu.memory_space<semaphore_mem>>)
    %dma_start3A_70 = arith.constant 3 : i32
    %dma_start3A_71 = arith.constant 0 : i32
    %dma_start3A_72 = tpu.memref_slice %arg7[%dma_start3A_70, %dma_start3A_71] : memref<4x512xi32, #tpu.memory_space<vmem>> -> memref<1x512xi32, #tpu.memory_space<vmem>>
    %dma_start3A_73 = tpu.memref_squeeze %dma_start3A_72 : memref<1x512xi32, #tpu.memory_space<vmem>> -> memref<512xi32, #tpu.memory_space<vmem>>
    %dma_start3A_74 = arith.constant 1536 : i32
    %dma_start3A_75 = tpu.memref_slice %arg3[%dma_start3A_74] : memref<131072xi32, #tpu.memory_space<hbm>> -> memref<512xi32, #tpu.memory_space<hbm>>
    %dma_start3A_76 = arith.constant 0 : i32
    %dma_start3A_77 = tpu.memref_slice %arg7[%dma_start3A_70, %dma_start3A_76] : memref<4x512xi32, #tpu.memory_space<vmem>> -> memref<1x512xi32, #tpu.memory_space<vmem>>
    %dma_start3A_78 = tpu.memref_squeeze %dma_start3A_77 : memref<1x512xi32, #tpu.memory_space<vmem>> -> memref<512xi32, #tpu.memory_space<vmem>>
    %dma_start3A_79 = arith.constant 1536 : i32
    %dma_start3A_80 = tpu.memref_slice %arg3[%dma_start3A_79] : memref<131072xi32, #tpu.memory_space<hbm>> -> memref<512xi32, #tpu.memory_space<hbm>>
    tpu.enqueue_dma source(%dma_start3A_80 : memref<512xi32, #tpu.memory_space<hbm>>) target(%dma_start3A_78 : memref<512xi32, #tpu.memory_space<vmem>>) target_semaphore(%arg13 : memref<!tpu.dma_semaphore, #tpu.memory_space<semaphore_mem>>)
    %dma_start3A_81 = arith.constant 3 : i32
    %dma_start3A_82 = arith.constant 0 : i32
    %dma_start3A_83 = tpu.memref_slice %arg8[%dma_start3A_81, %dma_start3A_82] : memref<4x640xf32, #tpu.memory_space<vmem>> -> memref<1x640xf32, #tpu.memory_space<vmem>>
    %dma_start3A_84 = tpu.memref_squeeze %dma_start3A_83 : memref<1x640xf32, #tpu.memory_space<vmem>> -> memref<640xf32, #tpu.memory_space<vmem>>
    %dma_start3A_85 = arith.constant 1920 : i32
    %dma_start3A_86 = tpu.memref_slice %arg4[%dma_start3A_85] : memref<163840xf32, #tpu.memory_space<hbm>> -> memref<640xf32, #tpu.memory_space<hbm>>
    %dma_start3A_87 = arith.constant 0 : i32
    %dma_start3A_88 = tpu.memref_slice %arg8[%dma_start3A_81, %dma_start3A_87] : memref<4x640xf32, #tpu.memory_space<vmem>> -> memref<1x640xf32, #tpu.memory_space<vmem>>
    %dma_start3A_89 = tpu.memref_squeeze %dma_start3A_88 : memref<1x640xf32, #tpu.memory_space<vmem>> -> memref<640xf32, #tpu.memory_space<vmem>>
    %dma_start3A_90 = arith.constant 1920 : i32
    %dma_start3A_91 = tpu.memref_slice %arg4[%dma_start3A_90] : memref<163840xf32, #tpu.memory_space<hbm>> -> memref<640xf32, #tpu.memory_space<hbm>>
    tpu.enqueue_dma source(%dma_start3A_91 : memref<640xf32, #tpu.memory_space<hbm>>) target(%dma_start3A_89 : memref<640xf32, #tpu.memory_space<vmem>>) target_semaphore(%arg13 : memref<!tpu.dma_semaphore, #tpu.memory_space<semaphore_mem>>)
    %scan3A = arith.constant 0 : i32
    %scan3A_92 = arith.constant 0 : i32
    %scan3A_93 = arith.constant 64 : i32
    %scan3A_94 = arith.addi %scan3A_92, %scan3A_93 : i32
    %scan3A_95 = arith.constant 1 : i32
    scf.for %scan3A_99 = %scan3A_92 to %scan3A_94 step %scan3A_95  : i32 {
      %mul3A_100 = arith.constant 4 : i32
      %mul3A_101 = arith.muli %scan3A_99, %mul3A_100 : i32
      %add3A_102 = arith.constant 0 : i32
      %add3A_103 = arith.addi %mul3A_101, %add3A_102 : i32
      %mul3A_104 = arith.constant 512 : i32
      %mul3A_105 = arith.muli %add3A_103, %mul3A_104 : i32
      %mul3A_106 = arith.constant 640 : i32
      %mul3A_107 = arith.muli %add3A_103, %mul3A_106 : i32
      %dma_wait3A = arith.constant 0 : i32
      %dma_wait3A_108 = arith.constant 0 : i32
      %dma_wait3A_109 = tpu.memref_slice %arg7[%dma_wait3A, %dma_wait3A_108] : memref<4x512xi32, #tpu.memory_space<vmem>> -> memref<1x512xi32, #tpu.memory_space<vmem>>
      %dma_wait3A_110 = tpu.memref_squeeze %dma_wait3A_109 : memref<1x512xi32, #tpu.memory_space<vmem>> -> memref<512xi32, #tpu.memory_space<vmem>>
      %dma_wait3A_111 = tpu.memref_slice %arg3[%mul3A_105] : memref<131072xi32, #tpu.memory_space<hbm>> -> memref<512xi32, #tpu.memory_space<hbm>>
      %dma_wait3A_112 = arith.constant 0 : i32
      %dma_wait3A_113 = tpu.memref_slice %arg7[%dma_wait3A, %dma_wait3A_112] : memref<4x512xi32, #tpu.memory_space<vmem>> -> memref<1x512xi32, #tpu.memory_space<vmem>>
      %dma_wait3A_114 = tpu.memref_squeeze %dma_wait3A_113 : memref<1x512xi32, #tpu.memory_space<vmem>> -> memref<512xi32, #tpu.memory_space<vmem>>
      %dma_wait3A_115 = tpu.memref_slice %arg3[%mul3A_105] : memref<131072xi32, #tpu.memory_space<hbm>> -> memref<512xi32, #tpu.memory_space<hbm>>
      tpu.wait_dma2 semaphore(%arg10 : memref<!tpu.dma_semaphore, #tpu.memory_space<semaphore_mem>>) src(%dma_wait3A_115 : memref<512xi32, #tpu.memory_space<hbm>>) dst(%dma_wait3A_114 : memref<512xi32, #tpu.memory_space<vmem>>)
      %dma_wait3A_116 = arith.constant 0 : i32
      %dma_wait3A_117 = arith.constant 0 : i32
      %dma_wait3A_118 = tpu.memref_slice %arg8[%dma_wait3A_116, %dma_wait3A_117] : memref<4x640xf32, #tpu.memory_space<vmem>> -> memref<1x640xf32, #tpu.memory_space<vmem>>
      %dma_wait3A_119 = tpu.memref_squeeze %dma_wait3A_118 : memref<1x640xf32, #tpu.memory_space<vmem>> -> memref<640xf32, #tpu.memory_space<vmem>>
      %dma_wait3A_120 = tpu.memref_slice %arg4[%mul3A_107] : memref<163840xf32, #tpu.memory_space<hbm>> -> memref<640xf32, #tpu.memory_space<hbm>>
      %dma_wait3A_121 = arith.constant 0 : i32
      %dma_wait3A_122 = tpu.memref_slice %arg8[%dma_wait3A_116, %dma_wait3A_121] : memref<4x640xf32, #tpu.memory_space<vmem>> -> memref<1x640xf32, #tpu.memory_space<vmem>>
      %dma_wait3A_123 = tpu.memref_squeeze %dma_wait3A_122 : memref<1x640xf32, #tpu.memory_space<vmem>> -> memref<640xf32, #tpu.memory_space<vmem>>
      %dma_wait3A_124 = tpu.memref_slice %arg4[%mul3A_107] : memref<163840xf32, #tpu.memory_space<hbm>> -> memref<640xf32, #tpu.memory_space<hbm>>
      tpu.wait_dma2 semaphore(%arg10 : memref<!tpu.dma_semaphore, #tpu.memory_space<semaphore_mem>>) src(%dma_wait3A_124 : memref<640xf32, #tpu.memory_space<hbm>>) dst(%dma_wait3A_123 : memref<640xf32, #tpu.memory_space<vmem>>)
      %get3A = arith.constant 0 : i32
      %get3A_125 = arith.index_cast %get3A : i32 to index
      %get3A_126 = arith.constant 512 : index
      %get3A_127 = tpu.vector_load %arg8[%get3A_125, %get3A_126] {strides = array<i32>} : memref<4x640xf32, #tpu.memory_space<vmem>>, vector<16xf32>,
      %scan3A_128 = arith.constant 0 : i32
      %scan3A_129 = arith.constant 8 : i32
      %scan3A_130 = arith.addi %scan3A_128, %scan3A_129 : i32
      %scan3A_131 = arith.constant 1 : i32
      %scan3A_132:8 = scf.for %scan3A_469 = %scan3A_128 to %scan3A_130 step %scan3A_131 iter_args(%scan3A_470 = %get3A_127, %scan3A_471 = %get3A_127, %scan3A_472 = %get3A_127, %scan3A_473 = %get3A_127, %scan3A_474 = %get3A_127, %scan3A_475 = %get3A_127, %scan3A_476 = %get3A_127, %scan3A_477 = %get3A_127) -> (vector<16xf32>, vector<16xf32>, vector<16xf32>, vector<16xf32>, vector<16xf32>, vector<16xf32>, vector<16xf32>, vector<16xf32>)  : i32 {
        %mul3A_478 = arith.constant 64 : i32
        %mul3A_479 = arith.muli %scan3A_469, %mul3A_478 : i32
        %add3A_480 = arith.constant 0 : i32
        %add3A_481 = arith.addi %mul3A_479, %add3A_480 : i32
        %get3A_482 = arith.constant 0 : i32
        %get3A_483 = arith.index_cast %get3A_482 : i32 to index
        %get3A_484 = arith.index_cast %add3A_481 : i32 to index
        %get3A_485 = tpu.vector_load %arg7[%get3A_483, %get3A_484] {strides = array<i32>} : memref<4x512xi32, #tpu.memory_space<vmem>>, vector<16xi32>,
        %add3A_486 = arith.constant 0 : i32
        %add3A_487 = arith.addi %mul3A_479, %add3A_486 : i32
        %get3A_488 = arith.constant 0 : i32
        %get3A_489 = arith.index_cast %get3A_488 : i32 to index
        %get3A_490 = arith.index_cast %add3A_487 : i32 to index
        %get3A_491 = tpu.vector_load %arg8[%get3A_489, %get3A_490] {strides = array<i32>} : memref<4x640xf32, #tpu.memory_space<vmem>>, vector<16xf32>,
        %add3A_492 = arith.constant 0 : i32
        %add3A_493 = vector.broadcast %add3A_492 : i32 to vector<16xi32>
        %add3A_494 = arith.addi %get3A_485, %add3A_493 : vector<16xi32>
        %gather3A = tpu.vector_load_idx %arg6[%add3A_494] : memref<80000xf32, #tpu.memory_space<vmem>>[vector<16xi32>], vector<16xf32>,
        %mul3A_495 = arith.mulf %gather3A, %get3A_491 : vector<16xf32>
        %add3A_496 = arith.addf %scan3A_470, %mul3A_495 : vector<16xf32>
        %add3A_497 = arith.constant 10000 : i32
        %add3A_498 = vector.broadcast %add3A_497 : i32 to vector<16xi32>
        %add3A_499 = arith.addi %get3A_485, %add3A_498 : vector<16xi32>
        %gather3A_500 = tpu.vector_load_idx %arg6[%add3A_499] : memref<80000xf32, #tpu.memory_space<vmem>>[vector<16xi32>], vector<16xf32>,
        %mul3A_501 = arith.mulf %gather3A_500, %get3A_491 : vector<16xf32>
        %add3A_502 = arith.addf %scan3A_471, %mul3A_501 : vector<16xf32>
        %add3A_503 = arith.constant 20000 : i32
        %add3A_504 = vector.broadcast %add3A_503 : i32 to vector<16xi32>
        %add3A_505 = arith.addi %get3A_485, %add3A_504 : vector<16xi32>
        %gather3A_506 = tpu.vector_load_idx %arg6[%add3A_505] : memref<80000xf32, #tpu.memory_space<vmem>>[vector<16xi32>], vector<16xf32>,
        %mul3A_507 = arith.mulf %gather3A_506, %get3A_491 : vector<16xf32>
        %add3A_508 = arith.addf %scan3A_472, %mul3A_507 : vector<16xf32>
        %add3A_509 = arith.constant 30000 : i32
        %add3A_510 = vector.broadcast %add3A_509 : i32 to vector<16xi32>
        %add3A_511 = arith.addi %get3A_485, %add3A_510 : vector<16xi32>
        %gather3A_512 = tpu.vector_load_idx %arg6[%add3A_511] : memref<80000xf32, #tpu.memory_space<vmem>>[vector<16xi32>], vector<16xf32>,
        %mul3A_513 = arith.mulf %gather3A_512, %get3A_491 : vector<16xf32>
        %add3A_514 = arith.addf %scan3A_473, %mul3A_513 : vector<16xf32>
        %add3A_515 = arith.constant 40000 : i32
        %add3A_516 = vector.broadcast %add3A_515 : i32 to vector<16xi32>
        %add3A_517 = arith.addi %get3A_485, %add3A_516 : vector<16xi32>
        %gather3A_518 = tpu.vector_load_idx %arg6[%add3A_517] : memref<80000xf32, #tpu.memory_space<vmem>>[vector<16xi32>], vector<16xf32>,
        %mul3A_519 = arith.mulf %gather3A_518, %get3A_491 : vector<16xf32>
        %add3A_520 = arith.addf %scan3A_474, %mul3A_519 : vector<16xf32>
        %add3A_521 = arith.constant 50000 : i32
        %add3A_522 = vector.broadcast %add3A_521 : i32 to vector<16xi32>
        %add3A_523 = arith.addi %get3A_485, %add3A_522 : vector<16xi32>
        %gather3A_524 = tpu.vector_load_idx %arg6[%add3A_523] : memref<80000xf32, #tpu.memory_space<vmem>>[vector<16xi32>], vector<16xf32>,
        %mul3A_525 = arith.mulf %gather3A_524, %get3A_491 : vector<16xf32>
        %add3A_526 = arith.addf %scan3A_475, %mul3A_525 : vector<16xf32>
        %add3A_527 = arith.constant 60000 : i32
        %add3A_528 = vector.broadcast %add3A_527 : i32 to vector<16xi32>
        %add3A_529 = arith.addi %get3A_485, %add3A_528 : vector<16xi32>
        %gather3A_530 = tpu.vector_load_idx %arg6[%add3A_529] : memref<80000xf32, #tpu.memory_space<vmem>>[vector<16xi32>], vector<16xf32>,
        %mul3A_531 = arith.mulf %gather3A_530, %get3A_491 : vector<16xf32>
        %add3A_532 = arith.addf %scan3A_476, %mul3A_531 : vector<16xf32>
        %add3A_533 = arith.constant 70000 : i32
        %add3A_534 = vector.broadcast %add3A_533 : i32 to vector<16xi32>
        %add3A_535 = arith.addi %get3A_485, %add3A_534 : vector<16xi32>
        %gather3A_536 = tpu.vector_load_idx %arg6[%add3A_535] : memref<80000xf32, #tpu.memory_space<vmem>>[vector<16xi32>], vector<16xf32>,
        %mul3A_537 = arith.mulf %gather3A_536, %get3A_491 : vector<16xf32>
        %add3A_538 = arith.addf %scan3A_477, %mul3A_537 : vector<16xf32>
        %add3A_539 = arith.constant 16 : i32
        %add3A_540 = arith.addi %mul3A_479, %add3A_539 : i32
        %get3A_541 = arith.constant 0 : i32
        %get3A_542 = arith.index_cast %get3A_541 : i32 to index
        %get3A_543 = arith.index_cast %add3A_540 : i32 to index
        %get3A_544 = tpu.vector_load %arg7[%get3A_542, %get3A_543] {strides = array<i32>} : memref<4x512xi32, #tpu.memory_space<vmem>>, vector<16xi32>,
        %add3A_545 = arith.constant 16 : i32
        %add3A_546 = arith.addi %mul3A_479, %add3A_545 : i32
        %get3A_547 = arith.constant 0 : i32
        %get3A_548 = arith.index_cast %get3A_547 : i32 to index
        %get3A_549 = arith.index_cast %add3A_546 : i32 to index
        %get3A_550 = tpu.vector_load %arg8[%get3A_548, %get3A_549] {strides = array<i32>} : memref<4x640xf32, #tpu.memory_space<vmem>>, vector<16xf32>,
        %add3A_551 = arith.constant 0 : i32
        %add3A_552 = vector.broadcast %add3A_551 : i32 to vector<16xi32>
        %add3A_553 = arith.addi %get3A_544, %add3A_552 : vector<16xi32>
        %gather3A_554 = tpu.vector_load_idx %arg6[%add3A_553] : memref<80000xf32, #tpu.memory_space<vmem>>[vector<16xi32>], vector<16xf32>,
        %mul3A_555 = arith.mulf %gather3A_554, %get3A_550 : vector<16xf32>
        %add3A_556 = arith.addf %add3A_496, %mul3A_555 : vector<16xf32>
        %add3A_557 = arith.constant 10000 : i32
        %add3A_558 = vector.broadcast %add3A_557 : i32 to vector<16xi32>
        %add3A_559 = arith.addi %get3A_544, %add3A_558 : vector<16xi32>
        %gather3A_560 = tpu.vector_load_idx %arg6[%add3A_559] : memref<80000xf32, #tpu.memory_space<vmem>>[vector<16xi32>], vector<16xf32>,
        %mul3A_561 = arith.mulf %gather3A_560, %get3A_550 : vector<16xf32>
        %add3A_562 = arith.addf %add3A_502, %mul3A_561 : vector<16xf32>
        %add3A_563 = arith.constant 20000 : i32
        %add3A_564 = vector.broadcast %add3A_563 : i32 to vector<16xi32>
        %add3A_565 = arith.addi %get3A_544, %add3A_564 : vector<16xi32>
        %gather3A_566 = tpu.vector_load_idx %arg6[%add3A_565] : memref<80000xf32, #tpu.memory_space<vmem>>[vector<16xi32>], vector<16xf32>,
        %mul3A_567 = arith.mulf %gather3A_566, %get3A_550 : vector<16xf32>
        %add3A_568 = arith.addf %add3A_508, %mul3A_567 : vector<16xf32>
        %add3A_569 = arith.constant 30000 : i32
        %add3A_570 = vector.broadcast %add3A_569 : i32 to vector<16xi32>
        %add3A_571 = arith.addi %get3A_544, %add3A_570 : vector<16xi32>
        %gather3A_572 = tpu.vector_load_idx %arg6[%add3A_571] : memref<80000xf32, #tpu.memory_space<vmem>>[vector<16xi32>], vector<16xf32>,
        %mul3A_573 = arith.mulf %gather3A_572, %get3A_550 : vector<16xf32>
        %add3A_574 = arith.addf %add3A_514, %mul3A_573 : vector<16xf32>
        %add3A_575 = arith.constant 40000 : i32
        %add3A_576 = vector.broadcast %add3A_575 : i32 to vector<16xi32>
        %add3A_577 = arith.addi %get3A_544, %add3A_576 : vector<16xi32>
        %gather3A_578 = tpu.vector_load_idx %arg6[%add3A_577] : memref<80000xf32, #tpu.memory_space<vmem>>[vector<16xi32>], vector<16xf32>,
        %mul3A_579 = arith.mulf %gather3A_578, %get3A_550 : vector<16xf32>
        %add3A_580 = arith.addf %add3A_520, %mul3A_579 : vector<16xf32>
        %add3A_581 = arith.constant 50000 : i32
        %add3A_582 = vector.broadcast %add3A_581 : i32 to vector<16xi32>
        %add3A_583 = arith.addi %get3A_544, %add3A_582 : vector<16xi32>
        %gather3A_584 = tpu.vector_load_idx %arg6[%add3A_583] : memref<80000xf32, #tpu.memory_space<vmem>>[vector<16xi32>], vector<16xf32>,
        %mul3A_585 = arith.mulf %gather3A_584, %get3A_550 : vector<16xf32>
        %add3A_586 = arith.addf %add3A_526, %mul3A_585 : vector<16xf32>
        %add3A_587 = arith.constant 60000 : i32
        %add3A_588 = vector.broadcast %add3A_587 : i32 to vector<16xi32>
        %add3A_589 = arith.addi %get3A_544, %add3A_588 : vector<16xi32>
        %gather3A_590 = tpu.vector_load_idx %arg6[%add3A_589] : memref<80000xf32, #tpu.memory_space<vmem>>[vector<16xi32>], vector<16xf32>,
        %mul3A_591 = arith.mulf %gather3A_590, %get3A_550 : vector<16xf32>
        %add3A_592 = arith.addf %add3A_532, %mul3A_591 : vector<16xf32>
        %add3A_593 = arith.constant 70000 : i32
        %add3A_594 = vector.broadcast %add3A_593 : i32 to vector<16xi32>
        %add3A_595 = arith.addi %get3A_544, %add3A_594 : vector<16xi32>
        %gather3A_596 = tpu.vector_load_idx %arg6[%add3A_595] : memref<80000xf32, #tpu.memory_space<vmem>>[vector<16xi32>], vector<16xf32>,
        %mul3A_597 = arith.mulf %gather3A_596, %get3A_550 : vector<16xf32>
        %add3A_598 = arith.addf %add3A_538, %mul3A_597 : vector<16xf32>
        %add3A_599 = arith.constant 32 : i32
        %add3A_600 = arith.addi %mul3A_479, %add3A_599 : i32
        %get3A_601 = arith.constant 0 : i32
        %get3A_602 = arith.index_cast %get3A_601 : i32 to index
        %get3A_603 = arith.index_cast %add3A_600 : i32 to index
        %get3A_604 = tpu.vector_load %arg7[%get3A_602, %get3A_603] {strides = array<i32>} : memref<4x512xi32, #tpu.memory_space<vmem>>, vector<16xi32>,
        %add3A_605 = arith.constant 32 : i32
        %add3A_606 = arith.addi %mul3A_479, %add3A_605 : i32
        %get3A_607 = arith.constant 0 : i32
        %get3A_608 = arith.index_cast %get3A_607 : i32 to index
        %get3A_609 = arith.index_cast %add3A_606 : i32 to index
        %get3A_610 = tpu.vector_load %arg8[%get3A_608, %get3A_609] {strides = array<i32>} : memref<4x640xf32, #tpu.memory_space<vmem>>, vector<16xf32>,
        %add3A_611 = arith.constant 0 : i32
        %add3A_612 = vector.broadcast %add3A_611 : i32 to vector<16xi32>
        %add3A_613 = arith.addi %get3A_604, %add3A_612 : vector<16xi32>
        %gather3A_614 = tpu.vector_load_idx %arg6[%add3A_613] : memref<80000xf32, #tpu.memory_space<vmem>>[vector<16xi32>], vector<16xf32>,
        %mul3A_615 = arith.mulf %gather3A_614, %get3A_610 : vector<16xf32>
        %add3A_616 = arith.addf %add3A_556, %mul3A_615 : vector<16xf32>
        %add3A_617 = arith.constant 10000 : i32
        %add3A_618 = vector.broadcast %add3A_617 : i32 to vector<16xi32>
        %add3A_619 = arith.addi %get3A_604, %add3A_618 : vector<16xi32>
        %gather3A_620 = tpu.vector_load_idx %arg6[%add3A_619] : memref<80000xf32, #tpu.memory_space<vmem>>[vector<16xi32>], vector<16xf32>,
        %mul3A_621 = arith.mulf %gather3A_620, %get3A_610 : vector<16xf32>
        %add3A_622 = arith.addf %add3A_562, %mul3A_621 : vector<16xf32>
        %add3A_623 = arith.constant 20000 : i32
        %add3A_624 = vector.broadcast %add3A_623 : i32 to vector<16xi32>
        %add3A_625 = arith.addi %get3A_604, %add3A_624 : vector<16xi32>
        %gather3A_626 = tpu.vector_load_idx %arg6[%add3A_625] : memref<80000xf32, #tpu.memory_space<vmem>>[vector<16xi32>], vector<16xf32>,
        %mul3A_627 = arith.mulf %gather3A_626, %get3A_610 : vector<16xf32>
        %add3A_628 = arith.addf %add3A_568, %mul3A_627 : vector<16xf32>
        %add3A_629 = arith.constant 30000 : i32
        %add3A_630 = vector.broadcast %add3A_629 : i32 to vector<16xi32>
        %add3A_631 = arith.addi %get3A_604, %add3A_630 : vector<16xi32>
        %gather3A_632 = tpu.vector_load_idx %arg6[%add3A_631] : memref<80000xf32, #tpu.memory_space<vmem>>[vector<16xi32>], vector<16xf32>,
        %mul3A_633 = arith.mulf %gather3A_632, %get3A_610 : vector<16xf32>
        %add3A_634 = arith.addf %add3A_574, %mul3A_633 : vector<16xf32>
        %add3A_635 = arith.constant 40000 : i32
        %add3A_636 = vector.broadcast %add3A_635 : i32 to vector<16xi32>
        %add3A_637 = arith.addi %get3A_604, %add3A_636 : vector<16xi32>
        %gather3A_638 = tpu.vector_load_idx %arg6[%add3A_637] : memref<80000xf32, #tpu.memory_space<vmem>>[vector<16xi32>], vector<16xf32>,
        %mul3A_639 = arith.mulf %gather3A_638, %get3A_610 : vector<16xf32>
        %add3A_640 = arith.addf %add3A_580, %mul3A_639 : vector<16xf32>
        %add3A_641 = arith.constant 50000 : i32
        %add3A_642 = vector.broadcast %add3A_641 : i32 to vector<16xi32>
        %add3A_643 = arith.addi %get3A_604, %add3A_642 : vector<16xi32>
        %gather3A_644 = tpu.vector_load_idx %arg6[%add3A_643] : memref<80000xf32, #tpu.memory_space<vmem>>[vector<16xi32>], vector<16xf32>,
        %mul3A_645 = arith.mulf %gather3A_644, %get3A_610 : vector<16xf32>
        %add3A_646 = arith.addf %add3A_586, %mul3A_645 : vector<16xf32>
        %add3A_647 = arith.constant 60000 : i32
        %add3A_648 = vector.broadcast %add3A_647 : i32 to vector<16xi32>
        %add3A_649 = arith.addi %get3A_604, %add3A_648 : vector<16xi32>
        %gather3A_650 = tpu.vector_load_idx %arg6[%add3A_649] : memref<80000xf32, #tpu.memory_space<vmem>>[vector<16xi32>], vector<16xf32>,
        %mul3A_651 = arith.mulf %gather3A_650, %get3A_610 : vector<16xf32>
        %add3A_652 = arith.addf %add3A_592, %mul3A_651 : vector<16xf32>
        %add3A_653 = arith.constant 70000 : i32
        %add3A_654 = vector.broadcast %add3A_653 : i32 to vector<16xi32>
        %add3A_655 = arith.addi %get3A_604, %add3A_654 : vector<16xi32>
        %gather3A_656 = tpu.vector_load_idx %arg6[%add3A_655] : memref<80000xf32, #tpu.memory_space<vmem>>[vector<16xi32>], vector<16xf32>,
        %mul3A_657 = arith.mulf %gather3A_656, %get3A_610 : vector<16xf32>
        %add3A_658 = arith.addf %add3A_598, %mul3A_657 : vector<16xf32>
        %add3A_659 = arith.constant 48 : i32
        %add3A_660 = arith.addi %mul3A_479, %add3A_659 : i32
        %get3A_661 = arith.constant 0 : i32
        %get3A_662 = arith.index_cast %get3A_661 : i32 to index
        %get3A_663 = arith.index_cast %add3A_660 : i32 to index
        %get3A_664 = tpu.vector_load %arg7[%get3A_662, %get3A_663] {strides = array<i32>} : memref<4x512xi32, #tpu.memory_space<vmem>>, vector<16xi32>,
        %add3A_665 = arith.constant 48 : i32
        %add3A_666 = arith.addi %mul3A_479, %add3A_665 : i32
        %get3A_667 = arith.constant 0 : i32
        %get3A_668 = arith.index_cast %get3A_667 : i32 to index
        %get3A_669 = arith.index_cast %add3A_666 : i32 to index
        %get3A_670 = tpu.vector_load %arg8[%get3A_668, %get3A_669] {strides = array<i32>} : memref<4x640xf32, #tpu.memory_space<vmem>>, vector<16xf32>,
        %add3A_671 = arith.constant 0 : i32
        %add3A_672 = vector.broadcast %add3A_671 : i32 to vector<16xi32>
        %add3A_673 = arith.addi %get3A_664, %add3A_672 : vector<16xi32>
        %gather3A_674 = tpu.vector_load_idx %arg6[%add3A_673] : memref<80000xf32, #tpu.memory_space<vmem>>[vector<16xi32>], vector<16xf32>,
        %mul3A_675 = arith.mulf %gather3A_674, %get3A_670 : vector<16xf32>
        %add3A_676 = arith.addf %add3A_616, %mul3A_675 : vector<16xf32>
        %add3A_677 = arith.constant 10000 : i32
        %add3A_678 = vector.broadcast %add3A_677 : i32 to vector<16xi32>
        %add3A_679 = arith.addi %get3A_664, %add3A_678 : vector<16xi32>
        %gather3A_680 = tpu.vector_load_idx %arg6[%add3A_679] : memref<80000xf32, #tpu.memory_space<vmem>>[vector<16xi32>], vector<16xf32>,
        %mul3A_681 = arith.mulf %gather3A_680, %get3A_670 : vector<16xf32>
        %add3A_682 = arith.addf %add3A_622, %mul3A_681 : vector<16xf32>
        %add3A_683 = arith.constant 20000 : i32
        %add3A_684 = vector.broadcast %add3A_683 : i32 to vector<16xi32>
        %add3A_685 = arith.addi %get3A_664, %add3A_684 : vector<16xi32>
        %gather3A_686 = tpu.vector_load_idx %arg6[%add3A_685] : memref<80000xf32, #tpu.memory_space<vmem>>[vector<16xi32>], vector<16xf32>,
        %mul3A_687 = arith.mulf %gather3A_686, %get3A_670 : vector<16xf32>
        %add3A_688 = arith.addf %add3A_628, %mul3A_687 : vector<16xf32>
        %add3A_689 = arith.constant 30000 : i32
        %add3A_690 = vector.broadcast %add3A_689 : i32 to vector<16xi32>
        %add3A_691 = arith.addi %get3A_664, %add3A_690 : vector<16xi32>
        %gather3A_692 = tpu.vector_load_idx %arg6[%add3A_691] : memref<80000xf32, #tpu.memory_space<vmem>>[vector<16xi32>], vector<16xf32>,
        %mul3A_693 = arith.mulf %gather3A_692, %get3A_670 : vector<16xf32>
        %add3A_694 = arith.addf %add3A_634, %mul3A_693 : vector<16xf32>
        %add3A_695 = arith.constant 40000 : i32
        %add3A_696 = vector.broadcast %add3A_695 : i32 to vector<16xi32>
        %add3A_697 = arith.addi %get3A_664, %add3A_696 : vector<16xi32>
        %gather3A_698 = tpu.vector_load_idx %arg6[%add3A_697] : memref<80000xf32, #tpu.memory_space<vmem>>[vector<16xi32>], vector<16xf32>,
        %mul3A_699 = arith.mulf %gather3A_698, %get3A_670 : vector<16xf32>
        %add3A_700 = arith.addf %add3A_640, %mul3A_699 : vector<16xf32>
        %add3A_701 = arith.constant 50000 : i32
        %add3A_702 = vector.broadcast %add3A_701 : i32 to vector<16xi32>
        %add3A_703 = arith.addi %get3A_664, %add3A_702 : vector<16xi32>
        %gather3A_704 = tpu.vector_load_idx %arg6[%add3A_703] : memref<80000xf32, #tpu.memory_space<vmem>>[vector<16xi32>], vector<16xf32>,
        %mul3A_705 = arith.mulf %gather3A_704, %get3A_670 : vector<16xf32>
        %add3A_706 = arith.addf %add3A_646, %mul3A_705 : vector<16xf32>
        %add3A_707 = arith.constant 60000 : i32
        %add3A_708 = vector.broadcast %add3A_707 : i32 to vector<16xi32>
        %add3A_709 = arith.addi %get3A_664, %add3A_708 : vector<16xi32>
        %gather3A_710 = tpu.vector_load_idx %arg6[%add3A_709] : memref<80000xf32, #tpu.memory_space<vmem>>[vector<16xi32>], vector<16xf32>,
        %mul3A_711 = arith.mulf %gather3A_710, %get3A_670 : vector<16xf32>
        %add3A_712 = arith.addf %add3A_652, %mul3A_711 : vector<16xf32>
        %add3A_713 = arith.constant 70000 : i32
        %add3A_714 = vector.broadcast %add3A_713 : i32 to vector<16xi32>
        %add3A_715 = arith.addi %get3A_664, %add3A_714 : vector<16xi32>
        %gather3A_716 = tpu.vector_load_idx %arg6[%add3A_715] : memref<80000xf32, #tpu.memory_space<vmem>>[vector<16xi32>], vector<16xf32>,
        %mul3A_717 = arith.mulf %gather3A_716, %get3A_670 : vector<16xf32>
        %add3A_718 = arith.addf %add3A_658, %mul3A_717 : vector<16xf32>
        scf.yield %add3A_676, %add3A_682, %add3A_688, %add3A_694, %add3A_700, %add3A_706, %add3A_712, %add3A_718 : vector<16xf32>, vector<16xf32>, vector<16xf32>, vector<16xf32>, vector<16xf32>, vector<16xf32>, vector<16xf32>, vector<16xf32>
      }
      %scan3A_133 = arith.constant 8 : i32
      %mul3A_134 = arith.constant 16 : i32
      %mul3A_135 = arith.muli %add3A_103, %mul3A_134 : i32
      %add3A_136 = arith.constant 0 : i32
      %add3A_137 = arith.addi %add3A_136, %mul3A_135 : i32
      %swap3A = arith.index_cast %add3A_137 : i32 to index
      %swap3A_138 = tpu.vector_load %arg9[%swap3A] {strides = array<i32>} : memref<32768xf32, #tpu.memory_space<vmem>>, vector<16xf32>,
      tpu.vector_store %arg9[%swap3A], %scan3A_132#0 {strides = array<i32>} : memref<32768xf32, #tpu.memory_space<vmem>>, vector<16xf32>,
      %mul3A_139 = arith.constant 16 : i32
      %mul3A_140 = arith.muli %add3A_103, %mul3A_139 : i32
      %add3A_141 = arith.constant 4096 : i32
      %add3A_142 = arith.addi %add3A_141, %mul3A_140 : i32
      %swap3A_143 = arith.index_cast %add3A_142 : i32 to index
      %swap3A_144 = tpu.vector_load %arg9[%swap3A_143] {strides = array<i32>} : memref<32768xf32, #tpu.memory_space<vmem>>, vector<16xf32>,
      tpu.vector_store %arg9[%swap3A_143], %scan3A_132#1 {strides = array<i32>} : memref<32768xf32, #tpu.memory_space<vmem>>, vector<16xf32>,
      %mul3A_145 = arith.constant 16 : i32
      %mul3A_146 = arith.muli %add3A_103, %mul3A_145 : i32
      %add3A_147 = arith.constant 8192 : i32
      %add3A_148 = arith.addi %add3A_147, %mul3A_146 : i32
      %swap3A_149 = arith.index_cast %add3A_148 : i32 to index
      %swap3A_150 = tpu.vector_load %arg9[%swap3A_149] {strides = array<i32>} : memref<32768xf32, #tpu.memory_space<vmem>>, vector<16xf32>,
      tpu.vector_store %arg9[%swap3A_149], %scan3A_132#2 {strides = array<i32>} : memref<32768xf32, #tpu.memory_space<vmem>>, vector<16xf32>,
      %mul3A_151 = arith.constant 16 : i32
      %mul3A_152 = arith.muli %add3A_103, %mul3A_151 : i32
      %add3A_153 = arith.constant 12288 : i32
      %add3A_154 = arith.addi %add3A_153, %mul3A_152 : i32
      %swap3A_155 = arith.index_cast %add3A_154 : i32 to index
      %swap3A_156 = tpu.vector_load %arg9[%swap3A_155] {strides = array<i32>} : memref<32768xf32, #tpu.memory_space<vmem>>, vector<16xf32>,
      tpu.vector_store %arg9[%swap3A_155], %scan3A_132#3 {strides = array<i32>} : memref<32768xf32, #tpu.memory_space<vmem>>, vector<16xf32>,
      %mul3A_157 = arith.constant 16 : i32
      %mul3A_158 = arith.muli %add3A_103, %mul3A_157 : i32
      %add3A_159 = arith.constant 16384 : i32
      %add3A_160 = arith.addi %add3A_159, %mul3A_158 : i32
      %swap3A_161 = arith.index_cast %add3A_160 : i32 to index
      %swap3A_162 = tpu.vector_load %arg9[%swap3A_161] {strides = array<i32>} : memref<32768xf32, #tpu.memory_space<vmem>>, vector<16xf32>,
      tpu.vector_store %arg9[%swap3A_161], %scan3A_132#4 {strides = array<i32>} : memref<32768xf32, #tpu.memory_space<vmem>>, vector<16xf32>,
      %mul3A_163 = arith.constant 16 : i32
      %mul3A_164 = arith.muli %add3A_103, %mul3A_163 : i32
      %add3A_165 = arith.constant 20480 : i32
      %add3A_166 = arith.addi %add3A_165, %mul3A_164 : i32
      %swap3A_167 = arith.index_cast %add3A_166 : i32 to index
      %swap3A_168 = tpu.vector_load %arg9[%swap3A_167] {strides = array<i32>} : memref<32768xf32, #tpu.memory_space<vmem>>, vector<16xf32>,
      tpu.vector_store %arg9[%swap3A_167], %scan3A_132#5 {strides = array<i32>} : memref<32768xf32, #tpu.memory_space<vmem>>, vector<16xf32>,
      %mul3A_169 = arith.constant 16 : i32
      %mul3A_170 = arith.muli %add3A_103, %mul3A_169 : i32
      %add3A_171 = arith.constant 24576 : i32
      %add3A_172 = arith.addi %add3A_171, %mul3A_170 : i32
      %swap3A_173 = arith.index_cast %add3A_172 : i32 to index
      %swap3A_174 = tpu.vector_load %arg9[%swap3A_173] {strides = array<i32>} : memref<32768xf32, #tpu.memory_space<vmem>>, vector<16xf32>,
      tpu.vector_store %arg9[%swap3A_173], %scan3A_132#6 {strides = array<i32>} : memref<32768xf32, #tpu.memory_space<vmem>>, vector<16xf32>,
      %mul3A_175 = arith.constant 16 : i32
      %mul3A_176 = arith.muli %add3A_103, %mul3A_175 : i32
      %add3A_177 = arith.constant 28672 : i32
      %add3A_178 = arith.addi %add3A_177, %mul3A_176 : i32
      %swap3A_179 = arith.index_cast %add3A_178 : i32 to index
      %swap3A_180 = tpu.vector_load %arg9[%swap3A_179] {strides = array<i32>} : memref<32768xf32, #tpu.memory_space<vmem>>, vector<16xf32>,
      tpu.vector_store %arg9[%swap3A_179], %scan3A_132#7 {strides = array<i32>} : memref<32768xf32, #tpu.memory_space<vmem>>, vector<16xf32>,
      %sub3A = arith.constant 1 : i32
      %sub3A_181 = arith.subi %add3A_103, %sub3A : i32
      %add3A_182 = arith.constant 4 : i32
      %add3A_183 = arith.addi %sub3A_181, %add3A_182 : i32
      %ge3A = arith.constant 1 : i32
      %ge3A_184 = arith.cmpi sge, %add3A_103, %ge3A : i32
      %lt3A = arith.constant 256 : i32
      %lt3A_185 = arith.cmpi slt, %add3A_183, %lt3A : i32
      %and3A = arith.andi %ge3A_184, %lt3A_185 : i1
      %convert_element_type3A = arith.extui %and3A : i1 to i32
      %cond3A = arith.constant 0 : i32
      %cond3A_186 = arith.cmpi ne, %convert_element_type3A, %cond3A : i32
      scf.if %cond3A_186 {
        %mul3A_469 = arith.constant 512 : i32
        %mul3A_470 = arith.muli %add3A_183, %mul3A_469 : i32
        %mul3A_471 = arith.constant 640 : i32
        %mul3A_472 = arith.muli %add3A_183, %mul3A_471 : i32
        %dma_start3A_473 = arith.constant 3 : i32
        %dma_start3A_474 = arith.constant 0 : i32
        %dma_start3A_475 = tpu.memref_slice %arg7[%dma_start3A_473, %dma_start3A_474] : memref<4x512xi32, #tpu.memory_space<vmem>> -> memref<1x512xi32, #tpu.memory_space<vmem>>
        %dma_start3A_476 = tpu.memref_squeeze %dma_start3A_475 : memref<1x512xi32, #tpu.memory_space<vmem>> -> memref<512xi32, #tpu.memory_space<vmem>>
        %dma_start3A_477 = tpu.memref_slice %arg3[%mul3A_470] : memref<131072xi32, #tpu.memory_space<hbm>> -> memref<512xi32, #tpu.memory_space<hbm>>
        %dma_start3A_478 = arith.constant 0 : i32
        %dma_start3A_479 = tpu.memref_slice %arg7[%dma_start3A_473, %dma_start3A_478] : memref<4x512xi32, #tpu.memory_space<vmem>> -> memref<1x512xi32, #tpu.memory_space<vmem>>
        %dma_start3A_480 = tpu.memref_squeeze %dma_start3A_479 : memref<1x512xi32, #tpu.memory_space<vmem>> -> memref<512xi32, #tpu.memory_space<vmem>>
        %dma_start3A_481 = tpu.memref_slice %arg3[%mul3A_470] : memref<131072xi32, #tpu.memory_space<hbm>> -> memref<512xi32, #tpu.memory_space<hbm>>
        tpu.enqueue_dma source(%dma_start3A_481 : memref<512xi32, #tpu.memory_space<hbm>>) target(%dma_start3A_480 : memref<512xi32, #tpu.memory_space<vmem>>) target_semaphore(%arg13 : memref<!tpu.dma_semaphore, #tpu.memory_space<semaphore_mem>>)
        %dma_start3A_482 = arith.constant 3 : i32
        %dma_start3A_483 = arith.constant 0 : i32
        %dma_start3A_484 = tpu.memref_slice %arg8[%dma_start3A_482, %dma_start3A_483] : memref<4x640xf32, #tpu.memory_space<vmem>> -> memref<1x640xf32, #tpu.memory_space<vmem>>
        %dma_start3A_485 = tpu.memref_squeeze %dma_start3A_484 : memref<1x640xf32, #tpu.memory_space<vmem>> -> memref<640xf32, #tpu.memory_space<vmem>>
        %dma_start3A_486 = tpu.memref_slice %arg4[%mul3A_472] : memref<163840xf32, #tpu.memory_space<hbm>> -> memref<640xf32, #tpu.memory_space<hbm>>
        %dma_start3A_487 = arith.constant 0 : i32
        %dma_start3A_488 = tpu.memref_slice %arg8[%dma_start3A_482, %dma_start3A_487] : memref<4x640xf32, #tpu.memory_space<vmem>> -> memref<1x640xf32, #tpu.memory_space<vmem>>
        %dma_start3A_489 = tpu.memref_squeeze %dma_start3A_488 : memref<1x640xf32, #tpu.memory_space<vmem>> -> memref<640xf32, #tpu.memory_space<vmem>>
        %dma_start3A_490 = tpu.memref_slice %arg4[%mul3A_472] : memref<163840xf32, #tpu.memory_space<hbm>> -> memref<640xf32, #tpu.memory_space<hbm>>
        tpu.enqueue_dma source(%dma_start3A_490 : memref<640xf32, #tpu.memory_space<hbm>>) target(%dma_start3A_489 : memref<640xf32, #tpu.memory_space<vmem>>) target_semaphore(%arg13 : memref<!tpu.dma_semaphore, #tpu.memory_space<semaphore_mem>>)
      } else {
      }
      %add3A_187 = arith.constant 1 : i32
      %add3A_188 = arith.addi %mul3A_101, %add3A_187 : i32
      %mul3A_189 = arith.constant 512 : i32
      %mul3A_190 = arith.muli %add3A_188, %mul3A_189 : i32
      %mul3A_191 = arith.constant 640 : i32
      %mul3A_192 = arith.muli %add3A_188, %mul3A_191 : i32
      %dma_wait3A_193 = arith.constant 1 : i32
      %dma_wait3A_194 = arith.constant 0 : i32
      %dma_wait3A_195 = tpu.memref_slice %arg7[%dma_wait3A_193, %dma_wait3A_194] : memref<4x512xi32, #tpu.memory_space<vmem>> -> memref<1x512xi32, #tpu.memory_space<vmem>>
      %dma_wait3A_196 = tpu.memref_squeeze %dma_wait3A_195 : memref<1x512xi32, #tpu.memory_space<vmem>> -> memref<512xi32, #tpu.memory_space<vmem>>
      %dma_wait3A_197 = tpu.memref_slice %arg3[%mul3A_190] : memref<131072xi32, #tpu.memory_space<hbm>> -> memref<512xi32, #tpu.memory_space<hbm>>
      %dma_wait3A_198 = arith.constant 0 : i32
      %dma_wait3A_199 = tpu.memref_slice %arg7[%dma_wait3A_193, %dma_wait3A_198] : memref<4x512xi32, #tpu.memory_space<vmem>> -> memref<1x512xi32, #tpu.memory_space<vmem>>
      %dma_wait3A_200 = tpu.memref_squeeze %dma_wait3A_199 : memref<1x512xi32, #tpu.memory_space<vmem>> -> memref<512xi32, #tpu.memory_space<vmem>>
      %dma_wait3A_201 = tpu.memref_slice %arg3[%mul3A_190] : memref<131072xi32, #tpu.memory_space<hbm>> -> memref<512xi32, #tpu.memory_space<hbm>>
      tpu.wait_dma2 semaphore(%arg11 : memref<!tpu.dma_semaphore, #tpu.memory_space<semaphore_mem>>) src(%dma_wait3A_201 : memref<512xi32, #tpu.memory_space<hbm>>) dst(%dma_wait3A_200 : memref<512xi32, #tpu.memory_space<vmem>>)
      %dma_wait3A_202 = arith.constant 1 : i32
      %dma_wait3A_203 = arith.constant 0 : i32
      %dma_wait3A_204 = tpu.memref_slice %arg8[%dma_wait3A_202, %dma_wait3A_203] : memref<4x640xf32, #tpu.memory_space<vmem>> -> memref<1x640xf32, #tpu.memory_space<vmem>>
      %dma_wait3A_205 = tpu.memref_squeeze %dma_wait3A_204 : memref<1x640xf32, #tpu.memory_space<vmem>> -> memref<640xf32, #tpu.memory_space<vmem>>
      %dma_wait3A_206 = tpu.memref_slice %arg4[%mul3A_192] : memref<163840xf32, #tpu.memory_space<hbm>> -> memref<640xf32, #tpu.memory_space<hbm>>
      %dma_wait3A_207 = arith.constant 0 : i32
      %dma_wait3A_208 = tpu.memref_slice %arg8[%dma_wait3A_202, %dma_wait3A_207] : memref<4x640xf32, #tpu.memory_space<vmem>> -> memref<1x640xf32, #tpu.memory_space<vmem>>
      %dma_wait3A_209 = tpu.memref_squeeze %dma_wait3A_208 : memref<1x640xf32, #tpu.memory_space<vmem>> -> memref<640xf32, #tpu.memory_space<vmem>>
      %dma_wait3A_210 = tpu.memref_slice %arg4[%mul3A_192] : memref<163840xf32, #tpu.memory_space<hbm>> -> memref<640xf32, #tpu.memory_space<hbm>>
      tpu.wait_dma2 semaphore(%arg11 : memref<!tpu.dma_semaphore, #tpu.memory_space<semaphore_mem>>) src(%dma_wait3A_210 : memref<640xf32, #tpu.memory_space<hbm>>) dst(%dma_wait3A_209 : memref<640xf32, #tpu.memory_space<vmem>>)
      %get3A_211 = arith.constant 1 : i32
      %get3A_212 = arith.index_cast %get3A_211 : i32 to index
      %get3A_213 = arith.constant 512 : index
      %get3A_214 = tpu.vector_load %arg8[%get3A_212, %get3A_213] {strides = array<i32>} : memref<4x640xf32, #tpu.memory_space<vmem>>, vector<16xf32>,
      %scan3A_215 = arith.constant 0 : i32
      %scan3A_216 = arith.constant 8 : i32
      %scan3A_217 = arith.addi %scan3A_215, %scan3A_216 : i32
      %scan3A_218 = arith.constant 1 : i32
      %scan3A_219:8 = scf.for %scan3A_469 = %scan3A_215 to %scan3A_217 step %scan3A_218 iter_args(%scan3A_470 = %get3A_214, %scan3A_471 = %get3A_214, %scan3A_472 = %get3A_214, %scan3A_473 = %get3A_214, %scan3A_474 = %get3A_214, %scan3A_475 = %get3A_214, %scan3A_476 = %get3A_214, %scan3A_477 = %get3A_214) -> (vector<16xf32>, vector<16xf32>, vector<16xf32>, vector<16xf32>, vector<16xf32>, vector<16xf32>, vector<16xf32>, vector<16xf32>)  : i32 {
        %mul3A_478 = arith.constant 64 : i32
        %mul3A_479 = arith.muli %scan3A_469, %mul3A_478 : i32
        %add3A_480 = arith.constant 0 : i32
        %add3A_481 = arith.addi %mul3A_479, %add3A_480 : i32
        %get3A_482 = arith.constant 1 : i32
        %get3A_483 = arith.index_cast %get3A_482 : i32 to index
        %get3A_484 = arith.index_cast %add3A_481 : i32 to index
        %get3A_485 = tpu.vector_load %arg7[%get3A_483, %get3A_484] {strides = array<i32>} : memref<4x512xi32, #tpu.memory_space<vmem>>, vector<16xi32>,
        %add3A_486 = arith.constant 0 : i32
        %add3A_487 = arith.addi %mul3A_479, %add3A_486 : i32
        %get3A_488 = arith.constant 1 : i32
        %get3A_489 = arith.index_cast %get3A_488 : i32 to index
        %get3A_490 = arith.index_cast %add3A_487 : i32 to index
        %get3A_491 = tpu.vector_load %arg8[%get3A_489, %get3A_490] {strides = array<i32>} : memref<4x640xf32, #tpu.memory_space<vmem>>, vector<16xf32>,
        %add3A_492 = arith.constant 0 : i32
        %add3A_493 = vector.broadcast %add3A_492 : i32 to vector<16xi32>
        %add3A_494 = arith.addi %get3A_485, %add3A_493 : vector<16xi32>
        %gather3A = tpu.vector_load_idx %arg6[%add3A_494] : memref<80000xf32, #tpu.memory_space<vmem>>[vector<16xi32>], vector<16xf32>,
        %mul3A_495 = arith.mulf %gather3A, %get3A_491 : vector<16xf32>
        %add3A_496 = arith.addf %scan3A_470, %mul3A_495 : vector<16xf32>
        %add3A_497 = arith.constant 10000 : i32
        %add3A_498 = vector.broadcast %add3A_497 : i32 to vector<16xi32>
        %add3A_499 = arith.addi %get3A_485, %add3A_498 : vector<16xi32>
        %gather3A_500 = tpu.vector_load_idx %arg6[%add3A_499] : memref<80000xf32, #tpu.memory_space<vmem>>[vector<16xi32>], vector<16xf32>,
        %mul3A_501 = arith.mulf %gather3A_500, %get3A_491 : vector<16xf32>
        %add3A_502 = arith.addf %scan3A_471, %mul3A_501 : vector<16xf32>
        %add3A_503 = arith.constant 20000 : i32
        %add3A_504 = vector.broadcast %add3A_503 : i32 to vector<16xi32>
        %add3A_505 = arith.addi %get3A_485, %add3A_504 : vector<16xi32>
        %gather3A_506 = tpu.vector_load_idx %arg6[%add3A_505] : memref<80000xf32, #tpu.memory_space<vmem>>[vector<16xi32>], vector<16xf32>,
        %mul3A_507 = arith.mulf %gather3A_506, %get3A_491 : vector<16xf32>
        %add3A_508 = arith.addf %scan3A_472, %mul3A_507 : vector<16xf32>
        %add3A_509 = arith.constant 30000 : i32
        %add3A_510 = vector.broadcast %add3A_509 : i32 to vector<16xi32>
        %add3A_511 = arith.addi %get3A_485, %add3A_510 : vector<16xi32>
        %gather3A_512 = tpu.vector_load_idx %arg6[%add3A_511] : memref<80000xf32, #tpu.memory_space<vmem>>[vector<16xi32>], vector<16xf32>,
        %mul3A_513 = arith.mulf %gather3A_512, %get3A_491 : vector<16xf32>
        %add3A_514 = arith.addf %scan3A_473, %mul3A_513 : vector<16xf32>
        %add3A_515 = arith.constant 40000 : i32
        %add3A_516 = vector.broadcast %add3A_515 : i32 to vector<16xi32>
        %add3A_517 = arith.addi %get3A_485, %add3A_516 : vector<16xi32>
        %gather3A_518 = tpu.vector_load_idx %arg6[%add3A_517] : memref<80000xf32, #tpu.memory_space<vmem>>[vector<16xi32>], vector<16xf32>,
        %mul3A_519 = arith.mulf %gather3A_518, %get3A_491 : vector<16xf32>
        %add3A_520 = arith.addf %scan3A_474, %mul3A_519 : vector<16xf32>
        %add3A_521 = arith.constant 50000 : i32
        %add3A_522 = vector.broadcast %add3A_521 : i32 to vector<16xi32>
        %add3A_523 = arith.addi %get3A_485, %add3A_522 : vector<16xi32>
        %gather3A_524 = tpu.vector_load_idx %arg6[%add3A_523] : memref<80000xf32, #tpu.memory_space<vmem>>[vector<16xi32>], vector<16xf32>,
        %mul3A_525 = arith.mulf %gather3A_524, %get3A_491 : vector<16xf32>
        %add3A_526 = arith.addf %scan3A_475, %mul3A_525 : vector<16xf32>
        %add3A_527 = arith.constant 60000 : i32
        %add3A_528 = vector.broadcast %add3A_527 : i32 to vector<16xi32>
        %add3A_529 = arith.addi %get3A_485, %add3A_528 : vector<16xi32>
        %gather3A_530 = tpu.vector_load_idx %arg6[%add3A_529] : memref<80000xf32, #tpu.memory_space<vmem>>[vector<16xi32>], vector<16xf32>,
        %mul3A_531 = arith.mulf %gather3A_530, %get3A_491 : vector<16xf32>
        %add3A_532 = arith.addf %scan3A_476, %mul3A_531 : vector<16xf32>
        %add3A_533 = arith.constant 70000 : i32
        %add3A_534 = vector.broadcast %add3A_533 : i32 to vector<16xi32>
        %add3A_535 = arith.addi %get3A_485, %add3A_534 : vector<16xi32>
        %gather3A_536 = tpu.vector_load_idx %arg6[%add3A_535] : memref<80000xf32, #tpu.memory_space<vmem>>[vector<16xi32>], vector<16xf32>,
        %mul3A_537 = arith.mulf %gather3A_536, %get3A_491 : vector<16xf32>
        %add3A_538 = arith.addf %scan3A_477, %mul3A_537 : vector<16xf32>
        %add3A_539 = arith.constant 16 : i32
        %add3A_540 = arith.addi %mul3A_479, %add3A_539 : i32
        %get3A_541 = arith.constant 1 : i32
        %get3A_542 = arith.index_cast %get3A_541 : i32 to index
        %get3A_543 = arith.index_cast %add3A_540 : i32 to index
        %get3A_544 = tpu.vector_load %arg7[%get3A_542, %get3A_543] {strides = array<i32>} : memref<4x512xi32, #tpu.memory_space<vmem>>, vector<16xi32>,
        %add3A_545 = arith.constant 16 : i32
        %add3A_546 = arith.addi %mul3A_479, %add3A_545 : i32
        %get3A_547 = arith.constant 1 : i32
        %get3A_548 = arith.index_cast %get3A_547 : i32 to index
        %get3A_549 = arith.index_cast %add3A_546 : i32 to index
        %get3A_550 = tpu.vector_load %arg8[%get3A_548, %get3A_549] {strides = array<i32>} : memref<4x640xf32, #tpu.memory_space<vmem>>, vector<16xf32>,
        %add3A_551 = arith.constant 0 : i32
        %add3A_552 = vector.broadcast %add3A_551 : i32 to vector<16xi32>
        %add3A_553 = arith.addi %get3A_544, %add3A_552 : vector<16xi32>
        %gather3A_554 = tpu.vector_load_idx %arg6[%add3A_553] : memref<80000xf32, #tpu.memory_space<vmem>>[vector<16xi32>], vector<16xf32>,
        %mul3A_555 = arith.mulf %gather3A_554, %get3A_550 : vector<16xf32>
        %add3A_556 = arith.addf %add3A_496, %mul3A_555 : vector<16xf32>
        %add3A_557 = arith.constant 10000 : i32
        %add3A_558 = vector.broadcast %add3A_557 : i32 to vector<16xi32>
        %add3A_559 = arith.addi %get3A_544, %add3A_558 : vector<16xi32>
        %gather3A_560 = tpu.vector_load_idx %arg6[%add3A_559] : memref<80000xf32, #tpu.memory_space<vmem>>[vector<16xi32>], vector<16xf32>,
        %mul3A_561 = arith.mulf %gather3A_560, %get3A_550 : vector<16xf32>
        %add3A_562 = arith.addf %add3A_502, %mul3A_561 : vector<16xf32>
        %add3A_563 = arith.constant 20000 : i32
        %add3A_564 = vector.broadcast %add3A_563 : i32 to vector<16xi32>
        %add3A_565 = arith.addi %get3A_544, %add3A_564 : vector<16xi32>
        %gather3A_566 = tpu.vector_load_idx %arg6[%add3A_565] : memref<80000xf32, #tpu.memory_space<vmem>>[vector<16xi32>], vector<16xf32>,
        %mul3A_567 = arith.mulf %gather3A_566, %get3A_550 : vector<16xf32>
        %add3A_568 = arith.addf %add3A_508, %mul3A_567 : vector<16xf32>
        %add3A_569 = arith.constant 30000 : i32
        %add3A_570 = vector.broadcast %add3A_569 : i32 to vector<16xi32>
        %add3A_571 = arith.addi %get3A_544, %add3A_570 : vector<16xi32>
        %gather3A_572 = tpu.vector_load_idx %arg6[%add3A_571] : memref<80000xf32, #tpu.memory_space<vmem>>[vector<16xi32>], vector<16xf32>,
        %mul3A_573 = arith.mulf %gather3A_572, %get3A_550 : vector<16xf32>
        %add3A_574 = arith.addf %add3A_514, %mul3A_573 : vector<16xf32>
        %add3A_575 = arith.constant 40000 : i32
        %add3A_576 = vector.broadcast %add3A_575 : i32 to vector<16xi32>
        %add3A_577 = arith.addi %get3A_544, %add3A_576 : vector<16xi32>
        %gather3A_578 = tpu.vector_load_idx %arg6[%add3A_577] : memref<80000xf32, #tpu.memory_space<vmem>>[vector<16xi32>], vector<16xf32>,
        %mul3A_579 = arith.mulf %gather3A_578, %get3A_550 : vector<16xf32>
        %add3A_580 = arith.addf %add3A_520, %mul3A_579 : vector<16xf32>
        %add3A_581 = arith.constant 50000 : i32
        %add3A_582 = vector.broadcast %add3A_581 : i32 to vector<16xi32>
        %add3A_583 = arith.addi %get3A_544, %add3A_582 : vector<16xi32>
        %gather3A_584 = tpu.vector_load_idx %arg6[%add3A_583] : memref<80000xf32, #tpu.memory_space<vmem>>[vector<16xi32>], vector<16xf32>,
        %mul3A_585 = arith.mulf %gather3A_584, %get3A_550 : vector<16xf32>
        %add3A_586 = arith.addf %add3A_526, %mul3A_585 : vector<16xf32>
        %add3A_587 = arith.constant 60000 : i32
        %add3A_588 = vector.broadcast %add3A_587 : i32 to vector<16xi32>
        %add3A_589 = arith.addi %get3A_544, %add3A_588 : vector<16xi32>
        %gather3A_590 = tpu.vector_load_idx %arg6[%add3A_589] : memref<80000xf32, #tpu.memory_space<vmem>>[vector<16xi32>], vector<16xf32>,
        %mul3A_591 = arith.mulf %gather3A_590, %get3A_550 : vector<16xf32>
        %add3A_592 = arith.addf %add3A_532, %mul3A_591 : vector<16xf32>
        %add3A_593 = arith.constant 70000 : i32
        %add3A_594 = vector.broadcast %add3A_593 : i32 to vector<16xi32>
        %add3A_595 = arith.addi %get3A_544, %add3A_594 : vector<16xi32>
        %gather3A_596 = tpu.vector_load_idx %arg6[%add3A_595] : memref<80000xf32, #tpu.memory_space<vmem>>[vector<16xi32>], vector<16xf32>,
        %mul3A_597 = arith.mulf %gather3A_596, %get3A_550 : vector<16xf32>
        %add3A_598 = arith.addf %add3A_538, %mul3A_597 : vector<16xf32>
        %add3A_599 = arith.constant 32 : i32
        %add3A_600 = arith.addi %mul3A_479, %add3A_599 : i32
        %get3A_601 = arith.constant 1 : i32
        %get3A_602 = arith.index_cast %get3A_601 : i32 to index
        %get3A_603 = arith.index_cast %add3A_600 : i32 to index
        %get3A_604 = tpu.vector_load %arg7[%get3A_602, %get3A_603] {strides = array<i32>} : memref<4x512xi32, #tpu.memory_space<vmem>>, vector<16xi32>,
        %add3A_605 = arith.constant 32 : i32
        %add3A_606 = arith.addi %mul3A_479, %add3A_605 : i32
        %get3A_607 = arith.constant 1 : i32
        %get3A_608 = arith.index_cast %get3A_607 : i32 to index
        %get3A_609 = arith.index_cast %add3A_606 : i32 to index
        %get3A_610 = tpu.vector_load %arg8[%get3A_608, %get3A_609] {strides = array<i32>} : memref<4x640xf32, #tpu.memory_space<vmem>>, vector<16xf32>,
        %add3A_611 = arith.constant 0 : i32
        %add3A_612 = vector.broadcast %add3A_611 : i32 to vector<16xi32>
        %add3A_613 = arith.addi %get3A_604, %add3A_612 : vector<16xi32>
        %gather3A_614 = tpu.vector_load_idx %arg6[%add3A_613] : memref<80000xf32, #tpu.memory_space<vmem>>[vector<16xi32>], vector<16xf32>,
        %mul3A_615 = arith.mulf %gather3A_614, %get3A_610 : vector<16xf32>
        %add3A_616 = arith.addf %add3A_556, %mul3A_615 : vector<16xf32>
        %add3A_617 = arith.constant 10000 : i32
        %add3A_618 = vector.broadcast %add3A_617 : i32 to vector<16xi32>
        %add3A_619 = arith.addi %get3A_604, %add3A_618 : vector<16xi32>
        %gather3A_620 = tpu.vector_load_idx %arg6[%add3A_619] : memref<80000xf32, #tpu.memory_space<vmem>>[vector<16xi32>], vector<16xf32>,
        %mul3A_621 = arith.mulf %gather3A_620, %get3A_610 : vector<16xf32>
        %add3A_622 = arith.addf %add3A_562, %mul3A_621 : vector<16xf32>
        %add3A_623 = arith.constant 20000 : i32
        %add3A_624 = vector.broadcast %add3A_623 : i32 to vector<16xi32>
        %add3A_625 = arith.addi %get3A_604, %add3A_624 : vector<16xi32>
        %gather3A_626 = tpu.vector_load_idx %arg6[%add3A_625] : memref<80000xf32, #tpu.memory_space<vmem>>[vector<16xi32>], vector<16xf32>,
        %mul3A_627 = arith.mulf %gather3A_626, %get3A_610 : vector<16xf32>
        %add3A_628 = arith.addf %add3A_568, %mul3A_627 : vector<16xf32>
        %add3A_629 = arith.constant 30000 : i32
        %add3A_630 = vector.broadcast %add3A_629 : i32 to vector<16xi32>
        %add3A_631 = arith.addi %get3A_604, %add3A_630 : vector<16xi32>
        %gather3A_632 = tpu.vector_load_idx %arg6[%add3A_631] : memref<80000xf32, #tpu.memory_space<vmem>>[vector<16xi32>], vector<16xf32>,
        %mul3A_633 = arith.mulf %gather3A_632, %get3A_610 : vector<16xf32>
        %add3A_634 = arith.addf %add3A_574, %mul3A_633 : vector<16xf32>
        %add3A_635 = arith.constant 40000 : i32
        %add3A_636 = vector.broadcast %add3A_635 : i32 to vector<16xi32>
        %add3A_637 = arith.addi %get3A_604, %add3A_636 : vector<16xi32>
        %gather3A_638 = tpu.vector_load_idx %arg6[%add3A_637] : memref<80000xf32, #tpu.memory_space<vmem>>[vector<16xi32>], vector<16xf32>,
        %mul3A_639 = arith.mulf %gather3A_638, %get3A_610 : vector<16xf32>
        %add3A_640 = arith.addf %add3A_580, %mul3A_639 : vector<16xf32>
        %add3A_641 = arith.constant 50000 : i32
        %add3A_642 = vector.broadcast %add3A_641 : i32 to vector<16xi32>
        %add3A_643 = arith.addi %get3A_604, %add3A_642 : vector<16xi32>
        %gather3A_644 = tpu.vector_load_idx %arg6[%add3A_643] : memref<80000xf32, #tpu.memory_space<vmem>>[vector<16xi32>], vector<16xf32>,
        %mul3A_645 = arith.mulf %gather3A_644, %get3A_610 : vector<16xf32>
        %add3A_646 = arith.addf %add3A_586, %mul3A_645 : vector<16xf32>
        %add3A_647 = arith.constant 60000 : i32
        %add3A_648 = vector.broadcast %add3A_647 : i32 to vector<16xi32>
        %add3A_649 = arith.addi %get3A_604, %add3A_648 : vector<16xi32>
        %gather3A_650 = tpu.vector_load_idx %arg6[%add3A_649] : memref<80000xf32, #tpu.memory_space<vmem>>[vector<16xi32>], vector<16xf32>,
        %mul3A_651 = arith.mulf %gather3A_650, %get3A_610 : vector<16xf32>
        %add3A_652 = arith.addf %add3A_592, %mul3A_651 : vector<16xf32>
        %add3A_653 = arith.constant 70000 : i32
        %add3A_654 = vector.broadcast %add3A_653 : i32 to vector<16xi32>
        %add3A_655 = arith.addi %get3A_604, %add3A_654 : vector<16xi32>
        %gather3A_656 = tpu.vector_load_idx %arg6[%add3A_655] : memref<80000xf32, #tpu.memory_space<vmem>>[vector<16xi32>], vector<16xf32>,
        %mul3A_657 = arith.mulf %gather3A_656, %get3A_610 : vector<16xf32>
        %add3A_658 = arith.addf %add3A_598, %mul3A_657 : vector<16xf32>
        %add3A_659 = arith.constant 48 : i32
        %add3A_660 = arith.addi %mul3A_479, %add3A_659 : i32
        %get3A_661 = arith.constant 1 : i32
        %get3A_662 = arith.index_cast %get3A_661 : i32 to index
        %get3A_663 = arith.index_cast %add3A_660 : i32 to index
        %get3A_664 = tpu.vector_load %arg7[%get3A_662, %get3A_663] {strides = array<i32>} : memref<4x512xi32, #tpu.memory_space<vmem>>, vector<16xi32>,
        %add3A_665 = arith.constant 48 : i32
        %add3A_666 = arith.addi %mul3A_479, %add3A_665 : i32
        %get3A_667 = arith.constant 1 : i32
        %get3A_668 = arith.index_cast %get3A_667 : i32 to index
        %get3A_669 = arith.index_cast %add3A_666 : i32 to index
        %get3A_670 = tpu.vector_load %arg8[%get3A_668, %get3A_669] {strides = array<i32>} : memref<4x640xf32, #tpu.memory_space<vmem>>, vector<16xf32>,
        %add3A_671 = arith.constant 0 : i32
        %add3A_672 = vector.broadcast %add3A_671 : i32 to vector<16xi32>
        %add3A_673 = arith.addi %get3A_664, %add3A_672 : vector<16xi32>
        %gather3A_674 = tpu.vector_load_idx %arg6[%add3A_673] : memref<80000xf32, #tpu.memory_space<vmem>>[vector<16xi32>], vector<16xf32>,
        %mul3A_675 = arith.mulf %gather3A_674, %get3A_670 : vector<16xf32>
        %add3A_676 = arith.addf %add3A_616, %mul3A_675 : vector<16xf32>
        %add3A_677 = arith.constant 10000 : i32
        %add3A_678 = vector.broadcast %add3A_677 : i32 to vector<16xi32>
        %add3A_679 = arith.addi %get3A_664, %add3A_678 : vector<16xi32>
        %gather3A_680 = tpu.vector_load_idx %arg6[%add3A_679] : memref<80000xf32, #tpu.memory_space<vmem>>[vector<16xi32>], vector<16xf32>,
        %mul3A_681 = arith.mulf %gather3A_680, %get3A_670 : vector<16xf32>
        %add3A_682 = arith.addf %add3A_622, %mul3A_681 : vector<16xf32>
        %add3A_683 = arith.constant 20000 : i32
        %add3A_684 = vector.broadcast %add3A_683 : i32 to vector<16xi32>
        %add3A_685 = arith.addi %get3A_664, %add3A_684 : vector<16xi32>
        %gather3A_686 = tpu.vector_load_idx %arg6[%add3A_685] : memref<80000xf32, #tpu.memory_space<vmem>>[vector<16xi32>], vector<16xf32>,
        %mul3A_687 = arith.mulf %gather3A_686, %get3A_670 : vector<16xf32>
        %add3A_688 = arith.addf %add3A_628, %mul3A_687 : vector<16xf32>
        %add3A_689 = arith.constant 30000 : i32
        %add3A_690 = vector.broadcast %add3A_689 : i32 to vector<16xi32>
        %add3A_691 = arith.addi %get3A_664, %add3A_690 : vector<16xi32>
        %gather3A_692 = tpu.vector_load_idx %arg6[%add3A_691] : memref<80000xf32, #tpu.memory_space<vmem>>[vector<16xi32>], vector<16xf32>,
        %mul3A_693 = arith.mulf %gather3A_692, %get3A_670 : vector<16xf32>
        %add3A_694 = arith.addf %add3A_634, %mul3A_693 : vector<16xf32>
        %add3A_695 = arith.constant 40000 : i32
        %add3A_696 = vector.broadcast %add3A_695 : i32 to vector<16xi32>
        %add3A_697 = arith.addi %get3A_664, %add3A_696 : vector<16xi32>
        %gather3A_698 = tpu.vector_load_idx %arg6[%add3A_697] : memref<80000xf32, #tpu.memory_space<vmem>>[vector<16xi32>], vector<16xf32>,
        %mul3A_699 = arith.mulf %gather3A_698, %get3A_670 : vector<16xf32>
        %add3A_700 = arith.addf %add3A_640, %mul3A_699 : vector<16xf32>
        %add3A_701 = arith.constant 50000 : i32
        %add3A_702 = vector.broadcast %add3A_701 : i32 to vector<16xi32>
        %add3A_703 = arith.addi %get3A_664, %add3A_702 : vector<16xi32>
        %gather3A_704 = tpu.vector_load_idx %arg6[%add3A_703] : memref<80000xf32, #tpu.memory_space<vmem>>[vector<16xi32>], vector<16xf32>,
        %mul3A_705 = arith.mulf %gather3A_704, %get3A_670 : vector<16xf32>
        %add3A_706 = arith.addf %add3A_646, %mul3A_705 : vector<16xf32>
        %add3A_707 = arith.constant 60000 : i32
        %add3A_708 = vector.broadcast %add3A_707 : i32 to vector<16xi32>
        %add3A_709 = arith.addi %get3A_664, %add3A_708 : vector<16xi32>
        %gather3A_710 = tpu.vector_load_idx %arg6[%add3A_709] : memref<80000xf32, #tpu.memory_space<vmem>>[vector<16xi32>], vector<16xf32>,
        %mul3A_711 = arith.mulf %gather3A_710, %get3A_670 : vector<16xf32>
        %add3A_712 = arith.addf %add3A_652, %mul3A_711 : vector<16xf32>
        %add3A_713 = arith.constant 70000 : i32
        %add3A_714 = vector.broadcast %add3A_713 : i32 to vector<16xi32>
        %add3A_715 = arith.addi %get3A_664, %add3A_714 : vector<16xi32>
        %gather3A_716 = tpu.vector_load_idx %arg6[%add3A_715] : memref<80000xf32, #tpu.memory_space<vmem>>[vector<16xi32>], vector<16xf32>,
        %mul3A_717 = arith.mulf %gather3A_716, %get3A_670 : vector<16xf32>
        %add3A_718 = arith.addf %add3A_658, %mul3A_717 : vector<16xf32>
        scf.yield %add3A_676, %add3A_682, %add3A_688, %add3A_694, %add3A_700, %add3A_706, %add3A_712, %add3A_718 : vector<16xf32>, vector<16xf32>, vector<16xf32>, vector<16xf32>, vector<16xf32>, vector<16xf32>, vector<16xf32>, vector<16xf32>
      }
      %scan3A_220 = arith.constant 8 : i32
      %mul3A_221 = arith.constant 16 : i32
      %mul3A_222 = arith.muli %add3A_188, %mul3A_221 : i32
      %add3A_223 = arith.constant 0 : i32
      %add3A_224 = arith.addi %add3A_223, %mul3A_222 : i32
      %swap3A_225 = arith.index_cast %add3A_224 : i32 to index
      %swap3A_226 = tpu.vector_load %arg9[%swap3A_225] {strides = array<i32>} : memref<32768xf32, #tpu.memory_space<vmem>>, vector<16xf32>,
      tpu.vector_store %arg9[%swap3A_225], %scan3A_219#0 {strides = array<i32>} : memref<32768xf32, #tpu.memory_space<vmem>>, vector<16xf32>,
      %mul3A_227 = arith.constant 16 : i32
      %mul3A_228 = arith.muli %add3A_188, %mul3A_227 : i32
      %add3A_229 = arith.constant 4096 : i32
      %add3A_230 = arith.addi %add3A_229, %mul3A_228 : i32
      %swap3A_231 = arith.index_cast %add3A_230 : i32 to index
      %swap3A_232 = tpu.vector_load %arg9[%swap3A_231] {strides = array<i32>} : memref<32768xf32, #tpu.memory_space<vmem>>, vector<16xf32>,
      tpu.vector_store %arg9[%swap3A_231], %scan3A_219#1 {strides = array<i32>} : memref<32768xf32, #tpu.memory_space<vmem>>, vector<16xf32>,
      %mul3A_233 = arith.constant 16 : i32
      %mul3A_234 = arith.muli %add3A_188, %mul3A_233 : i32
      %add3A_235 = arith.constant 8192 : i32
      %add3A_236 = arith.addi %add3A_235, %mul3A_234 : i32
      %swap3A_237 = arith.index_cast %add3A_236 : i32 to index
      %swap3A_238 = tpu.vector_load %arg9[%swap3A_237] {strides = array<i32>} : memref<32768xf32, #tpu.memory_space<vmem>>, vector<16xf32>,
      tpu.vector_store %arg9[%swap3A_237], %scan3A_219#2 {strides = array<i32>} : memref<32768xf32, #tpu.memory_space<vmem>>, vector<16xf32>,
      %mul3A_239 = arith.constant 16 : i32
      %mul3A_240 = arith.muli %add3A_188, %mul3A_239 : i32
      %add3A_241 = arith.constant 12288 : i32
      %add3A_242 = arith.addi %add3A_241, %mul3A_240 : i32
      %swap3A_243 = arith.index_cast %add3A_242 : i32 to index
      %swap3A_244 = tpu.vector_load %arg9[%swap3A_243] {strides = array<i32>} : memref<32768xf32, #tpu.memory_space<vmem>>, vector<16xf32>,
      tpu.vector_store %arg9[%swap3A_243], %scan3A_219#3 {strides = array<i32>} : memref<32768xf32, #tpu.memory_space<vmem>>, vector<16xf32>,
      %mul3A_245 = arith.constant 16 : i32
      %mul3A_246 = arith.muli %add3A_188, %mul3A_245 : i32
      %add3A_247 = arith.constant 16384 : i32
      %add3A_248 = arith.addi %add3A_247, %mul3A_246 : i32
      %swap3A_249 = arith.index_cast %add3A_248 : i32 to index
      %swap3A_250 = tpu.vector_load %arg9[%swap3A_249] {strides = array<i32>} : memref<32768xf32, #tpu.memory_space<vmem>>, vector<16xf32>,
      tpu.vector_store %arg9[%swap3A_249], %scan3A_219#4 {strides = array<i32>} : memref<32768xf32, #tpu.memory_space<vmem>>, vector<16xf32>,
      %mul3A_251 = arith.constant 16 : i32
      %mul3A_252 = arith.muli %add3A_188, %mul3A_251 : i32
      %add3A_253 = arith.constant 20480 : i32
      %add3A_254 = arith.addi %add3A_253, %mul3A_252 : i32
      %swap3A_255 = arith.index_cast %add3A_254 : i32 to index
      %swap3A_256 = tpu.vector_load %arg9[%swap3A_255] {strides = array<i32>} : memref<32768xf32, #tpu.memory_space<vmem>>, vector<16xf32>,
      tpu.vector_store %arg9[%swap3A_255], %scan3A_219#5 {strides = array<i32>} : memref<32768xf32, #tpu.memory_space<vmem>>, vector<16xf32>,
      %mul3A_257 = arith.constant 16 : i32
      %mul3A_258 = arith.muli %add3A_188, %mul3A_257 : i32
      %add3A_259 = arith.constant 24576 : i32
      %add3A_260 = arith.addi %add3A_259, %mul3A_258 : i32
      %swap3A_261 = arith.index_cast %add3A_260 : i32 to index
      %swap3A_262 = tpu.vector_load %arg9[%swap3A_261] {strides = array<i32>} : memref<32768xf32, #tpu.memory_space<vmem>>, vector<16xf32>,
      tpu.vector_store %arg9[%swap3A_261], %scan3A_219#6 {strides = array<i32>} : memref<32768xf32, #tpu.memory_space<vmem>>, vector<16xf32>,
      %mul3A_263 = arith.constant 16 : i32
      %mul3A_264 = arith.muli %add3A_188, %mul3A_263 : i32
      %add3A_265 = arith.constant 28672 : i32
      %add3A_266 = arith.addi %add3A_265, %mul3A_264 : i32
      %swap3A_267 = arith.index_cast %add3A_266 : i32 to index
      %swap3A_268 = tpu.vector_load %arg9[%swap3A_267] {strides = array<i32>} : memref<32768xf32, #tpu.memory_space<vmem>>, vector<16xf32>,
      tpu.vector_store %arg9[%swap3A_267], %scan3A_219#7 {strides = array<i32>} : memref<32768xf32, #tpu.memory_space<vmem>>, vector<16xf32>,
      %sub3A_269 = arith.constant 1 : i32
      %sub3A_270 = arith.subi %add3A_188, %sub3A_269 : i32
      %add3A_271 = arith.constant 4 : i32
      %add3A_272 = arith.addi %sub3A_270, %add3A_271 : i32
      %ge3A_273 = arith.constant 1 : i32
      %ge3A_274 = arith.cmpi sge, %add3A_188, %ge3A_273 : i32
      %lt3A_275 = arith.constant 256 : i32
      %lt3A_276 = arith.cmpi slt, %add3A_272, %lt3A_275 : i32
      %and3A_277 = arith.andi %ge3A_274, %lt3A_276 : i1
      %convert_element_type3A_278 = arith.extui %and3A_277 : i1 to i32
      %cond3A_279 = arith.constant 0 : i32
      %cond3A_280 = arith.cmpi ne, %convert_element_type3A_278, %cond3A_279 : i32
      scf.if %cond3A_280 {
        %mul3A_469 = arith.constant 512 : i32
        %mul3A_470 = arith.muli %add3A_272, %mul3A_469 : i32
        %mul3A_471 = arith.constant 640 : i32
        %mul3A_472 = arith.muli %add3A_272, %mul3A_471 : i32
        %dma_start3A_473 = arith.constant 0 : i32
        %dma_start3A_474 = arith.constant 0 : i32
        %dma_start3A_475 = tpu.memref_slice %arg7[%dma_start3A_473, %dma_start3A_474] : memref<4x512xi32, #tpu.memory_space<vmem>> -> memref<1x512xi32, #tpu.memory_space<vmem>>
        %dma_start3A_476 = tpu.memref_squeeze %dma_start3A_475 : memref<1x512xi32, #tpu.memory_space<vmem>> -> memref<512xi32, #tpu.memory_space<vmem>>
        %dma_start3A_477 = tpu.memref_slice %arg3[%mul3A_470] : memref<131072xi32, #tpu.memory_space<hbm>> -> memref<512xi32, #tpu.memory_space<hbm>>
        %dma_start3A_478 = arith.constant 0 : i32
        %dma_start3A_479 = tpu.memref_slice %arg7[%dma_start3A_473, %dma_start3A_478] : memref<4x512xi32, #tpu.memory_space<vmem>> -> memref<1x512xi32, #tpu.memory_space<vmem>>
        %dma_start3A_480 = tpu.memref_squeeze %dma_start3A_479 : memref<1x512xi32, #tpu.memory_space<vmem>> -> memref<512xi32, #tpu.memory_space<vmem>>
        %dma_start3A_481 = tpu.memref_slice %arg3[%mul3A_470] : memref<131072xi32, #tpu.memory_space<hbm>> -> memref<512xi32, #tpu.memory_space<hbm>>
        tpu.enqueue_dma source(%dma_start3A_481 : memref<512xi32, #tpu.memory_space<hbm>>) target(%dma_start3A_480 : memref<512xi32, #tpu.memory_space<vmem>>) target_semaphore(%arg10 : memref<!tpu.dma_semaphore, #tpu.memory_space<semaphore_mem>>)
        %dma_start3A_482 = arith.constant 0 : i32
        %dma_start3A_483 = arith.constant 0 : i32
        %dma_start3A_484 = tpu.memref_slice %arg8[%dma_start3A_482, %dma_start3A_483] : memref<4x640xf32, #tpu.memory_space<vmem>> -> memref<1x640xf32, #tpu.memory_space<vmem>>
        %dma_start3A_485 = tpu.memref_squeeze %dma_start3A_484 : memref<1x640xf32, #tpu.memory_space<vmem>> -> memref<640xf32, #tpu.memory_space<vmem>>
        %dma_start3A_486 = tpu.memref_slice %arg4[%mul3A_472] : memref<163840xf32, #tpu.memory_space<hbm>> -> memref<640xf32, #tpu.memory_space<hbm>>
        %dma_start3A_487 = arith.constant 0 : i32
        %dma_start3A_488 = tpu.memref_slice %arg8[%dma_start3A_482, %dma_start3A_487] : memref<4x640xf32, #tpu.memory_space<vmem>> -> memref<1x640xf32, #tpu.memory_space<vmem>>
        %dma_start3A_489 = tpu.memref_squeeze %dma_start3A_488 : memref<1x640xf32, #tpu.memory_space<vmem>> -> memref<640xf32, #tpu.memory_space<vmem>>
        %dma_start3A_490 = tpu.memref_slice %arg4[%mul3A_472] : memref<163840xf32, #tpu.memory_space<hbm>> -> memref<640xf32, #tpu.memory_space<hbm>>
        tpu.enqueue_dma source(%dma_start3A_490 : memref<640xf32, #tpu.memory_space<hbm>>) target(%dma_start3A_489 : memref<640xf32, #tpu.memory_space<vmem>>) target_semaphore(%arg10 : memref<!tpu.dma_semaphore, #tpu.memory_space<semaphore_mem>>)
      } else {
      }
      %add3A_281 = arith.constant 2 : i32
      %add3A_282 = arith.addi %mul3A_101, %add3A_281 : i32
      %mul3A_283 = arith.constant 512 : i32
      %mul3A_284 = arith.muli %add3A_282, %mul3A_283 : i32
      %mul3A_285 = arith.constant 640 : i32
      %mul3A_286 = arith.muli %add3A_282, %mul3A_285 : i32
      %dma_wait3A_287 = arith.constant 2 : i32
      %dma_wait3A_288 = arith.constant 0 : i32
      %dma_wait3A_289 = tpu.memref_slice %arg7[%dma_wait3A_287, %dma_wait3A_288] : memref<4x512xi32, #tpu.memory_space<vmem>> -> memref<1x512xi32, #tpu.memory_space<vmem>>
      %dma_wait3A_290 = tpu.memref_squeeze %dma_wait3A_289 : memref<1x512xi32, #tpu.memory_space<vmem>> -> memref<512xi32, #tpu.memory_space<vmem>>
      %dma_wait3A_291 = tpu.memref_slice %arg3[%mul3A_284] : memref<131072xi32, #tpu.memory_space<hbm>> -> memref<512xi32, #tpu.memory_space<hbm>>
      %dma_wait3A_292 = arith.constant 0 : i32
      %dma_wait3A_293 = tpu.memref_slice %arg7[%dma_wait3A_287, %dma_wait3A_292] : memref<4x512xi32, #tpu.memory_space<vmem>> -> memref<1x512xi32, #tpu.memory_space<vmem>>
      %dma_wait3A_294 = tpu.memref_squeeze %dma_wait3A_293 : memref<1x512xi32, #tpu.memory_space<vmem>> -> memref<512xi32, #tpu.memory_space<vmem>>
      %dma_wait3A_295 = tpu.memref_slice %arg3[%mul3A_284] : memref<131072xi32, #tpu.memory_space<hbm>> -> memref<512xi32, #tpu.memory_space<hbm>>
      tpu.wait_dma2 semaphore(%arg12 : memref<!tpu.dma_semaphore, #tpu.memory_space<semaphore_mem>>) src(%dma_wait3A_295 : memref<512xi32, #tpu.memory_space<hbm>>) dst(%dma_wait3A_294 : memref<512xi32, #tpu.memory_space<vmem>>)
      %dma_wait3A_296 = arith.constant 2 : i32
      %dma_wait3A_297 = arith.constant 0 : i32
      %dma_wait3A_298 = tpu.memref_slice %arg8[%dma_wait3A_296, %dma_wait3A_297] : memref<4x640xf32, #tpu.memory_space<vmem>> -> memref<1x640xf32, #tpu.memory_space<vmem>>
      %dma_wait3A_299 = tpu.memref_squeeze %dma_wait3A_298 : memref<1x640xf32, #tpu.memory_space<vmem>> -> memref<640xf32, #tpu.memory_space<vmem>>
      %dma_wait3A_300 = tpu.memref_slice %arg4[%mul3A_286] : memref<163840xf32, #tpu.memory_space<hbm>> -> memref<640xf32, #tpu.memory_space<hbm>>
      %dma_wait3A_301 = arith.constant 0 : i32
      %dma_wait3A_302 = tpu.memref_slice %arg8[%dma_wait3A_296, %dma_wait3A_301] : memref<4x640xf32, #tpu.memory_space<vmem>> -> memref<1x640xf32, #tpu.memory_space<vmem>>
      %dma_wait3A_303 = tpu.memref_squeeze %dma_wait3A_302 : memref<1x640xf32, #tpu.memory_space<vmem>> -> memref<640xf32, #tpu.memory_space<vmem>>
      %dma_wait3A_304 = tpu.memref_slice %arg4[%mul3A_286] : memref<163840xf32, #tpu.memory_space<hbm>> -> memref<640xf32, #tpu.memory_space<hbm>>
      tpu.wait_dma2 semaphore(%arg12 : memref<!tpu.dma_semaphore, #tpu.memory_space<semaphore_mem>>) src(%dma_wait3A_304 : memref<640xf32, #tpu.memory_space<hbm>>) dst(%dma_wait3A_303 : memref<640xf32, #tpu.memory_space<vmem>>)
      %get3A_305 = arith.constant 2 : i32
      %get3A_306 = arith.index_cast %get3A_305 : i32 to index
      %get3A_307 = arith.constant 512 : index
      %get3A_308 = tpu.vector_load %arg8[%get3A_306, %get3A_307] {strides = array<i32>} : memref<4x640xf32, #tpu.memory_space<vmem>>, vector<16xf32>,
      %scan3A_309 = arith.constant 0 : i32
      %scan3A_310 = arith.constant 8 : i32
      %scan3A_311 = arith.addi %scan3A_309, %scan3A_310 : i32
      %scan3A_312 = arith.constant 1 : i32
      %scan3A_313:8 = scf.for %scan3A_469 = %scan3A_309 to %scan3A_311 step %scan3A_312 iter_args(%scan3A_470 = %get3A_308, %scan3A_471 = %get3A_308, %scan3A_472 = %get3A_308, %scan3A_473 = %get3A_308, %scan3A_474 = %get3A_308, %scan3A_475 = %get3A_308, %scan3A_476 = %get3A_308, %scan3A_477 = %get3A_308) -> (vector<16xf32>, vector<16xf32>, vector<16xf32>, vector<16xf32>, vector<16xf32>, vector<16xf32>, vector<16xf32>, vector<16xf32>)  : i32 {
        %mul3A_478 = arith.constant 64 : i32
        %mul3A_479 = arith.muli %scan3A_469, %mul3A_478 : i32
        %add3A_480 = arith.constant 0 : i32
        %add3A_481 = arith.addi %mul3A_479, %add3A_480 : i32
        %get3A_482 = arith.constant 2 : i32
        %get3A_483 = arith.index_cast %get3A_482 : i32 to index
        %get3A_484 = arith.index_cast %add3A_481 : i32 to index
        %get3A_485 = tpu.vector_load %arg7[%get3A_483, %get3A_484] {strides = array<i32>} : memref<4x512xi32, #tpu.memory_space<vmem>>, vector<16xi32>,
        %add3A_486 = arith.constant 0 : i32
        %add3A_487 = arith.addi %mul3A_479, %add3A_486 : i32
        %get3A_488 = arith.constant 2 : i32
        %get3A_489 = arith.index_cast %get3A_488 : i32 to index
        %get3A_490 = arith.index_cast %add3A_487 : i32 to index
        %get3A_491 = tpu.vector_load %arg8[%get3A_489, %get3A_490] {strides = array<i32>} : memref<4x640xf32, #tpu.memory_space<vmem>>, vector<16xf32>,
        %add3A_492 = arith.constant 0 : i32
        %add3A_493 = vector.broadcast %add3A_492 : i32 to vector<16xi32>
        %add3A_494 = arith.addi %get3A_485, %add3A_493 : vector<16xi32>
        %gather3A = tpu.vector_load_idx %arg6[%add3A_494] : memref<80000xf32, #tpu.memory_space<vmem>>[vector<16xi32>], vector<16xf32>,
        %mul3A_495 = arith.mulf %gather3A, %get3A_491 : vector<16xf32>
        %add3A_496 = arith.addf %scan3A_470, %mul3A_495 : vector<16xf32>
        %add3A_497 = arith.constant 10000 : i32
        %add3A_498 = vector.broadcast %add3A_497 : i32 to vector<16xi32>
        %add3A_499 = arith.addi %get3A_485, %add3A_498 : vector<16xi32>
        %gather3A_500 = tpu.vector_load_idx %arg6[%add3A_499] : memref<80000xf32, #tpu.memory_space<vmem>>[vector<16xi32>], vector<16xf32>,
        %mul3A_501 = arith.mulf %gather3A_500, %get3A_491 : vector<16xf32>
        %add3A_502 = arith.addf %scan3A_471, %mul3A_501 : vector<16xf32>
        %add3A_503 = arith.constant 20000 : i32
        %add3A_504 = vector.broadcast %add3A_503 : i32 to vector<16xi32>
        %add3A_505 = arith.addi %get3A_485, %add3A_504 : vector<16xi32>
        %gather3A_506 = tpu.vector_load_idx %arg6[%add3A_505] : memref<80000xf32, #tpu.memory_space<vmem>>[vector<16xi32>], vector<16xf32>,
        %mul3A_507 = arith.mulf %gather3A_506, %get3A_491 : vector<16xf32>
        %add3A_508 = arith.addf %scan3A_472, %mul3A_507 : vector<16xf32>
        %add3A_509 = arith.constant 30000 : i32
        %add3A_510 = vector.broadcast %add3A_509 : i32 to vector<16xi32>
        %add3A_511 = arith.addi %get3A_485, %add3A_510 : vector<16xi32>
        %gather3A_512 = tpu.vector_load_idx %arg6[%add3A_511] : memref<80000xf32, #tpu.memory_space<vmem>>[vector<16xi32>], vector<16xf32>,
        %mul3A_513 = arith.mulf %gather3A_512, %get3A_491 : vector<16xf32>
        %add3A_514 = arith.addf %scan3A_473, %mul3A_513 : vector<16xf32>
        %add3A_515 = arith.constant 40000 : i32
        %add3A_516 = vector.broadcast %add3A_515 : i32 to vector<16xi32>
        %add3A_517 = arith.addi %get3A_485, %add3A_516 : vector<16xi32>
        %gather3A_518 = tpu.vector_load_idx %arg6[%add3A_517] : memref<80000xf32, #tpu.memory_space<vmem>>[vector<16xi32>], vector<16xf32>,
        %mul3A_519 = arith.mulf %gather3A_518, %get3A_491 : vector<16xf32>
        %add3A_520 = arith.addf %scan3A_474, %mul3A_519 : vector<16xf32>
        %add3A_521 = arith.constant 50000 : i32
        %add3A_522 = vector.broadcast %add3A_521 : i32 to vector<16xi32>
        %add3A_523 = arith.addi %get3A_485, %add3A_522 : vector<16xi32>
        %gather3A_524 = tpu.vector_load_idx %arg6[%add3A_523] : memref<80000xf32, #tpu.memory_space<vmem>>[vector<16xi32>], vector<16xf32>,
        %mul3A_525 = arith.mulf %gather3A_524, %get3A_491 : vector<16xf32>
        %add3A_526 = arith.addf %scan3A_475, %mul3A_525 : vector<16xf32>
        %add3A_527 = arith.constant 60000 : i32
        %add3A_528 = vector.broadcast %add3A_527 : i32 to vector<16xi32>
        %add3A_529 = arith.addi %get3A_485, %add3A_528 : vector<16xi32>
        %gather3A_530 = tpu.vector_load_idx %arg6[%add3A_529] : memref<80000xf32, #tpu.memory_space<vmem>>[vector<16xi32>], vector<16xf32>,
        %mul3A_531 = arith.mulf %gather3A_530, %get3A_491 : vector<16xf32>
        %add3A_532 = arith.addf %scan3A_476, %mul3A_531 : vector<16xf32>
        %add3A_533 = arith.constant 70000 : i32
        %add3A_534 = vector.broadcast %add3A_533 : i32 to vector<16xi32>
        %add3A_535 = arith.addi %get3A_485, %add3A_534 : vector<16xi32>
        %gather3A_536 = tpu.vector_load_idx %arg6[%add3A_535] : memref<80000xf32, #tpu.memory_space<vmem>>[vector<16xi32>], vector<16xf32>,
        %mul3A_537 = arith.mulf %gather3A_536, %get3A_491 : vector<16xf32>
        %add3A_538 = arith.addf %scan3A_477, %mul3A_537 : vector<16xf32>
        %add3A_539 = arith.constant 16 : i32
        %add3A_540 = arith.addi %mul3A_479, %add3A_539 : i32
        %get3A_541 = arith.constant 2 : i32
        %get3A_542 = arith.index_cast %get3A_541 : i32 to index
        %get3A_543 = arith.index_cast %add3A_540 : i32 to index
        %get3A_544 = tpu.vector_load %arg7[%get3A_542, %get3A_543] {strides = array<i32>} : memref<4x512xi32, #tpu.memory_space<vmem>>, vector<16xi32>,
        %add3A_545 = arith.constant 16 : i32
        %add3A_546 = arith.addi %mul3A_479, %add3A_545 : i32
        %get3A_547 = arith.constant 2 : i32
        %get3A_548 = arith.index_cast %get3A_547 : i32 to index
        %get3A_549 = arith.index_cast %add3A_546 : i32 to index
        %get3A_550 = tpu.vector_load %arg8[%get3A_548, %get3A_549] {strides = array<i32>} : memref<4x640xf32, #tpu.memory_space<vmem>>, vector<16xf32>,
        %add3A_551 = arith.constant 0 : i32
        %add3A_552 = vector.broadcast %add3A_551 : i32 to vector<16xi32>
        %add3A_553 = arith.addi %get3A_544, %add3A_552 : vector<16xi32>
        %gather3A_554 = tpu.vector_load_idx %arg6[%add3A_553] : memref<80000xf32, #tpu.memory_space<vmem>>[vector<16xi32>], vector<16xf32>,
        %mul3A_555 = arith.mulf %gather3A_554, %get3A_550 : vector<16xf32>
        %add3A_556 = arith.addf %add3A_496, %mul3A_555 : vector<16xf32>
        %add3A_557 = arith.constant 10000 : i32
        %add3A_558 = vector.broadcast %add3A_557 : i32 to vector<16xi32>
        %add3A_559 = arith.addi %get3A_544, %add3A_558 : vector<16xi32>
        %gather3A_560 = tpu.vector_load_idx %arg6[%add3A_559] : memref<80000xf32, #tpu.memory_space<vmem>>[vector<16xi32>], vector<16xf32>,
        %mul3A_561 = arith.mulf %gather3A_560, %get3A_550 : vector<16xf32>
        %add3A_562 = arith.addf %add3A_502, %mul3A_561 : vector<16xf32>
        %add3A_563 = arith.constant 20000 : i32
        %add3A_564 = vector.broadcast %add3A_563 : i32 to vector<16xi32>
        %add3A_565 = arith.addi %get3A_544, %add3A_564 : vector<16xi32>
        %gather3A_566 = tpu.vector_load_idx %arg6[%add3A_565] : memref<80000xf32, #tpu.memory_space<vmem>>[vector<16xi32>], vector<16xf32>,
        %mul3A_567 = arith.mulf %gather3A_566, %get3A_550 : vector<16xf32>
        %add3A_568 = arith.addf %add3A_508, %mul3A_567 : vector<16xf32>
        %add3A_569 = arith.constant 30000 : i32
        %add3A_570 = vector.broadcast %add3A_569 : i32 to vector<16xi32>
        %add3A_571 = arith.addi %get3A_544, %add3A_570 : vector<16xi32>
        %gather3A_572 = tpu.vector_load_idx %arg6[%add3A_571] : memref<80000xf32, #tpu.memory_space<vmem>>[vector<16xi32>], vector<16xf32>,
        %mul3A_573 = arith.mulf %gather3A_572, %get3A_550 : vector<16xf32>
        %add3A_574 = arith.addf %add3A_514, %mul3A_573 : vector<16xf32>
        %add3A_575 = arith.constant 40000 : i32
        %add3A_576 = vector.broadcast %add3A_575 : i32 to vector<16xi32>
        %add3A_577 = arith.addi %get3A_544, %add3A_576 : vector<16xi32>
        %gather3A_578 = tpu.vector_load_idx %arg6[%add3A_577] : memref<80000xf32, #tpu.memory_space<vmem>>[vector<16xi32>], vector<16xf32>,
        %mul3A_579 = arith.mulf %gather3A_578, %get3A_550 : vector<16xf32>
        %add3A_580 = arith.addf %add3A_520, %mul3A_579 : vector<16xf32>
        %add3A_581 = arith.constant 50000 : i32
        %add3A_582 = vector.broadcast %add3A_581 : i32 to vector<16xi32>
        %add3A_583 = arith.addi %get3A_544, %add3A_582 : vector<16xi32>
        %gather3A_584 = tpu.vector_load_idx %arg6[%add3A_583] : memref<80000xf32, #tpu.memory_space<vmem>>[vector<16xi32>], vector<16xf32>,
        %mul3A_585 = arith.mulf %gather3A_584, %get3A_550 : vector<16xf32>
        %add3A_586 = arith.addf %add3A_526, %mul3A_585 : vector<16xf32>
        %add3A_587 = arith.constant 60000 : i32
        %add3A_588 = vector.broadcast %add3A_587 : i32 to vector<16xi32>
        %add3A_589 = arith.addi %get3A_544, %add3A_588 : vector<16xi32>
        %gather3A_590 = tpu.vector_load_idx %arg6[%add3A_589] : memref<80000xf32, #tpu.memory_space<vmem>>[vector<16xi32>], vector<16xf32>,
        %mul3A_591 = arith.mulf %gather3A_590, %get3A_550 : vector<16xf32>
        %add3A_592 = arith.addf %add3A_532, %mul3A_591 : vector<16xf32>
        %add3A_593 = arith.constant 70000 : i32
        %add3A_594 = vector.broadcast %add3A_593 : i32 to vector<16xi32>
        %add3A_595 = arith.addi %get3A_544, %add3A_594 : vector<16xi32>
        %gather3A_596 = tpu.vector_load_idx %arg6[%add3A_595] : memref<80000xf32, #tpu.memory_space<vmem>>[vector<16xi32>], vector<16xf32>,
        %mul3A_597 = arith.mulf %gather3A_596, %get3A_550 : vector<16xf32>
        %add3A_598 = arith.addf %add3A_538, %mul3A_597 : vector<16xf32>
        %add3A_599 = arith.constant 32 : i32
        %add3A_600 = arith.addi %mul3A_479, %add3A_599 : i32
        %get3A_601 = arith.constant 2 : i32
        %get3A_602 = arith.index_cast %get3A_601 : i32 to index
        %get3A_603 = arith.index_cast %add3A_600 : i32 to index
        %get3A_604 = tpu.vector_load %arg7[%get3A_602, %get3A_603] {strides = array<i32>} : memref<4x512xi32, #tpu.memory_space<vmem>>, vector<16xi32>,
        %add3A_605 = arith.constant 32 : i32
        %add3A_606 = arith.addi %mul3A_479, %add3A_605 : i32
        %get3A_607 = arith.constant 2 : i32
        %get3A_608 = arith.index_cast %get3A_607 : i32 to index
        %get3A_609 = arith.index_cast %add3A_606 : i32 to index
        %get3A_610 = tpu.vector_load %arg8[%get3A_608, %get3A_609] {strides = array<i32>} : memref<4x640xf32, #tpu.memory_space<vmem>>, vector<16xf32>,
        %add3A_611 = arith.constant 0 : i32
        %add3A_612 = vector.broadcast %add3A_611 : i32 to vector<16xi32>
        %add3A_613 = arith.addi %get3A_604, %add3A_612 : vector<16xi32>
        %gather3A_614 = tpu.vector_load_idx %arg6[%add3A_613] : memref<80000xf32, #tpu.memory_space<vmem>>[vector<16xi32>], vector<16xf32>,
        %mul3A_615 = arith.mulf %gather3A_614, %get3A_610 : vector<16xf32>
        %add3A_616 = arith.addf %add3A_556, %mul3A_615 : vector<16xf32>
        %add3A_617 = arith.constant 10000 : i32
        %add3A_618 = vector.broadcast %add3A_617 : i32 to vector<16xi32>
        %add3A_619 = arith.addi %get3A_604, %add3A_618 : vector<16xi32>
        %gather3A_620 = tpu.vector_load_idx %arg6[%add3A_619] : memref<80000xf32, #tpu.memory_space<vmem>>[vector<16xi32>], vector<16xf32>,
        %mul3A_621 = arith.mulf %gather3A_620, %get3A_610 : vector<16xf32>
        %add3A_622 = arith.addf %add3A_562, %mul3A_621 : vector<16xf32>
        %add3A_623 = arith.constant 20000 : i32
        %add3A_624 = vector.broadcast %add3A_623 : i32 to vector<16xi32>
        %add3A_625 = arith.addi %get3A_604, %add3A_624 : vector<16xi32>
        %gather3A_626 = tpu.vector_load_idx %arg6[%add3A_625] : memref<80000xf32, #tpu.memory_space<vmem>>[vector<16xi32>], vector<16xf32>,
        %mul3A_627 = arith.mulf %gather3A_626, %get3A_610 : vector<16xf32>
        %add3A_628 = arith.addf %add3A_568, %mul3A_627 : vector<16xf32>
        %add3A_629 = arith.constant 30000 : i32
        %add3A_630 = vector.broadcast %add3A_629 : i32 to vector<16xi32>
        %add3A_631 = arith.addi %get3A_604, %add3A_630 : vector<16xi32>
        %gather3A_632 = tpu.vector_load_idx %arg6[%add3A_631] : memref<80000xf32, #tpu.memory_space<vmem>>[vector<16xi32>], vector<16xf32>,
        %mul3A_633 = arith.mulf %gather3A_632, %get3A_610 : vector<16xf32>
        %add3A_634 = arith.addf %add3A_574, %mul3A_633 : vector<16xf32>
        %add3A_635 = arith.constant 40000 : i32
        %add3A_636 = vector.broadcast %add3A_635 : i32 to vector<16xi32>
        %add3A_637 = arith.addi %get3A_604, %add3A_636 : vector<16xi32>
        %gather3A_638 = tpu.vector_load_idx %arg6[%add3A_637] : memref<80000xf32, #tpu.memory_space<vmem>>[vector<16xi32>], vector<16xf32>,
        %mul3A_639 = arith.mulf %gather3A_638, %get3A_610 : vector<16xf32>
        %add3A_640 = arith.addf %add3A_580, %mul3A_639 : vector<16xf32>
        %add3A_641 = arith.constant 50000 : i32
        %add3A_642 = vector.broadcast %add3A_641 : i32 to vector<16xi32>
        %add3A_643 = arith.addi %get3A_604, %add3A_642 : vector<16xi32>
        %gather3A_644 = tpu.vector_load_idx %arg6[%add3A_643] : memref<80000xf32, #tpu.memory_space<vmem>>[vector<16xi32>], vector<16xf32>,
        %mul3A_645 = arith.mulf %gather3A_644, %get3A_610 : vector<16xf32>
        %add3A_646 = arith.addf %add3A_586, %mul3A_645 : vector<16xf32>
        %add3A_647 = arith.constant 60000 : i32
        %add3A_648 = vector.broadcast %add3A_647 : i32 to vector<16xi32>
        %add3A_649 = arith.addi %get3A_604, %add3A_648 : vector<16xi32>
        %gather3A_650 = tpu.vector_load_idx %arg6[%add3A_649] : memref<80000xf32, #tpu.memory_space<vmem>>[vector<16xi32>], vector<16xf32>,
        %mul3A_651 = arith.mulf %gather3A_650, %get3A_610 : vector<16xf32>
        %add3A_652 = arith.addf %add3A_592, %mul3A_651 : vector<16xf32>
        %add3A_653 = arith.constant 70000 : i32
        %add3A_654 = vector.broadcast %add3A_653 : i32 to vector<16xi32>
        %add3A_655 = arith.addi %get3A_604, %add3A_654 : vector<16xi32>
        %gather3A_656 = tpu.vector_load_idx %arg6[%add3A_655] : memref<80000xf32, #tpu.memory_space<vmem>>[vector<16xi32>], vector<16xf32>,
        %mul3A_657 = arith.mulf %gather3A_656, %get3A_610 : vector<16xf32>
        %add3A_658 = arith.addf %add3A_598, %mul3A_657 : vector<16xf32>
        %add3A_659 = arith.constant 48 : i32
        %add3A_660 = arith.addi %mul3A_479, %add3A_659 : i32
        %get3A_661 = arith.constant 2 : i32
        %get3A_662 = arith.index_cast %get3A_661 : i32 to index
        %get3A_663 = arith.index_cast %add3A_660 : i32 to index
        %get3A_664 = tpu.vector_load %arg7[%get3A_662, %get3A_663] {strides = array<i32>} : memref<4x512xi32, #tpu.memory_space<vmem>>, vector<16xi32>,
        %add3A_665 = arith.constant 48 : i32
        %add3A_666 = arith.addi %mul3A_479, %add3A_665 : i32
        %get3A_667 = arith.constant 2 : i32
        %get3A_668 = arith.index_cast %get3A_667 : i32 to index
        %get3A_669 = arith.index_cast %add3A_666 : i32 to index
        %get3A_670 = tpu.vector_load %arg8[%get3A_668, %get3A_669] {strides = array<i32>} : memref<4x640xf32, #tpu.memory_space<vmem>>, vector<16xf32>,
        %add3A_671 = arith.constant 0 : i32
        %add3A_672 = vector.broadcast %add3A_671 : i32 to vector<16xi32>
        %add3A_673 = arith.addi %get3A_664, %add3A_672 : vector<16xi32>
        %gather3A_674 = tpu.vector_load_idx %arg6[%add3A_673] : memref<80000xf32, #tpu.memory_space<vmem>>[vector<16xi32>], vector<16xf32>,
        %mul3A_675 = arith.mulf %gather3A_674, %get3A_670 : vector<16xf32>
        %add3A_676 = arith.addf %add3A_616, %mul3A_675 : vector<16xf32>
        %add3A_677 = arith.constant 10000 : i32
        %add3A_678 = vector.broadcast %add3A_677 : i32 to vector<16xi32>
        %add3A_679 = arith.addi %get3A_664, %add3A_678 : vector<16xi32>
        %gather3A_680 = tpu.vector_load_idx %arg6[%add3A_679] : memref<80000xf32, #tpu.memory_space<vmem>>[vector<16xi32>], vector<16xf32>,
        %mul3A_681 = arith.mulf %gather3A_680, %get3A_670 : vector<16xf32>
        %add3A_682 = arith.addf %add3A_622, %mul3A_681 : vector<16xf32>
        %add3A_683 = arith.constant 20000 : i32
        %add3A_684 = vector.broadcast %add3A_683 : i32 to vector<16xi32>
        %add3A_685 = arith.addi %get3A_664, %add3A_684 : vector<16xi32>
        %gather3A_686 = tpu.vector_load_idx %arg6[%add3A_685] : memref<80000xf32, #tpu.memory_space<vmem>>[vector<16xi32>], vector<16xf32>,
        %mul3A_687 = arith.mulf %gather3A_686, %get3A_670 : vector<16xf32>
        %add3A_688 = arith.addf %add3A_628, %mul3A_687 : vector<16xf32>
        %add3A_689 = arith.constant 30000 : i32
        %add3A_690 = vector.broadcast %add3A_689 : i32 to vector<16xi32>
        %add3A_691 = arith.addi %get3A_664, %add3A_690 : vector<16xi32>
        %gather3A_692 = tpu.vector_load_idx %arg6[%add3A_691] : memref<80000xf32, #tpu.memory_space<vmem>>[vector<16xi32>], vector<16xf32>,
        %mul3A_693 = arith.mulf %gather3A_692, %get3A_670 : vector<16xf32>
        %add3A_694 = arith.addf %add3A_634, %mul3A_693 : vector<16xf32>
        %add3A_695 = arith.constant 40000 : i32
        %add3A_696 = vector.broadcast %add3A_695 : i32 to vector<16xi32>
        %add3A_697 = arith.addi %get3A_664, %add3A_696 : vector<16xi32>
        %gather3A_698 = tpu.vector_load_idx %arg6[%add3A_697] : memref<80000xf32, #tpu.memory_space<vmem>>[vector<16xi32>], vector<16xf32>,
        %mul3A_699 = arith.mulf %gather3A_698, %get3A_670 : vector<16xf32>
        %add3A_700 = arith.addf %add3A_640, %mul3A_699 : vector<16xf32>
        %add3A_701 = arith.constant 50000 : i32
        %add3A_702 = vector.broadcast %add3A_701 : i32 to vector<16xi32>
        %add3A_703 = arith.addi %get3A_664, %add3A_702 : vector<16xi32>
        %gather3A_704 = tpu.vector_load_idx %arg6[%add3A_703] : memref<80000xf32, #tpu.memory_space<vmem>>[vector<16xi32>], vector<16xf32>,
        %mul3A_705 = arith.mulf %gather3A_704, %get3A_670 : vector<16xf32>
        %add3A_706 = arith.addf %add3A_646, %mul3A_705 : vector<16xf32>
        %add3A_707 = arith.constant 60000 : i32
        %add3A_708 = vector.broadcast %add3A_707 : i32 to vector<16xi32>
        %add3A_709 = arith.addi %get3A_664, %add3A_708 : vector<16xi32>
        %gather3A_710 = tpu.vector_load_idx %arg6[%add3A_709] : memref<80000xf32, #tpu.memory_space<vmem>>[vector<16xi32>], vector<16xf32>,
        %mul3A_711 = arith.mulf %gather3A_710, %get3A_670 : vector<16xf32>
        %add3A_712 = arith.addf %add3A_652, %mul3A_711 : vector<16xf32>
        %add3A_713 = arith.constant 70000 : i32
        %add3A_714 = vector.broadcast %add3A_713 : i32 to vector<16xi32>
        %add3A_715 = arith.addi %get3A_664, %add3A_714 : vector<16xi32>
        %gather3A_716 = tpu.vector_load_idx %arg6[%add3A_715] : memref<80000xf32, #tpu.memory_space<vmem>>[vector<16xi32>], vector<16xf32>,
        %mul3A_717 = arith.mulf %gather3A_716, %get3A_670 : vector<16xf32>
        %add3A_718 = arith.addf %add3A_658, %mul3A_717 : vector<16xf32>
        scf.yield %add3A_676, %add3A_682, %add3A_688, %add3A_694, %add3A_700, %add3A_706, %add3A_712, %add3A_718 : vector<16xf32>, vector<16xf32>, vector<16xf32>, vector<16xf32>, vector<16xf32>, vector<16xf32>, vector<16xf32>, vector<16xf32>
      }
      %scan3A_314 = arith.constant 8 : i32
      %mul3A_315 = arith.constant 16 : i32
      %mul3A_316 = arith.muli %add3A_282, %mul3A_315 : i32
      %add3A_317 = arith.constant 0 : i32
      %add3A_318 = arith.addi %add3A_317, %mul3A_316 : i32
      %swap3A_319 = arith.index_cast %add3A_318 : i32 to index
      %swap3A_320 = tpu.vector_load %arg9[%swap3A_319] {strides = array<i32>} : memref<32768xf32, #tpu.memory_space<vmem>>, vector<16xf32>,
      tpu.vector_store %arg9[%swap3A_319], %scan3A_313#0 {strides = array<i32>} : memref<32768xf32, #tpu.memory_space<vmem>>, vector<16xf32>,
      %mul3A_321 = arith.constant 16 : i32
      %mul3A_322 = arith.muli %add3A_282, %mul3A_321 : i32
      %add3A_323 = arith.constant 4096 : i32
      %add3A_324 = arith.addi %add3A_323, %mul3A_322 : i32
      %swap3A_325 = arith.index_cast %add3A_324 : i32 to index
      %swap3A_326 = tpu.vector_load %arg9[%swap3A_325] {strides = array<i32>} : memref<32768xf32, #tpu.memory_space<vmem>>, vector<16xf32>,
      tpu.vector_store %arg9[%swap3A_325], %scan3A_313#1 {strides = array<i32>} : memref<32768xf32, #tpu.memory_space<vmem>>, vector<16xf32>,
      %mul3A_327 = arith.constant 16 : i32
      %mul3A_328 = arith.muli %add3A_282, %mul3A_327 : i32
      %add3A_329 = arith.constant 8192 : i32
      %add3A_330 = arith.addi %add3A_329, %mul3A_328 : i32
      %swap3A_331 = arith.index_cast %add3A_330 : i32 to index
      %swap3A_332 = tpu.vector_load %arg9[%swap3A_331] {strides = array<i32>} : memref<32768xf32, #tpu.memory_space<vmem>>, vector<16xf32>,
      tpu.vector_store %arg9[%swap3A_331], %scan3A_313#2 {strides = array<i32>} : memref<32768xf32, #tpu.memory_space<vmem>>, vector<16xf32>,
      %mul3A_333 = arith.constant 16 : i32
      %mul3A_334 = arith.muli %add3A_282, %mul3A_333 : i32
      %add3A_335 = arith.constant 12288 : i32
      %add3A_336 = arith.addi %add3A_335, %mul3A_334 : i32
      %swap3A_337 = arith.index_cast %add3A_336 : i32 to index
      %swap3A_338 = tpu.vector_load %arg9[%swap3A_337] {strides = array<i32>} : memref<32768xf32, #tpu.memory_space<vmem>>, vector<16xf32>,
      tpu.vector_store %arg9[%swap3A_337], %scan3A_313#3 {strides = array<i32>} : memref<32768xf32, #tpu.memory_space<vmem>>, vector<16xf32>,
      %mul3A_339 = arith.constant 16 : i32
      %mul3A_340 = arith.muli %add3A_282, %mul3A_339 : i32
      %add3A_341 = arith.constant 16384 : i32
      %add3A_342 = arith.addi %add3A_341, %mul3A_340 : i32
      %swap3A_343 = arith.index_cast %add3A_342 : i32 to index
      %swap3A_344 = tpu.vector_load %arg9[%swap3A_343] {strides = array<i32>} : memref<32768xf32, #tpu.memory_space<vmem>>, vector<16xf32>,
      tpu.vector_store %arg9[%swap3A_343], %scan3A_313#4 {strides = array<i32>} : memref<32768xf32, #tpu.memory_space<vmem>>, vector<16xf32>,
      %mul3A_345 = arith.constant 16 : i32
      %mul3A_346 = arith.muli %add3A_282, %mul3A_345 : i32
      %add3A_347 = arith.constant 20480 : i32
      %add3A_348 = arith.addi %add3A_347, %mul3A_346 : i32
      %swap3A_349 = arith.index_cast %add3A_348 : i32 to index
      %swap3A_350 = tpu.vector_load %arg9[%swap3A_349] {strides = array<i32>} : memref<32768xf32, #tpu.memory_space<vmem>>, vector<16xf32>,
      tpu.vector_store %arg9[%swap3A_349], %scan3A_313#5 {strides = array<i32>} : memref<32768xf32, #tpu.memory_space<vmem>>, vector<16xf32>,
      %mul3A_351 = arith.constant 16 : i32
      %mul3A_352 = arith.muli %add3A_282, %mul3A_351 : i32
      %add3A_353 = arith.constant 24576 : i32
      %add3A_354 = arith.addi %add3A_353, %mul3A_352 : i32
      %swap3A_355 = arith.index_cast %add3A_354 : i32 to index
      %swap3A_356 = tpu.vector_load %arg9[%swap3A_355] {strides = array<i32>} : memref<32768xf32, #tpu.memory_space<vmem>>, vector<16xf32>,
      tpu.vector_store %arg9[%swap3A_355], %scan3A_313#6 {strides = array<i32>} : memref<32768xf32, #tpu.memory_space<vmem>>, vector<16xf32>,
      %mul3A_357 = arith.constant 16 : i32
      %mul3A_358 = arith.muli %add3A_282, %mul3A_357 : i32
      %add3A_359 = arith.constant 28672 : i32
      %add3A_360 = arith.addi %add3A_359, %mul3A_358 : i32
      %swap3A_361 = arith.index_cast %add3A_360 : i32 to index
      %swap3A_362 = tpu.vector_load %arg9[%swap3A_361] {strides = array<i32>} : memref<32768xf32, #tpu.memory_space<vmem>>, vector<16xf32>,
      tpu.vector_store %arg9[%swap3A_361], %scan3A_313#7 {strides = array<i32>} : memref<32768xf32, #tpu.memory_space<vmem>>, vector<16xf32>,
      %sub3A_363 = arith.constant 1 : i32
      %sub3A_364 = arith.subi %add3A_282, %sub3A_363 : i32
      %add3A_365 = arith.constant 4 : i32
      %add3A_366 = arith.addi %sub3A_364, %add3A_365 : i32
      %ge3A_367 = arith.constant 1 : i32
      %ge3A_368 = arith.cmpi sge, %add3A_282, %ge3A_367 : i32
      %lt3A_369 = arith.constant 256 : i32
      %lt3A_370 = arith.cmpi slt, %add3A_366, %lt3A_369 : i32
      %and3A_371 = arith.andi %ge3A_368, %lt3A_370 : i1
      %convert_element_type3A_372 = arith.extui %and3A_371 : i1 to i32
      %cond3A_373 = arith.constant 0 : i32
      %cond3A_374 = arith.cmpi ne, %convert_element_type3A_372, %cond3A_373 : i32
      scf.if %cond3A_374 {
        %mul3A_469 = arith.constant 512 : i32
        %mul3A_470 = arith.muli %add3A_366, %mul3A_469 : i32
        %mul3A_471 = arith.constant 640 : i32
        %mul3A_472 = arith.muli %add3A_366, %mul3A_471 : i32
        %dma_start3A_473 = arith.constant 1 : i32
        %dma_start3A_474 = arith.constant 0 : i32
        %dma_start3A_475 = tpu.memref_slice %arg7[%dma_start3A_473, %dma_start3A_474] : memref<4x512xi32, #tpu.memory_space<vmem>> -> memref<1x512xi32, #tpu.memory_space<vmem>>
        %dma_start3A_476 = tpu.memref_squeeze %dma_start3A_475 : memref<1x512xi32, #tpu.memory_space<vmem>> -> memref<512xi32, #tpu.memory_space<vmem>>
        %dma_start3A_477 = tpu.memref_slice %arg3[%mul3A_470] : memref<131072xi32, #tpu.memory_space<hbm>> -> memref<512xi32, #tpu.memory_space<hbm>>
        %dma_start3A_478 = arith.constant 0 : i32
        %dma_start3A_479 = tpu.memref_slice %arg7[%dma_start3A_473, %dma_start3A_478] : memref<4x512xi32, #tpu.memory_space<vmem>> -> memref<1x512xi32, #tpu.memory_space<vmem>>
        %dma_start3A_480 = tpu.memref_squeeze %dma_start3A_479 : memref<1x512xi32, #tpu.memory_space<vmem>> -> memref<512xi32, #tpu.memory_space<vmem>>
        %dma_start3A_481 = tpu.memref_slice %arg3[%mul3A_470] : memref<131072xi32, #tpu.memory_space<hbm>> -> memref<512xi32, #tpu.memory_space<hbm>>
        tpu.enqueue_dma source(%dma_start3A_481 : memref<512xi32, #tpu.memory_space<hbm>>) target(%dma_start3A_480 : memref<512xi32, #tpu.memory_space<vmem>>) target_semaphore(%arg11 : memref<!tpu.dma_semaphore, #tpu.memory_space<semaphore_mem>>)
        %dma_start3A_482 = arith.constant 1 : i32
        %dma_start3A_483 = arith.constant 0 : i32
        %dma_start3A_484 = tpu.memref_slice %arg8[%dma_start3A_482, %dma_start3A_483] : memref<4x640xf32, #tpu.memory_space<vmem>> -> memref<1x640xf32, #tpu.memory_space<vmem>>
        %dma_start3A_485 = tpu.memref_squeeze %dma_start3A_484 : memref<1x640xf32, #tpu.memory_space<vmem>> -> memref<640xf32, #tpu.memory_space<vmem>>
        %dma_start3A_486 = tpu.memref_slice %arg4[%mul3A_472] : memref<163840xf32, #tpu.memory_space<hbm>> -> memref<640xf32, #tpu.memory_space<hbm>>
        %dma_start3A_487 = arith.constant 0 : i32
        %dma_start3A_488 = tpu.memref_slice %arg8[%dma_start3A_482, %dma_start3A_487] : memref<4x640xf32, #tpu.memory_space<vmem>> -> memref<1x640xf32, #tpu.memory_space<vmem>>
        %dma_start3A_489 = tpu.memref_squeeze %dma_start3A_488 : memref<1x640xf32, #tpu.memory_space<vmem>> -> memref<640xf32, #tpu.memory_space<vmem>>
        %dma_start3A_490 = tpu.memref_slice %arg4[%mul3A_472] : memref<163840xf32, #tpu.memory_space<hbm>> -> memref<640xf32, #tpu.memory_space<hbm>>
        tpu.enqueue_dma source(%dma_start3A_490 : memref<640xf32, #tpu.memory_space<hbm>>) target(%dma_start3A_489 : memref<640xf32, #tpu.memory_space<vmem>>) target_semaphore(%arg11 : memref<!tpu.dma_semaphore, #tpu.memory_space<semaphore_mem>>)
      } else {
      }
      %add3A_375 = arith.constant 3 : i32
      %add3A_376 = arith.addi %mul3A_101, %add3A_375 : i32
      %mul3A_377 = arith.constant 512 : i32
      %mul3A_378 = arith.muli %add3A_376, %mul3A_377 : i32
      %mul3A_379 = arith.constant 640 : i32
      %mul3A_380 = arith.muli %add3A_376, %mul3A_379 : i32
      %dma_wait3A_381 = arith.constant 3 : i32
      %dma_wait3A_382 = arith.constant 0 : i32
      %dma_wait3A_383 = tpu.memref_slice %arg7[%dma_wait3A_381, %dma_wait3A_382] : memref<4x512xi32, #tpu.memory_space<vmem>> -> memref<1x512xi32, #tpu.memory_space<vmem>>
      %dma_wait3A_384 = tpu.memref_squeeze %dma_wait3A_383 : memref<1x512xi32, #tpu.memory_space<vmem>> -> memref<512xi32, #tpu.memory_space<vmem>>
      %dma_wait3A_385 = tpu.memref_slice %arg3[%mul3A_378] : memref<131072xi32, #tpu.memory_space<hbm>> -> memref<512xi32, #tpu.memory_space<hbm>>
      %dma_wait3A_386 = arith.constant 0 : i32
      %dma_wait3A_387 = tpu.memref_slice %arg7[%dma_wait3A_381, %dma_wait3A_386] : memref<4x512xi32, #tpu.memory_space<vmem>> -> memref<1x512xi32, #tpu.memory_space<vmem>>
      %dma_wait3A_388 = tpu.memref_squeeze %dma_wait3A_387 : memref<1x512xi32, #tpu.memory_space<vmem>> -> memref<512xi32, #tpu.memory_space<vmem>>
      %dma_wait3A_389 = tpu.memref_slice %arg3[%mul3A_378] : memref<131072xi32, #tpu.memory_space<hbm>> -> memref<512xi32, #tpu.memory_space<hbm>>
      tpu.wait_dma2 semaphore(%arg13 : memref<!tpu.dma_semaphore, #tpu.memory_space<semaphore_mem>>) src(%dma_wait3A_389 : memref<512xi32, #tpu.memory_space<hbm>>) dst(%dma_wait3A_388 : memref<512xi32, #tpu.memory_space<vmem>>)
      %dma_wait3A_390 = arith.constant 3 : i32
      %dma_wait3A_391 = arith.constant 0 : i32
      %dma_wait3A_392 = tpu.memref_slice %arg8[%dma_wait3A_390, %dma_wait3A_391] : memref<4x640xf32, #tpu.memory_space<vmem>> -> memref<1x640xf32, #tpu.memory_space<vmem>>
      %dma_wait3A_393 = tpu.memref_squeeze %dma_wait3A_392 : memref<1x640xf32, #tpu.memory_space<vmem>> -> memref<640xf32, #tpu.memory_space<vmem>>
      %dma_wait3A_394 = tpu.memref_slice %arg4[%mul3A_380] : memref<163840xf32, #tpu.memory_space<hbm>> -> memref<640xf32, #tpu.memory_space<hbm>>
      %dma_wait3A_395 = arith.constant 0 : i32
      %dma_wait3A_396 = tpu.memref_slice %arg8[%dma_wait3A_390, %dma_wait3A_395] : memref<4x640xf32, #tpu.memory_space<vmem>> -> memref<1x640xf32, #tpu.memory_space<vmem>>
      %dma_wait3A_397 = tpu.memref_squeeze %dma_wait3A_396 : memref<1x640xf32, #tpu.memory_space<vmem>> -> memref<640xf32, #tpu.memory_space<vmem>>
      %dma_wait3A_398 = tpu.memref_slice %arg4[%mul3A_380] : memref<163840xf32, #tpu.memory_space<hbm>> -> memref<640xf32, #tpu.memory_space<hbm>>
      tpu.wait_dma2 semaphore(%arg13 : memref<!tpu.dma_semaphore, #tpu.memory_space<semaphore_mem>>) src(%dma_wait3A_398 : memref<640xf32, #tpu.memory_space<hbm>>) dst(%dma_wait3A_397 : memref<640xf32, #tpu.memory_space<vmem>>)
      %get3A_399 = arith.constant 3 : i32
      %get3A_400 = arith.index_cast %get3A_399 : i32 to index
      %get3A_401 = arith.constant 512 : index
      %get3A_402 = tpu.vector_load %arg8[%get3A_400, %get3A_401] {strides = array<i32>} : memref<4x640xf32, #tpu.memory_space<vmem>>, vector<16xf32>,
      %scan3A_403 = arith.constant 0 : i32
      %scan3A_404 = arith.constant 8 : i32
      %scan3A_405 = arith.addi %scan3A_403, %scan3A_404 : i32
      %scan3A_406 = arith.constant 1 : i32
      %scan3A_407:8 = scf.for %scan3A_469 = %scan3A_403 to %scan3A_405 step %scan3A_406 iter_args(%scan3A_470 = %get3A_402, %scan3A_471 = %get3A_402, %scan3A_472 = %get3A_402, %scan3A_473 = %get3A_402, %scan3A_474 = %get3A_402, %scan3A_475 = %get3A_402, %scan3A_476 = %get3A_402, %scan3A_477 = %get3A_402) -> (vector<16xf32>, vector<16xf32>, vector<16xf32>, vector<16xf32>, vector<16xf32>, vector<16xf32>, vector<16xf32>, vector<16xf32>)  : i32 {
        %mul3A_478 = arith.constant 64 : i32
        %mul3A_479 = arith.muli %scan3A_469, %mul3A_478 : i32
        %add3A_480 = arith.constant 0 : i32
        %add3A_481 = arith.addi %mul3A_479, %add3A_480 : i32
        %get3A_482 = arith.constant 3 : i32
        %get3A_483 = arith.index_cast %get3A_482 : i32 to index
        %get3A_484 = arith.index_cast %add3A_481 : i32 to index
        %get3A_485 = tpu.vector_load %arg7[%get3A_483, %get3A_484] {strides = array<i32>} : memref<4x512xi32, #tpu.memory_space<vmem>>, vector<16xi32>,
        %add3A_486 = arith.constant 0 : i32
        %add3A_487 = arith.addi %mul3A_479, %add3A_486 : i32
        %get3A_488 = arith.constant 3 : i32
        %get3A_489 = arith.index_cast %get3A_488 : i32 to index
        %get3A_490 = arith.index_cast %add3A_487 : i32 to index
        %get3A_491 = tpu.vector_load %arg8[%get3A_489, %get3A_490] {strides = array<i32>} : memref<4x640xf32, #tpu.memory_space<vmem>>, vector<16xf32>,
        %add3A_492 = arith.constant 0 : i32
        %add3A_493 = vector.broadcast %add3A_492 : i32 to vector<16xi32>
        %add3A_494 = arith.addi %get3A_485, %add3A_493 : vector<16xi32>
        %gather3A = tpu.vector_load_idx %arg6[%add3A_494] : memref<80000xf32, #tpu.memory_space<vmem>>[vector<16xi32>], vector<16xf32>,
        %mul3A_495 = arith.mulf %gather3A, %get3A_491 : vector<16xf32>
        %add3A_496 = arith.addf %scan3A_470, %mul3A_495 : vector<16xf32>
        %add3A_497 = arith.constant 10000 : i32
        %add3A_498 = vector.broadcast %add3A_497 : i32 to vector<16xi32>
        %add3A_499 = arith.addi %get3A_485, %add3A_498 : vector<16xi32>
        %gather3A_500 = tpu.vector_load_idx %arg6[%add3A_499] : memref<80000xf32, #tpu.memory_space<vmem>>[vector<16xi32>], vector<16xf32>,
        %mul3A_501 = arith.mulf %gather3A_500, %get3A_491 : vector<16xf32>
        %add3A_502 = arith.addf %scan3A_471, %mul3A_501 : vector<16xf32>
        %add3A_503 = arith.constant 20000 : i32
        %add3A_504 = vector.broadcast %add3A_503 : i32 to vector<16xi32>
        %add3A_505 = arith.addi %get3A_485, %add3A_504 : vector<16xi32>
        %gather3A_506 = tpu.vector_load_idx %arg6[%add3A_505] : memref<80000xf32, #tpu.memory_space<vmem>>[vector<16xi32>], vector<16xf32>,
        %mul3A_507 = arith.mulf %gather3A_506, %get3A_491 : vector<16xf32>
        %add3A_508 = arith.addf %scan3A_472, %mul3A_507 : vector<16xf32>
        %add3A_509 = arith.constant 30000 : i32
        %add3A_510 = vector.broadcast %add3A_509 : i32 to vector<16xi32>
        %add3A_511 = arith.addi %get3A_485, %add3A_510 : vector<16xi32>
        %gather3A_512 = tpu.vector_load_idx %arg6[%add3A_511] : memref<80000xf32, #tpu.memory_space<vmem>>[vector<16xi32>], vector<16xf32>,
        %mul3A_513 = arith.mulf %gather3A_512, %get3A_491 : vector<16xf32>
        %add3A_514 = arith.addf %scan3A_473, %mul3A_513 : vector<16xf32>
        %add3A_515 = arith.constant 40000 : i32
        %add3A_516 = vector.broadcast %add3A_515 : i32 to vector<16xi32>
        %add3A_517 = arith.addi %get3A_485, %add3A_516 : vector<16xi32>
        %gather3A_518 = tpu.vector_load_idx %arg6[%add3A_517] : memref<80000xf32, #tpu.memory_space<vmem>>[vector<16xi32>], vector<16xf32>,
        %mul3A_519 = arith.mulf %gather3A_518, %get3A_491 : vector<16xf32>
        %add3A_520 = arith.addf %scan3A_474, %mul3A_519 : vector<16xf32>
        %add3A_521 = arith.constant 50000 : i32
        %add3A_522 = vector.broadcast %add3A_521 : i32 to vector<16xi32>
        %add3A_523 = arith.addi %get3A_485, %add3A_522 : vector<16xi32>
        %gather3A_524 = tpu.vector_load_idx %arg6[%add3A_523] : memref<80000xf32, #tpu.memory_space<vmem>>[vector<16xi32>], vector<16xf32>,
        %mul3A_525 = arith.mulf %gather3A_524, %get3A_491 : vector<16xf32>
        %add3A_526 = arith.addf %scan3A_475, %mul3A_525 : vector<16xf32>
        %add3A_527 = arith.constant 60000 : i32
        %add3A_528 = vector.broadcast %add3A_527 : i32 to vector<16xi32>
        %add3A_529 = arith.addi %get3A_485, %add3A_528 : vector<16xi32>
        %gather3A_530 = tpu.vector_load_idx %arg6[%add3A_529] : memref<80000xf32, #tpu.memory_space<vmem>>[vector<16xi32>], vector<16xf32>,
        %mul3A_531 = arith.mulf %gather3A_530, %get3A_491 : vector<16xf32>
        %add3A_532 = arith.addf %scan3A_476, %mul3A_531 : vector<16xf32>
        %add3A_533 = arith.constant 70000 : i32
        %add3A_534 = vector.broadcast %add3A_533 : i32 to vector<16xi32>
        %add3A_535 = arith.addi %get3A_485, %add3A_534 : vector<16xi32>
        %gather3A_536 = tpu.vector_load_idx %arg6[%add3A_535] : memref<80000xf32, #tpu.memory_space<vmem>>[vector<16xi32>], vector<16xf32>,
        %mul3A_537 = arith.mulf %gather3A_536, %get3A_491 : vector<16xf32>
        %add3A_538 = arith.addf %scan3A_477, %mul3A_537 : vector<16xf32>
        %add3A_539 = arith.constant 16 : i32
        %add3A_540 = arith.addi %mul3A_479, %add3A_539 : i32
        %get3A_541 = arith.constant 3 : i32
        %get3A_542 = arith.index_cast %get3A_541 : i32 to index
        %get3A_543 = arith.index_cast %add3A_540 : i32 to index
        %get3A_544 = tpu.vector_load %arg7[%get3A_542, %get3A_543] {strides = array<i32>} : memref<4x512xi32, #tpu.memory_space<vmem>>, vector<16xi32>,
        %add3A_545 = arith.constant 16 : i32
        %add3A_546 = arith.addi %mul3A_479, %add3A_545 : i32
        %get3A_547 = arith.constant 3 : i32
        %get3A_548 = arith.index_cast %get3A_547 : i32 to index
        %get3A_549 = arith.index_cast %add3A_546 : i32 to index
        %get3A_550 = tpu.vector_load %arg8[%get3A_548, %get3A_549] {strides = array<i32>} : memref<4x640xf32, #tpu.memory_space<vmem>>, vector<16xf32>,
        %add3A_551 = arith.constant 0 : i32
        %add3A_552 = vector.broadcast %add3A_551 : i32 to vector<16xi32>
        %add3A_553 = arith.addi %get3A_544, %add3A_552 : vector<16xi32>
        %gather3A_554 = tpu.vector_load_idx %arg6[%add3A_553] : memref<80000xf32, #tpu.memory_space<vmem>>[vector<16xi32>], vector<16xf32>,
        %mul3A_555 = arith.mulf %gather3A_554, %get3A_550 : vector<16xf32>
        %add3A_556 = arith.addf %add3A_496, %mul3A_555 : vector<16xf32>
        %add3A_557 = arith.constant 10000 : i32
        %add3A_558 = vector.broadcast %add3A_557 : i32 to vector<16xi32>
        %add3A_559 = arith.addi %get3A_544, %add3A_558 : vector<16xi32>
        %gather3A_560 = tpu.vector_load_idx %arg6[%add3A_559] : memref<80000xf32, #tpu.memory_space<vmem>>[vector<16xi32>], vector<16xf32>,
        %mul3A_561 = arith.mulf %gather3A_560, %get3A_550 : vector<16xf32>
        %add3A_562 = arith.addf %add3A_502, %mul3A_561 : vector<16xf32>
        %add3A_563 = arith.constant 20000 : i32
        %add3A_564 = vector.broadcast %add3A_563 : i32 to vector<16xi32>
        %add3A_565 = arith.addi %get3A_544, %add3A_564 : vector<16xi32>
        %gather3A_566 = tpu.vector_load_idx %arg6[%add3A_565] : memref<80000xf32, #tpu.memory_space<vmem>>[vector<16xi32>], vector<16xf32>,
        %mul3A_567 = arith.mulf %gather3A_566, %get3A_550 : vector<16xf32>
        %add3A_568 = arith.addf %add3A_508, %mul3A_567 : vector<16xf32>
        %add3A_569 = arith.constant 30000 : i32
        %add3A_570 = vector.broadcast %add3A_569 : i32 to vector<16xi32>
        %add3A_571 = arith.addi %get3A_544, %add3A_570 : vector<16xi32>
        %gather3A_572 = tpu.vector_load_idx %arg6[%add3A_571] : memref<80000xf32, #tpu.memory_space<vmem>>[vector<16xi32>], vector<16xf32>,
        %mul3A_573 = arith.mulf %gather3A_572, %get3A_550 : vector<16xf32>
        %add3A_574 = arith.addf %add3A_514, %mul3A_573 : vector<16xf32>
        %add3A_575 = arith.constant 40000 : i32
        %add3A_576 = vector.broadcast %add3A_575 : i32 to vector<16xi32>
        %add3A_577 = arith.addi %get3A_544, %add3A_576 : vector<16xi32>
        %gather3A_578 = tpu.vector_load_idx %arg6[%add3A_577] : memref<80000xf32, #tpu.memory_space<vmem>>[vector<16xi32>], vector<16xf32>,
        %mul3A_579 = arith.mulf %gather3A_578, %get3A_550 : vector<16xf32>
        %add3A_580 = arith.addf %add3A_520, %mul3A_579 : vector<16xf32>
        %add3A_581 = arith.constant 50000 : i32
        %add3A_582 = vector.broadcast %add3A_581 : i32 to vector<16xi32>
        %add3A_583 = arith.addi %get3A_544, %add3A_582 : vector<16xi32>
        %gather3A_584 = tpu.vector_load_idx %arg6[%add3A_583] : memref<80000xf32, #tpu.memory_space<vmem>>[vector<16xi32>], vector<16xf32>,
        %mul3A_585 = arith.mulf %gather3A_584, %get3A_550 : vector<16xf32>
        %add3A_586 = arith.addf %add3A_526, %mul3A_585 : vector<16xf32>
        %add3A_587 = arith.constant 60000 : i32
        %add3A_588 = vector.broadcast %add3A_587 : i32 to vector<16xi32>
        %add3A_589 = arith.addi %get3A_544, %add3A_588 : vector<16xi32>
        %gather3A_590 = tpu.vector_load_idx %arg6[%add3A_589] : memref<80000xf32, #tpu.memory_space<vmem>>[vector<16xi32>], vector<16xf32>,
        %mul3A_591 = arith.mulf %gather3A_590, %get3A_550 : vector<16xf32>
        %add3A_592 = arith.addf %add3A_532, %mul3A_591 : vector<16xf32>
        %add3A_593 = arith.constant 70000 : i32
        %add3A_594 = vector.broadcast %add3A_593 : i32 to vector<16xi32>
        %add3A_595 = arith.addi %get3A_544, %add3A_594 : vector<16xi32>
        %gather3A_596 = tpu.vector_load_idx %arg6[%add3A_595] : memref<80000xf32, #tpu.memory_space<vmem>>[vector<16xi32>], vector<16xf32>,
        %mul3A_597 = arith.mulf %gather3A_596, %get3A_550 : vector<16xf32>
        %add3A_598 = arith.addf %add3A_538, %mul3A_597 : vector<16xf32>
        %add3A_599 = arith.constant 32 : i32
        %add3A_600 = arith.addi %mul3A_479, %add3A_599 : i32
        %get3A_601 = arith.constant 3 : i32
        %get3A_602 = arith.index_cast %get3A_601 : i32 to index
        %get3A_603 = arith.index_cast %add3A_600 : i32 to index
        %get3A_604 = tpu.vector_load %arg7[%get3A_602, %get3A_603] {strides = array<i32>} : memref<4x512xi32, #tpu.memory_space<vmem>>, vector<16xi32>,
        %add3A_605 = arith.constant 32 : i32
        %add3A_606 = arith.addi %mul3A_479, %add3A_605 : i32
        %get3A_607 = arith.constant 3 : i32
        %get3A_608 = arith.index_cast %get3A_607 : i32 to index
        %get3A_609 = arith.index_cast %add3A_606 : i32 to index
        %get3A_610 = tpu.vector_load %arg8[%get3A_608, %get3A_609] {strides = array<i32>} : memref<4x640xf32, #tpu.memory_space<vmem>>, vector<16xf32>,
        %add3A_611 = arith.constant 0 : i32
        %add3A_612 = vector.broadcast %add3A_611 : i32 to vector<16xi32>
        %add3A_613 = arith.addi %get3A_604, %add3A_612 : vector<16xi32>
        %gather3A_614 = tpu.vector_load_idx %arg6[%add3A_613] : memref<80000xf32, #tpu.memory_space<vmem>>[vector<16xi32>], vector<16xf32>,
        %mul3A_615 = arith.mulf %gather3A_614, %get3A_610 : vector<16xf32>
        %add3A_616 = arith.addf %add3A_556, %mul3A_615 : vector<16xf32>
        %add3A_617 = arith.constant 10000 : i32
        %add3A_618 = vector.broadcast %add3A_617 : i32 to vector<16xi32>
        %add3A_619 = arith.addi %get3A_604, %add3A_618 : vector<16xi32>
        %gather3A_620 = tpu.vector_load_idx %arg6[%add3A_619] : memref<80000xf32, #tpu.memory_space<vmem>>[vector<16xi32>], vector<16xf32>,
        %mul3A_621 = arith.mulf %gather3A_620, %get3A_610 : vector<16xf32>
        %add3A_622 = arith.addf %add3A_562, %mul3A_621 : vector<16xf32>
        %add3A_623 = arith.constant 20000 : i32
        %add3A_624 = vector.broadcast %add3A_623 : i32 to vector<16xi32>
        %add3A_625 = arith.addi %get3A_604, %add3A_624 : vector<16xi32>
        %gather3A_626 = tpu.vector_load_idx %arg6[%add3A_625] : memref<80000xf32, #tpu.memory_space<vmem>>[vector<16xi32>], vector<16xf32>,
        %mul3A_627 = arith.mulf %gather3A_626, %get3A_610 : vector<16xf32>
        %add3A_628 = arith.addf %add3A_568, %mul3A_627 : vector<16xf32>
        %add3A_629 = arith.constant 30000 : i32
        %add3A_630 = vector.broadcast %add3A_629 : i32 to vector<16xi32>
        %add3A_631 = arith.addi %get3A_604, %add3A_630 : vector<16xi32>
        %gather3A_632 = tpu.vector_load_idx %arg6[%add3A_631] : memref<80000xf32, #tpu.memory_space<vmem>>[vector<16xi32>], vector<16xf32>,
        %mul3A_633 = arith.mulf %gather3A_632, %get3A_610 : vector<16xf32>
        %add3A_634 = arith.addf %add3A_574, %mul3A_633 : vector<16xf32>
        %add3A_635 = arith.constant 40000 : i32
        %add3A_636 = vector.broadcast %add3A_635 : i32 to vector<16xi32>
        %add3A_637 = arith.addi %get3A_604, %add3A_636 : vector<16xi32>
        %gather3A_638 = tpu.vector_load_idx %arg6[%add3A_637] : memref<80000xf32, #tpu.memory_space<vmem>>[vector<16xi32>], vector<16xf32>,
        %mul3A_639 = arith.mulf %gather3A_638, %get3A_610 : vector<16xf32>
        %add3A_640 = arith.addf %add3A_580, %mul3A_639 : vector<16xf32>
        %add3A_641 = arith.constant 50000 : i32
        %add3A_642 = vector.broadcast %add3A_641 : i32 to vector<16xi32>
        %add3A_643 = arith.addi %get3A_604, %add3A_642 : vector<16xi32>
        %gather3A_644 = tpu.vector_load_idx %arg6[%add3A_643] : memref<80000xf32, #tpu.memory_space<vmem>>[vector<16xi32>], vector<16xf32>,
        %mul3A_645 = arith.mulf %gather3A_644, %get3A_610 : vector<16xf32>
        %add3A_646 = arith.addf %add3A_586, %mul3A_645 : vector<16xf32>
        %add3A_647 = arith.constant 60000 : i32
        %add3A_648 = vector.broadcast %add3A_647 : i32 to vector<16xi32>
        %add3A_649 = arith.addi %get3A_604, %add3A_648 : vector<16xi32>
        %gather3A_650 = tpu.vector_load_idx %arg6[%add3A_649] : memref<80000xf32, #tpu.memory_space<vmem>>[vector<16xi32>], vector<16xf32>,
        %mul3A_651 = arith.mulf %gather3A_650, %get3A_610 : vector<16xf32>
        %add3A_652 = arith.addf %add3A_592, %mul3A_651 : vector<16xf32>
        %add3A_653 = arith.constant 70000 : i32
        %add3A_654 = vector.broadcast %add3A_653 : i32 to vector<16xi32>
        %add3A_655 = arith.addi %get3A_604, %add3A_654 : vector<16xi32>
        %gather3A_656 = tpu.vector_load_idx %arg6[%add3A_655] : memref<80000xf32, #tpu.memory_space<vmem>>[vector<16xi32>], vector<16xf32>,
        %mul3A_657 = arith.mulf %gather3A_656, %get3A_610 : vector<16xf32>
        %add3A_658 = arith.addf %add3A_598, %mul3A_657 : vector<16xf32>
        %add3A_659 = arith.constant 48 : i32
        %add3A_660 = arith.addi %mul3A_479, %add3A_659 : i32
        %get3A_661 = arith.constant 3 : i32
        %get3A_662 = arith.index_cast %get3A_661 : i32 to index
        %get3A_663 = arith.index_cast %add3A_660 : i32 to index
        %get3A_664 = tpu.vector_load %arg7[%get3A_662, %get3A_663] {strides = array<i32>} : memref<4x512xi32, #tpu.memory_space<vmem>>, vector<16xi32>,
        %add3A_665 = arith.constant 48 : i32
        %add3A_666 = arith.addi %mul3A_479, %add3A_665 : i32
        %get3A_667 = arith.constant 3 : i32
        %get3A_668 = arith.index_cast %get3A_667 : i32 to index
        %get3A_669 = arith.index_cast %add3A_666 : i32 to index
        %get3A_670 = tpu.vector_load %arg8[%get3A_668, %get3A_669] {strides = array<i32>} : memref<4x640xf32, #tpu.memory_space<vmem>>, vector<16xf32>,
        %add3A_671 = arith.constant 0 : i32
        %add3A_672 = vector.broadcast %add3A_671 : i32 to vector<16xi32>
        %add3A_673 = arith.addi %get3A_664, %add3A_672 : vector<16xi32>
        %gather3A_674 = tpu.vector_load_idx %arg6[%add3A_673] : memref<80000xf32, #tpu.memory_space<vmem>>[vector<16xi32>], vector<16xf32>,
        %mul3A_675 = arith.mulf %gather3A_674, %get3A_670 : vector<16xf32>
        %add3A_676 = arith.addf %add3A_616, %mul3A_675 : vector<16xf32>
        %add3A_677 = arith.constant 10000 : i32
        %add3A_678 = vector.broadcast %add3A_677 : i32 to vector<16xi32>
        %add3A_679 = arith.addi %get3A_664, %add3A_678 : vector<16xi32>
        %gather3A_680 = tpu.vector_load_idx %arg6[%add3A_679] : memref<80000xf32, #tpu.memory_space<vmem>>[vector<16xi32>], vector<16xf32>,
        %mul3A_681 = arith.mulf %gather3A_680, %get3A_670 : vector<16xf32>
        %add3A_682 = arith.addf %add3A_622, %mul3A_681 : vector<16xf32>
        %add3A_683 = arith.constant 20000 : i32
        %add3A_684 = vector.broadcast %add3A_683 : i32 to vector<16xi32>
        %add3A_685 = arith.addi %get3A_664, %add3A_684 : vector<16xi32>
        %gather3A_686 = tpu.vector_load_idx %arg6[%add3A_685] : memref<80000xf32, #tpu.memory_space<vmem>>[vector<16xi32>], vector<16xf32>,
        %mul3A_687 = arith.mulf %gather3A_686, %get3A_670 : vector<16xf32>
        %add3A_688 = arith.addf %add3A_628, %mul3A_687 : vector<16xf32>
        %add3A_689 = arith.constant 30000 : i32
        %add3A_690 = vector.broadcast %add3A_689 : i32 to vector<16xi32>
        %add3A_691 = arith.addi %get3A_664, %add3A_690 : vector<16xi32>
        %gather3A_692 = tpu.vector_load_idx %arg6[%add3A_691] : memref<80000xf32, #tpu.memory_space<vmem>>[vector<16xi32>], vector<16xf32>,
        %mul3A_693 = arith.mulf %gather3A_692, %get3A_670 : vector<16xf32>
        %add3A_694 = arith.addf %add3A_634, %mul3A_693 : vector<16xf32>
        %add3A_695 = arith.constant 40000 : i32
        %add3A_696 = vector.broadcast %add3A_695 : i32 to vector<16xi32>
        %add3A_697 = arith.addi %get3A_664, %add3A_696 : vector<16xi32>
        %gather3A_698 = tpu.vector_load_idx %arg6[%add3A_697] : memref<80000xf32, #tpu.memory_space<vmem>>[vector<16xi32>], vector<16xf32>,
        %mul3A_699 = arith.mulf %gather3A_698, %get3A_670 : vector<16xf32>
        %add3A_700 = arith.addf %add3A_640, %mul3A_699 : vector<16xf32>
        %add3A_701 = arith.constant 50000 : i32
        %add3A_702 = vector.broadcast %add3A_701 : i32 to vector<16xi32>
        %add3A_703 = arith.addi %get3A_664, %add3A_702 : vector<16xi32>
        %gather3A_704 = tpu.vector_load_idx %arg6[%add3A_703] : memref<80000xf32, #tpu.memory_space<vmem>>[vector<16xi32>], vector<16xf32>,
        %mul3A_705 = arith.mulf %gather3A_704, %get3A_670 : vector<16xf32>
        %add3A_706 = arith.addf %add3A_646, %mul3A_705 : vector<16xf32>
        %add3A_707 = arith.constant 60000 : i32
        %add3A_708 = vector.broadcast %add3A_707 : i32 to vector<16xi32>
        %add3A_709 = arith.addi %get3A_664, %add3A_708 : vector<16xi32>
        %gather3A_710 = tpu.vector_load_idx %arg6[%add3A_709] : memref<80000xf32, #tpu.memory_space<vmem>>[vector<16xi32>], vector<16xf32>,
        %mul3A_711 = arith.mulf %gather3A_710, %get3A_670 : vector<16xf32>
        %add3A_712 = arith.addf %add3A_652, %mul3A_711 : vector<16xf32>
        %add3A_713 = arith.constant 70000 : i32
        %add3A_714 = vector.broadcast %add3A_713 : i32 to vector<16xi32>
        %add3A_715 = arith.addi %get3A_664, %add3A_714 : vector<16xi32>
        %gather3A_716 = tpu.vector_load_idx %arg6[%add3A_715] : memref<80000xf32, #tpu.memory_space<vmem>>[vector<16xi32>], vector<16xf32>,
        %mul3A_717 = arith.mulf %gather3A_716, %get3A_670 : vector<16xf32>
        %add3A_718 = arith.addf %add3A_658, %mul3A_717 : vector<16xf32>
        scf.yield %add3A_676, %add3A_682, %add3A_688, %add3A_694, %add3A_700, %add3A_706, %add3A_712, %add3A_718 : vector<16xf32>, vector<16xf32>, vector<16xf32>, vector<16xf32>, vector<16xf32>, vector<16xf32>, vector<16xf32>, vector<16xf32>
      }
      %scan3A_408 = arith.constant 8 : i32
      %mul3A_409 = arith.constant 16 : i32
      %mul3A_410 = arith.muli %add3A_376, %mul3A_409 : i32
      %add3A_411 = arith.constant 0 : i32
      %add3A_412 = arith.addi %add3A_411, %mul3A_410 : i32
      %swap3A_413 = arith.index_cast %add3A_412 : i32 to index
      %swap3A_414 = tpu.vector_load %arg9[%swap3A_413] {strides = array<i32>} : memref<32768xf32, #tpu.memory_space<vmem>>, vector<16xf32>,
      tpu.vector_store %arg9[%swap3A_413], %scan3A_407#0 {strides = array<i32>} : memref<32768xf32, #tpu.memory_space<vmem>>, vector<16xf32>,
      %mul3A_415 = arith.constant 16 : i32
      %mul3A_416 = arith.muli %add3A_376, %mul3A_415 : i32
      %add3A_417 = arith.constant 4096 : i32
      %add3A_418 = arith.addi %add3A_417, %mul3A_416 : i32
      %swap3A_419 = arith.index_cast %add3A_418 : i32 to index
      %swap3A_420 = tpu.vector_load %arg9[%swap3A_419] {strides = array<i32>} : memref<32768xf32, #tpu.memory_space<vmem>>, vector<16xf32>,
      tpu.vector_store %arg9[%swap3A_419], %scan3A_407#1 {strides = array<i32>} : memref<32768xf32, #tpu.memory_space<vmem>>, vector<16xf32>,
      %mul3A_421 = arith.constant 16 : i32
      %mul3A_422 = arith.muli %add3A_376, %mul3A_421 : i32
      %add3A_423 = arith.constant 8192 : i32
      %add3A_424 = arith.addi %add3A_423, %mul3A_422 : i32
      %swap3A_425 = arith.index_cast %add3A_424 : i32 to index
      %swap3A_426 = tpu.vector_load %arg9[%swap3A_425] {strides = array<i32>} : memref<32768xf32, #tpu.memory_space<vmem>>, vector<16xf32>,
      tpu.vector_store %arg9[%swap3A_425], %scan3A_407#2 {strides = array<i32>} : memref<32768xf32, #tpu.memory_space<vmem>>, vector<16xf32>,
      %mul3A_427 = arith.constant 16 : i32
      %mul3A_428 = arith.muli %add3A_376, %mul3A_427 : i32
      %add3A_429 = arith.constant 12288 : i32
      %add3A_430 = arith.addi %add3A_429, %mul3A_428 : i32
      %swap3A_431 = arith.index_cast %add3A_430 : i32 to index
      %swap3A_432 = tpu.vector_load %arg9[%swap3A_431] {strides = array<i32>} : memref<32768xf32, #tpu.memory_space<vmem>>, vector<16xf32>,
      tpu.vector_store %arg9[%swap3A_431], %scan3A_407#3 {strides = array<i32>} : memref<32768xf32, #tpu.memory_space<vmem>>, vector<16xf32>,
      %mul3A_433 = arith.constant 16 : i32
      %mul3A_434 = arith.muli %add3A_376, %mul3A_433 : i32
      %add3A_435 = arith.constant 16384 : i32
      %add3A_436 = arith.addi %add3A_435, %mul3A_434 : i32
      %swap3A_437 = arith.index_cast %add3A_436 : i32 to index
      %swap3A_438 = tpu.vector_load %arg9[%swap3A_437] {strides = array<i32>} : memref<32768xf32, #tpu.memory_space<vmem>>, vector<16xf32>,
      tpu.vector_store %arg9[%swap3A_437], %scan3A_407#4 {strides = array<i32>} : memref<32768xf32, #tpu.memory_space<vmem>>, vector<16xf32>,
      %mul3A_439 = arith.constant 16 : i32
      %mul3A_440 = arith.muli %add3A_376, %mul3A_439 : i32
      %add3A_441 = arith.constant 20480 : i32
      %add3A_442 = arith.addi %add3A_441, %mul3A_440 : i32
      %swap3A_443 = arith.index_cast %add3A_442 : i32 to index
      %swap3A_444 = tpu.vector_load %arg9[%swap3A_443] {strides = array<i32>} : memref<32768xf32, #tpu.memory_space<vmem>>, vector<16xf32>,
      tpu.vector_store %arg9[%swap3A_443], %scan3A_407#5 {strides = array<i32>} : memref<32768xf32, #tpu.memory_space<vmem>>, vector<16xf32>,
      %mul3A_445 = arith.constant 16 : i32
      %mul3A_446 = arith.muli %add3A_376, %mul3A_445 : i32
      %add3A_447 = arith.constant 24576 : i32
      %add3A_448 = arith.addi %add3A_447, %mul3A_446 : i32
      %swap3A_449 = arith.index_cast %add3A_448 : i32 to index
      %swap3A_450 = tpu.vector_load %arg9[%swap3A_449] {strides = array<i32>} : memref<32768xf32, #tpu.memory_space<vmem>>, vector<16xf32>,
      tpu.vector_store %arg9[%swap3A_449], %scan3A_407#6 {strides = array<i32>} : memref<32768xf32, #tpu.memory_space<vmem>>, vector<16xf32>,
      %mul3A_451 = arith.constant 16 : i32
      %mul3A_452 = arith.muli %add3A_376, %mul3A_451 : i32
      %add3A_453 = arith.constant 28672 : i32
      %add3A_454 = arith.addi %add3A_453, %mul3A_452 : i32
      %swap3A_455 = arith.index_cast %add3A_454 : i32 to index
      %swap3A_456 = tpu.vector_load %arg9[%swap3A_455] {strides = array<i32>} : memref<32768xf32, #tpu.memory_space<vmem>>, vector<16xf32>,
      tpu.vector_store %arg9[%swap3A_455], %scan3A_407#7 {strides = array<i32>} : memref<32768xf32, #tpu.memory_space<vmem>>, vector<16xf32>,
      %sub3A_457 = arith.constant 1 : i32
      %sub3A_458 = arith.subi %add3A_376, %sub3A_457 : i32
      %add3A_459 = arith.constant 4 : i32
      %add3A_460 = arith.addi %sub3A_458, %add3A_459 : i32
      %ge3A_461 = arith.constant 1 : i32
      %ge3A_462 = arith.cmpi sge, %add3A_376, %ge3A_461 : i32
      %lt3A_463 = arith.constant 256 : i32
      %lt3A_464 = arith.cmpi slt, %add3A_460, %lt3A_463 : i32
      %and3A_465 = arith.andi %ge3A_462, %lt3A_464 : i1
      %convert_element_type3A_466 = arith.extui %and3A_465 : i1 to i32
      %cond3A_467 = arith.constant 0 : i32
      %cond3A_468 = arith.cmpi ne, %convert_element_type3A_466, %cond3A_467 : i32
      scf.if %cond3A_468 {
        %mul3A_469 = arith.constant 512 : i32
        %mul3A_470 = arith.muli %add3A_460, %mul3A_469 : i32
        %mul3A_471 = arith.constant 640 : i32
        %mul3A_472 = arith.muli %add3A_460, %mul3A_471 : i32
        %dma_start3A_473 = arith.constant 2 : i32
        %dma_start3A_474 = arith.constant 0 : i32
        %dma_start3A_475 = tpu.memref_slice %arg7[%dma_start3A_473, %dma_start3A_474] : memref<4x512xi32, #tpu.memory_space<vmem>> -> memref<1x512xi32, #tpu.memory_space<vmem>>
        %dma_start3A_476 = tpu.memref_squeeze %dma_start3A_475 : memref<1x512xi32, #tpu.memory_space<vmem>> -> memref<512xi32, #tpu.memory_space<vmem>>
        %dma_start3A_477 = tpu.memref_slice %arg3[%mul3A_470] : memref<131072xi32, #tpu.memory_space<hbm>> -> memref<512xi32, #tpu.memory_space<hbm>>
        %dma_start3A_478 = arith.constant 0 : i32
        %dma_start3A_479 = tpu.memref_slice %arg7[%dma_start3A_473, %dma_start3A_478] : memref<4x512xi32, #tpu.memory_space<vmem>> -> memref<1x512xi32, #tpu.memory_space<vmem>>
        %dma_start3A_480 = tpu.memref_squeeze %dma_start3A_479 : memref<1x512xi32, #tpu.memory_space<vmem>> -> memref<512xi32, #tpu.memory_space<vmem>>
        %dma_start3A_481 = tpu.memref_slice %arg3[%mul3A_470] : memref<131072xi32, #tpu.memory_space<hbm>> -> memref<512xi32, #tpu.memory_space<hbm>>
        tpu.enqueue_dma source(%dma_start3A_481 : memref<512xi32, #tpu.memory_space<hbm>>) target(%dma_start3A_480 : memref<512xi32, #tpu.memory_space<vmem>>) target_semaphore(%arg12 : memref<!tpu.dma_semaphore, #tpu.memory_space<semaphore_mem>>)
        %dma_start3A_482 = arith.constant 2 : i32
        %dma_start3A_483 = arith.constant 0 : i32
        %dma_start3A_484 = tpu.memref_slice %arg8[%dma_start3A_482, %dma_start3A_483] : memref<4x640xf32, #tpu.memory_space<vmem>> -> memref<1x640xf32, #tpu.memory_space<vmem>>
        %dma_start3A_485 = tpu.memref_squeeze %dma_start3A_484 : memref<1x640xf32, #tpu.memory_space<vmem>> -> memref<640xf32, #tpu.memory_space<vmem>>
        %dma_start3A_486 = tpu.memref_slice %arg4[%mul3A_472] : memref<163840xf32, #tpu.memory_space<hbm>> -> memref<640xf32, #tpu.memory_space<hbm>>
        %dma_start3A_487 = arith.constant 0 : i32
        %dma_start3A_488 = tpu.memref_slice %arg8[%dma_start3A_482, %dma_start3A_487] : memref<4x640xf32, #tpu.memory_space<vmem>> -> memref<1x640xf32, #tpu.memory_space<vmem>>
        %dma_start3A_489 = tpu.memref_squeeze %dma_start3A_488 : memref<1x640xf32, #tpu.memory_space<vmem>> -> memref<640xf32, #tpu.memory_space<vmem>>
        %dma_start3A_490 = tpu.memref_slice %arg4[%mul3A_472] : memref<163840xf32, #tpu.memory_space<hbm>> -> memref<640xf32, #tpu.memory_space<hbm>>
        tpu.enqueue_dma source(%dma_start3A_490 : memref<640xf32, #tpu.memory_space<hbm>>) target(%dma_start3A_489 : memref<640xf32, #tpu.memory_space<vmem>>) target_semaphore(%arg12 : memref<!tpu.dma_semaphore, #tpu.memory_space<semaphore_mem>>)
      } else {
      }
    }
    %scan3A_96 = arith.constant 64 : i32
    %mul3A_97 = arith.constant 4096 : i32
    %mul3A_98 = arith.muli %mul3A_2, %mul3A_97 : i32
    "tpu.region"() ({
      %run_scoped3A = tpu.sem_alloc : memref<!tpu.dma_semaphore, #tpu.memory_space<semaphore_mem>>
      %dma_start3A_99 = tpu.memref_slice %arg5[%mul3A_98] : memref<1048576xf32, #tpu.memory_space<hbm>> -> memref<32768xf32, #tpu.memory_space<hbm>>
      %dma_start3A_100 = tpu.memref_slice %arg5[%mul3A_98] : memref<1048576xf32, #tpu.memory_space<hbm>> -> memref<32768xf32, #tpu.memory_space<hbm>>
      tpu.enqueue_dma source(%arg9 : memref<32768xf32, #tpu.memory_space<vmem>>) target(%dma_start3A_100 : memref<32768xf32, #tpu.memory_space<hbm>>) target_semaphore(%run_scoped3A : memref<!tpu.dma_semaphore, #tpu.memory_space<semaphore_mem>>)
      %dma_wait3A = tpu.memref_slice %arg5[%mul3A_98] : memref<1048576xf32, #tpu.memory_space<hbm>> -> memref<32768xf32, #tpu.memory_space<hbm>>
      %dma_wait3A_101 = tpu.memref_slice %arg5[%mul3A_98] : memref<1048576xf32, #tpu.memory_space<hbm>> -> memref<32768xf32, #tpu.memory_space<hbm>>
      tpu.wait_dma2 semaphore(%run_scoped3A : memref<!tpu.dma_semaphore, #tpu.memory_space<semaphore_mem>>) src(%arg9 : memref<32768xf32, #tpu.memory_space<vmem>>) dst(%dma_wait3A_101 : memref<32768xf32, #tpu.memory_space<hbm>>)
      tpu.yield
    }) : () -> ()
    return
  }
}

</mosaic_0001>

<sc_bundles>
// kernel: kernel.4.cloned.1.call-start
scs
__scs_entry_jumppad:
0x0: {  	(pc) =	sbr.rel $0x88, $3  }
0x1: {  	(tag) =	ssettag $0x0;
	lr =	simm.s32 $0x1  }
0x2: {  	[smem:$0x3F9D] =	sst lr;
	_ =	strace $0xD0000000  }
0x3: {  	_ = 	snop  }
0x4: {  	_ = 	snop  }
0x5: {  	_ = 	snop  }
0x6: {  	_ = 	snop  }
0x7: {  	_ = 	snop  }
__scs_overlays_trampoline_lowered:
0x8: {  	[smem:$0x3FAC] =	sst s0  }
0x9: {  	[smem:$0x3FAD] =	sst s1  }
0xa: {  	[smem:$0x3FAE] =	sst s2  }
0xb: {  	[smem:$0x3FAF] =	sst s3  }
0xc: {  	[smem:$0x3FB0] =	sst s4  }
0xd: {  	[smem:$0x3FB1] =	sst s5  }
0xe: {  	[smem:$0x3FB2] =	sst s6  }
0xf: {  	[smem:$0x3FB3] =	sst s7  }
0x10: {  	[smem:$0x3FB4] =	sst s8  }
0x11: {  	[smem:$0x3FB5] =	sst s9;
	s0 =	simm.s32 @!p0 $0x0  }
0x12: {  	s1 =	sld [smem:$0x3F9B];
	s0 =	simm.s32 @p0 $0x1  }
0x13: {  	[smem:$0x3FB6] =	sst s0;
	s0 =	simm.s32 @!p1 $0x0  }
0x14: {  	s2 =	sld [smem:$0x3F9A];
	s0 =	simm.s32 @p1 $0x1  }
0x15: {  	[smem:$0x3FB7] =	sst s0;
	s0 =	simm.s32 @!p2 $0x0  }
0x16: {  	s3 =	sld [smem:$0x3FDB];
	s0 =	simm.s32 @p2 $0x1  }
0x17: {  	s4 =	simm.s32 $0x1BF5;
	[smem:$0x3FB9] =	sst s0  }
0x18: {  	s0 =	sld [smem:$0x3F9C];
	_ =	swait.ge [sflag:s4], $0x0  }
0x19: {  	s7 =	sld [smem:$0x3F9D]  }
0x1a: {  	s8 =	sadd.s32 $0xFFFFE003, lr  }
0x1b: {  	s9 =	sadd.s32 $0xFFFFFEF7, lr;
	s5 =	simm.s32 $0xFFFFFFFF;
	p2 =	slt.u32 s8, $0xFFFFF086  }
0x1c: {  	p1 =	slt.u32 s9, $0xF7A;
	s5 =	simm.s32 @!p2 $0x0  }
0x1d: {  	s5 =	simm.s32 @p1 $0x1;
	p0 =	seq.s32 s7, s2  }
0x1e: {  	s7 =	smul.u32 @!p0 $0xF7A, s2;
	p2 =	seq.s32 @!p0 s5, $0x0  }
0x1f: {  	s9 =	smul.u32 $0xF7A, s1;
	s8 =	simm.s32 @!p0 $0x1BF5;
	p2 =	por !p2, p0  }
0x20: {  	[sflag:s8] =	ssyncset.s32 @!p0 $0xFFFFF086;
	s6 =	sadd.s32 @!p0 s3, s7;
	s7 =	simm.s32 @!p0 $0x108  }
0x21: {  	s3 =	sadd.s32 s3, s9;
	s6 =	sadd.s32 @!p0 $0x88, s6;
	s7 =	simm.s32 @p2 $0x1082  }
0x22: {  	[simem:s7], [sflag:s8] =	dma.local @!p0 [hbm:s6], $0xF7A  }
0x23: {  	s9 =	sor.u32 $0xD0000000, s2;
	s6 =	simm.s32 $0x108;
	_ =	swait.ge @!p0 [sflag:s8], $0x0  }
0x24: {  	s3 =	sadd.s32 $0x88, s3;
	s6 =	simm.s32 @!p1 $0x1082;
	[sflag:s4] =	ssyncset.s32 $0xFFFFF086  }
0x25: {  	[simem:s6], [sflag:s4] =	dma.local [hbm:s3], $0xF7A  }
0x26: {  	[smem:$0x3F9D] =	sst s1;
	(tag) =	ssettag s2;
	_ =	strace s9  }
0x27: {  	s1 =	sld [smem:$0x3FAD]  }
0x28: {  	s2 =	sld [smem:$0x3FAE]  }
0x29: {  	s4 =	sld [smem:$0x3FB0]  }
0x2a: {  	p0 =	seq.s32 s5, $0x0;
	s5 =	sld [smem:$0x3FB1]  }
0x2b: {  	s6 =	sld [smem:$0x3FB2]  }
0x2c: {  	s7 =	sld [smem:$0x3FB3]  }
0x2d: {  	s3 =	simm.s32 $0x108;
	s8 =	sld [smem:$0x3FB4]  }
0x2e: {  	s3 =	simm.s32 @!p0 $0x1082;
	s9 =	sld [smem:$0x3FB5]  }
0x2f: {  	lr =	sadd.s32 s0, s3;
	s0 =	sld [smem:$0x3FAC]  }
0x30: {  	s3 =	sld [smem:$0x3FAF]  }
0x31: {  	[smem:$0x3FB8] =	sst s10  }
0x32: {  	s10 =	sld [smem:$0x3FB6];
	_ =	sdelay $0x3  }
0x33: {  	p0 =	seq.s32 s10, $0x1;
	s10 =	sld [smem:$0x3FB8];
	_ =	sdelay $0x3  }
0x34: {  	[smem:$0x3FB8] =	sst s10  }
0x35: {  	s10 =	sld [smem:$0x3FB7];
	_ =	sdelay $0x3  }
0x36: {  	p1 =	seq.s32 s10, $0x1;
	s10 =	sld [smem:$0x3FB8];
	_ =	sdelay $0x3  }
0x37: {  	[smem:$0x3FB8] =	sst s10  }
0x38: {  	s10 =	sld [smem:$0x3FB9]  }
0x39: {  	_ = 	snop;
	(pc) =	sbr.ind lr, $3  }
0x3a: {  	_ = 	snop  }
0x3b: {  	_ = 	snop  }
0x3c: {  	p2 =	seq.s32 s10, $0x1;
	s10 =	sld [smem:$0x3FB8]  }
0x3d: {  	_ =	shalt  }
0x3e: {  	_ =	shalt  }
0x3f: {  	_ =	shalt  }
0x40: {  	_ =	shalt  }
0x41: {  	_ =	shalt  }
0x42: {  	_ =	shalt  }
0x43: {  	_ =	shalt  }
0x44: {  	_ =	shalt  }
0x45: {  	_ =	shalt  }
0x46: {  	_ =	shalt  }
0x47: {  	_ =	shalt  }
0x48: {  	_ =	shalt  }
0x49: {  	_ =	shalt  }
0x4a: {  	_ =	shalt  }
0x4b: {  	_ =	shalt  }
0x4c: {  	_ =	shalt  }
0x4d: {  	_ =	shalt  }
0x4e: {  	_ =	shalt  }
0x4f: {  	_ =	shalt  }
0x50: {  	_ =	shalt  }
0x51: {  	_ =	shalt  }
0x52: {  	_ =	shalt  }
0x53: {  	_ =	shalt  }
0x54: {  	_ =	shalt  }
0x55: {  	_ =	shalt  }
0x56: {  	_ =	shalt  }
0x57: {  	_ =	shalt  }
0x58: {  	_ =	shalt  }
0x59: {  	_ =	shalt  }
0x5a: {  	_ =	shalt  }
0x5b: {  	_ =	shalt  }
0x5c: {  	_ =	shalt  }
0x5d: {  	_ =	shalt  }
0x5e: {  	_ =	shalt  }
0x5f: {  	_ =	shalt  }
0x60: {  	_ =	shalt  }
0x61: {  	_ =	shalt  }
0x62: {  	_ =	shalt  }
0x63: {  	_ =	shalt  }
0x64: {  	_ =	shalt  }
0x65: {  	_ =	shalt  }
0x66: {  	_ =	shalt  }
0x67: {  	_ =	shalt  }
0x68: {  	_ =	shalt  }
0x69: {  	_ =	shalt  }
0x6a: {  	_ =	shalt  }
0x6b: {  	_ =	shalt  }
0x6c: {  	_ =	shalt  }
0x6d: {  	_ =	shalt  }
0x6e: {  	_ =	shalt  }
0x6f: {  	_ =	shalt  }
0x70: {  	_ =	shalt  }
0x71: {  	_ =	shalt  }
0x72: {  	_ =	shalt  }
0x73: {  	_ =	shalt  }
0x74: {  	_ =	shalt  }
0x75: {  	_ =	shalt  }
0x76: {  	_ =	shalt  }
0x77: {  	_ =	shalt  }
0x78: {  	_ =	shalt  }
0x79: {  	_ =	shalt  }
0x7a: {  	_ =	shalt  }
0x7b: {  	_ =	shalt  }
0x7c: {  	_ =	shalt  }
0x7d: {  	_ =	shalt  }
0x7e: {  	_ =	shalt  }
0x7f: {  	_ =	shalt  }
0x80: {  	_ =	shalt  }
0x81: {  	_ =	shalt  }
0x82: {  	_ =	shalt  }
0x83: {  	_ =	shalt  }
0x84: {  	_ =	shalt  }
0x85: {  	_ =	shalt  }
0x86: {  	_ =	shalt  }
0x87: {  	_ =	shalt  }
.Lfunc_end0:
.L_simem_size_0:
called_computation_lowered:
.L_overlay_start_0:
0x88: {  	s2 =	sld [smem:$0x3FD9]  }
0x89: {  	s3 =	sld [smem:$0x3FFE];
	_ =	sdelay $0x1  }
0x8a: {  	s1 =	srdreg.scid  }
0x8b: {  	s0 =	sand.u32 $0x1, s1  }
0x8c: {  	s17 =	sshll.u32 s0, $0xA;
	s2 =	sadd.s32 s3, s2  }
0x8d: {  	s2 =	sadd.s32 s2, s17  }
0x8e: {  	[smem:$0x3FC4] =	sst s2  }
0x8f: {  	_ = 	snop  }
0x90: {  	s2 =	sld [smem:$0x3FD0];
	(tm) =	ssettm $0x1  }
0x91: {  	s18 =	sld [smem:$0x3FFB];
	_ =	sdelay $0x3  }
0x92: {  	_ =	strace s18  }
0x93: {  	s3 =	sld [smem:$0x3FFC];
	_ =	sdelay $0x3  }
0x94: {  	_ =	strace s3  }
0x95: {  	s3 =	sld [smem:$0x3FFD];
	_ =	sdelay $0x3  }
0x96: {  	_ =	strace s3  }
0x97: {  	_ =	strace $0x8FFFFFFF  }
0x98: {  	s19 =	sld [smem:$0x3FDB];
	_ =	sdelay $0x1  }
0x99: {  	s4 =	simm.s32 $_scs_section_size  }
0x9a: {  	s5 =	simm.s32 $_size__tile_overlayer_lowered;
	s6 =	simm.s32 $_tile_overlayer_lowered  }
0x9b: {  	s22 =	simm.s32 $0x1BFF;
	s21 =	sshll.u32 s6, $0x1;
	s3 =	sadd.s32 s4, s19  }
0x9c: {  	s7 =	simm.s32 $0x0;
	s20 =	sshll.u32 s5, $0x1;
	s5 =	sadd.s32 s21, s3  }
0x9d: {  	[timem:s7], [sflag:s22] =	dma.local [hbm:s5], s20  }
0x9e: {  	_ =	swait.ge [sflag:s22], s20  }
0x9f: {  	s4 =	ssub.s32 $0x0, s20;
	[sflag:s22] =	ssyncset.done $0x0  }
0xa0: {  	[sflag:s22] =	ssyncadd.s32 s4;
	_ =	sdelay $0x1  }
0xa1: {  	s23 =	simm.s32 $0x1B8B  }
0xa2: {  	_ =	swait.ge [sflag:s23], $0x1  }
0xa3: {  	[sflag:s23] =	ssyncset.done $0x0  }
0xa4: {  	s25 =	simm.s32 $0x1B8E;
	s24 =	sld [smem:$0x3FFE];
	[sflag:s23] =	ssyncadd.s32 $0xFFFFFFFF  }
0xa5: {  	s26 =	simm.s32 $execute0_lowered;
	[smem:$0x3FD2] =	sst s25  }
0xa6: {  	s5 =	sshll.u32 s26, $0x1;
	_ =	strace $0x80000046;
	[dreg:$0x1] =	wrdreg $0xFFFFFFFF  }
0xa7: {  	s28 =	simm.s32 $_size_execute0_lowered;
	s3 =	sadd.s32 s3, s5;
	[dreg:$0x0] =	wrdreg $0x0  }
0xa8: {  	s5 =	sshll.u32 s28, $0x1;
	[dreg:$0x2] =	wrdreg s3  }
0xa9: {  	[dreg:$0x3] =	wrdreg s5  }
0xaa: {  	[dreg:$0x4] =	wrdreg $0xC0  }
0xab: {  	_ =	task [dreg:s7], $0x5FFFF  }
0xac: {  	[dreg:$0x1] =	wrdreg $0xFFFFFFFF  }
0xad: {  	[dreg:$0x0] =	wrdreg $0x60  }
0xae: {  	[dreg:$0x2] =	wrdreg s24  }
0xaf: {  	[dreg:$0x3] =	wrdreg s2  }
0xb0: {  	[dreg:$0x4] =	wrdreg $0x9  }
0xb1: {  	_ =	task.clear_ibuf [dreg:s7], $0x5FFFF;
	_ =	strace $0x90000046  }
0xb2: {  	s29 =	simm.s32 $0x9;
	_ =	strace $0x80000048  }
0xb3: {  	_ =	swait.ge [sflag:s29], $0x1  }
0xb4: {  	[sflag:s29] =	ssyncadd.s32 $0xFFFFFFFF  }
0xb5: {  	_ =	strace $0x90000048  }
0xb6: {  	_ =	sfence  }
0xb7: {  	s30 =	sld [smem:$0x0];
	_ =	sdelay $0x2  }
0xb8: {  	s31 =	sshll.u32 s1, $0xD;
	s1 =	sshrl.u32 s1, $0x2  }
0xb9: {  	s3 =	sand.u32 $0x4000, s31;
	s1 =	sadd.s32 s1, s30  }
0xba: {  	s0 =	sor.u32 s3, s0;
	s1 =	sshll.u32 s1, $0x11  }
0xbb: {  	s0 =	sor.u32 s1, s0  }
0xbc: {  	s0 =	sadd.s32 $0x8F2B, s0  }
0xbd: {  	[sflag:s0] =	ssyncadd.remote.s32 $0x1  }
0xbe: {  	_ =	sfence.sel $0xFFFF  }
0xbf: {  	[dreg:$0x0] =	wrdreg $0xFFFFFFFF;
	(pc) =	sbr.abs _section_cstart, $3  }
0xc0: {  	[dreg:$0x1] =	wrdreg $0xFFFFFFFF  }
0xc1: {  	_ =	task.clear_ibuf [dreg:s7], $0x2FFFF;
	_ =	strace $0x9FFFFFFF  }
0xc2: {  	(tm) =	ssettm $0x7FFFFFFF  }
0xc3: {  	_ =	shalt  }
tec
execute0_lowered:
.L_overlay_start_1:
0x0: {  	(tag) =	ssettag $0x1  }
0x1: {  	s0 =	rddreg [dreg:$0x0];
	s3 =	stileid.u32  }
0x2: {  	s2 =	rddreg [dreg:$0x1];
	s4 =	sshll.u32 s3, $0x1;
	s3 =	simm.s32 $0x0  }
0x3: {  	s16 =	sadd.s32 $0x4EC40, s0;
	[smem:$0x7FF] =	sst s3  }
0x4: {  	s17 =	sadd.s32 $0x50, s2;
	_ =	strace $0x80000047;
	[dreg:$0x4] =	wrdreg s16  }
0x5: {  	s1 =	srdreg.scid;
	s18 =	sadd.s32 $0x4EC80, s0;
	[dreg:$0x5] =	wrdreg s17  }
0x6: {  	s29 =	simm.s32 $0x1;
	s19 =	sadd.s32 $0xA0, s2;
	[dreg:$0x6] =	wrdreg s18  }
0x7: {  	s28 =	simm.s32 $0x2;
	s20 =	sadd.s32 $0x4ECC0, s0;
	[dreg:$0x7] =	wrdreg s19  }
0x8: {  	s12 =	simm.s32 $0x4;
	s21 =	sadd.s32 $0xF0, s2;
	[dreg:$0x8] =	wrdreg s20  }
0x9: {  	s8 =	simm.s32 $0x0;
	s23 =	sadd.s32 $0x4EC10, s0;
	[dreg:$0x9] =	wrdreg s21  }
0xa: {  	s1 =	sand.u32 $0x1, s1;
	s24 =	sadd.s32 $0x4EC20, s0;
	[dreg:$0xc] =	wrdreg s23  }
0xb: {  	s25 =	sadd.s32 $0x10, s2;
	s26 =	sadd.s32 $0x20, s2;
	[dreg:$0xd] =	wrdreg s24  }
0xc: {  	s30 =	sadd.s32 $0x30, s2;
	s31 =	sadd.s32 $0x40, s2;
	[dreg:$0xf] =	wrdreg s25  }
0xd: {  	s4 =	sor.u32 s1, s4;
	s1 =	ssub.s32 $0x2, s1;
	[dreg:$0x10] =	wrdreg s26  }
0xe: {  	s5 =	smul.u32 $0x2710, s4;
	s6 =	sshll.u32 s4, $0xC;
	[dreg:$0x11] =	wrdreg s30  }
0xf: {  	s4 =	sadd.s32 $0x4EC00, s0;
	s7 =	sshrl.u32 s1, $0x1;
	[dreg:$0x12] =	wrdreg s31  }
0x10: {  	s23 =	simm.s32 $0x14380;
	s24 =	simm.s32 $0x14580;
	s25 =	simm.s32 $0x14780  }
0x11: {  	s26 =	simm.s32 $0x14980;
	s6 =	sadd.s32 s6, s0;
	s1 =	ssub.s32 s1, s7  }
.Ltmp0:
0x12: {  	s7 =	simm.s32 $0x5;
	s22 =	sadd.s32 $0x52C00, s6;
	(pc) =	sbr.rel .LBB2_1-.Ltmp0, $4  }
0x13: {  	s5 =	sadd.s32 s5, s0;
	s1 =	smax.u32 s1, $0x1;
	[dreg:$0xa] =	wrdreg s22  }
0x14: {  	s0 =	sadd.s32 $0x4EC30, s0;
	s5 =	sadd.s32 $0xA00, s5;
	[dreg:$0xb] =	wrdreg s1  }
0x15: {  	[dreg:$0xe] =	wrdreg s0;
	s1 =	simm.s32 $0x13D80;
	s0 =	simm.s32 $0x13F80  }
0x16: {  	s22 =	simm.s32 $0x14180;
	[dreg:$0x3] =	wrdreg s5;
	s5 =	simm.s32 $0x3  }
.LBB2_12:
0x17: {  	s6 =	rddreg [dreg:$0xa];
	s7 =	simm.s32 $0x14A80  }
0x18: {  	[hbm4b:s6+s3] =	stream.linear.scatter [tilespmem:s7], [sflag:$0x5], $0x8000, $0x38;
	[tilespmem:$0x1CA80] =	vst v63  }
0x19: {  	s7 =	simm.s32 $0x5  }
0x1a: {  	_ =	swait.ge [sflag:s7], $0x8000  }
0x1b: {  	s8 =	rddreg [dreg:$0x13]  }
0x1c: {  	s31 =	rddreg [dreg:$0xb];
	s8 =	sadd.s32 $0x1, s8  }
0x1d: {  	p0 =	sne.s32 s8, s31  }
.Ltmp1:
0x1e: {  	_ = 	snop;
	(pc) =	sbr.rel @!p0 .LBB2_13-.Ltmp1, $3  }
0x1f: {  	_ =	sdelay $0x1  }
0x20: {  	[sflag:s7] =	ssyncset.done $0x0  }
0x21: {  	[sflag:s7] =	ssyncadd.s32 $0xFFFF8000  }
.LBB2_1:
0x22: {  	[dreg:$0x13] =	wrdreg s8  }
0x23: {  	s6 =	rddreg [dreg:$0x3]  }
0x24: {  	[tilespmem:s3], [sflag:$0x5] =	stream.linear.gather [hbm4b:s6+s3], $0x13880, $0x38;
	[tilespmem:$0x1CA80] =	vst v63  }
0x25: {  	_ =	swait.ge [sflag:s7], $0x13880  }
0x26: {  	[sflag:s7] =	ssyncset.done $0x0  }
0x27: {  	s19 =	simm.s32 $0x13880;
	[sflag:s7] =	ssyncadd.s32 $0xFFFEC780  }
0x28: {  	[tilespmem:s19], [sflag:$0x1] =	stream.linear.gather [hbm4b:s4+s3], $0x80, $0x38;
	[tilespmem:$0x1CA80] =	vst v63  }
0x29: {  	s21 =	simm.s32 $0x13A80;
	s20 =	rddreg [dreg:$0xc]  }
0x2a: {  	[tilespmem:s21], [sflag:$0x1] =	stream.linear.gather [hbm4b:s20+s3], $0x80, $0x38;
	[tilespmem:$0x1CA80] =	vst v63  }
0x2b: {  	s31 =	simm.s32 $0x13C80;
	s30 =	rddreg [dreg:$0xd]  }
0x2c: {  	[tilespmem:s31], [sflag:$0x1] =	stream.linear.gather [hbm4b:s30+s3], $0x80, $0x38;
	[tilespmem:$0x1CA80] =	vst v63  }
0x2d: {  	s9 =	simm.s32 $0x13E80;
	s8 =	rddreg [dreg:$0xe]  }
0x2e: {  	[tilespmem:s9], [sflag:$0x1] =	stream.linear.gather [hbm4b:s8+s3], $0x80, $0x38;
	[tilespmem:$0x1CA80] =	vst v63  }
0x2f: {  	s10 =	simm.s32 $0x14080  }
0x30: {  	[tilespmem:s10], [sflag:$0x1] =	stream.linear.gather [hbm4b:s2+s3], $0x80, $0x38;
	[tilespmem:$0x1CA80] =	vst v63  }
0x31: {  	s13 =	simm.s32 $0x14280;
	s11 =	rddreg [dreg:$0xf]  }
0x32: {  	[tilespmem:s13], [sflag:$0x1] =	stream.linear.gather [hbm4b:s11+s3], $0x80, $0x38;
	[tilespmem:$0x1CA80] =	vst v63  }
0x33: {  	s15 =	simm.s32 $0x14480;
	s14 =	rddreg [dreg:$0x10]  }
0x34: {  	[tilespmem:s15], [sflag:$0x1] =	stream.linear.gather [hbm4b:s14+s3], $0x80, $0x38;
	[tilespmem:$0x1CA80] =	vst v63  }
0x35: {  	s17 =	simm.s32 $0x14680;
	s16 =	rddreg [dreg:$0x11]  }
0x36: {  	[tilespmem:s17], [sflag:$0x1] =	stream.linear.gather [hbm4b:s16+s3], $0x80, $0x38;
	[tilespmem:$0x1CA80] =	vst v63  }
0x37: {  	s18 =	rddreg [dreg:$0x12];
	s19 =	simm.s32 $0x14880  }
0x38: {  	[tilespmem:s19], [sflag:$0x1] =	stream.linear.gather [hbm4b:s18+s3], $0x80, $0x38;
	[tilespmem:$0x1CA80] =	vst v63  }
0x39: {  	s20 =	rddreg [dreg:$0x4];
	s21 =	simm.s32 $0x13900  }
0x3a: {  	[tilespmem:s21], [sflag:$0x2] =	stream.linear.gather [hbm4b:s20+s3], $0x80, $0x38;
	[tilespmem:$0x1CA80] =	vst v63  }
0x3b: {  	s30 =	sadd.s32 $0x10, s20;
	s31 =	simm.s32 $0x13B00  }
0x3c: {  	[tilespmem:s31], [sflag:$0x2] =	stream.linear.gather [hbm4b:s30+s3], $0x80, $0x38;
	[tilespmem:$0x1CA80] =	vst v63  }
0x3d: {  	s8 =	sadd.s32 $0x20, s20;
	s9 =	simm.s32 $0x13D00  }
0x3e: {  	[tilespmem:s9], [sflag:$0x2] =	stream.linear.gather [hbm4b:s8+s3], $0x80, $0x38;
	[tilespmem:$0x1CA80] =	vst v63  }
0x3f: {  	s10 =	sadd.s32 $0x30, s20;
	s11 =	simm.s32 $0x13F00  }
0x40: {  	[tilespmem:s11], [sflag:$0x2] =	stream.linear.gather [hbm4b:s10+s3], $0x80, $0x38;
	[tilespmem:$0x1CA80] =	vst v63  }
0x41: {  	s13 =	rddreg [dreg:$0x5];
	s14 =	simm.s32 $0x14100  }
0x42: {  	[tilespmem:s14], [sflag:$0x2] =	stream.linear.gather [hbm4b:s13+s3], $0x80, $0x38;
	[tilespmem:$0x1CA80] =	vst v63  }
0x43: {  	s15 =	sadd.s32 $0x10, s13;
	s16 =	simm.s32 $0x14300  }
0x44: {  	[tilespmem:s16], [sflag:$0x2] =	stream.linear.gather [hbm4b:s15+s3], $0x80, $0x38;
	[tilespmem:$0x1CA80] =	vst v63  }
0x45: {  	s17 =	sadd.s32 $0x20, s13;
	s18 =	simm.s32 $0x14500  }
0x46: {  	[tilespmem:s18], [sflag:$0x2] =	stream.linear.gather [hbm4b:s17+s3], $0x80, $0x38;
	[tilespmem:$0x1CA80] =	vst v63  }
0x47: {  	s19 =	sadd.s32 $0x30, s13;
	s20 =	simm.s32 $0x14700  }
0x48: {  	[tilespmem:s20], [sflag:$0x2] =	stream.linear.gather [hbm4b:s19+s3], $0x80, $0x38;
	[tilespmem:$0x1CA80] =	vst v63  }
0x49: {  	s21 =	sadd.s32 $0x40, s13;
	s30 =	simm.s32 $0x14900  }
0x4a: {  	[tilespmem:s30], [sflag:$0x2] =	stream.linear.gather [hbm4b:s21+s3], $0x80, $0x38;
	[tilespmem:$0x1CA80] =	vst v63  }
0x4b: {  	s31 =	rddreg [dreg:$0x6];
	s9 =	simm.s32 $0x13980  }
0x4c: {  	[tilespmem:s9], [sflag:$0x3] =	stream.linear.gather [hbm4b:s31+s3], $0x80, $0x38;
	[tilespmem:$0x1CA80] =	vst v63  }
0x4d: {  	s10 =	sadd.s32 $0x10, s31;
	s11 =	simm.s32 $0x13B80  }
0x4e: {  	[tilespmem:s11], [sflag:$0x3] =	stream.linear.gather [hbm4b:s10+s3], $0x80, $0x38;
	[tilespmem:$0x1CA80] =	vst v63  }
0x4f: {  	s13 =	sadd.s32 $0x20, s31  }
0x50: {  	[tilespmem:s1], [sflag:$0x3] =	stream.linear.gather [hbm4b:s13+s3], $0x80, $0x38;
	[tilespmem:$0x1CA80] =	vst v63  }
0x51: {  	s14 =	sadd.s32 $0x30, s31  }
0x52: {  	[tilespmem:s0], [sflag:$0x3] =	stream.linear.gather [hbm4b:s14+s3], $0x80, $0x38;
	[tilespmem:$0x1CA80] =	vst v63  }
0x53: {  	s15 =	rddreg [dreg:$0x7]  }
0x54: {  	[tilespmem:s22], [sflag:$0x3] =	stream.linear.gather [hbm4b:s15+s3], $0x80, $0x38;
	[tilespmem:$0x1CA80] =	vst v63  }
0x55: {  	s16 =	sadd.s32 $0x10, s15  }
0x56: {  	[tilespmem:s23], [sflag:$0x3] =	stream.linear.gather [hbm4b:s16+s3], $0x80, $0x38;
	[tilespmem:$0x1CA80] =	vst v63  }
0x57: {  	s17 =	sadd.s32 $0x20, s15  }
0x58: {  	[tilespmem:s24], [sflag:$0x3] =	stream.linear.gather [hbm4b:s17+s3], $0x80, $0x38;
	[tilespmem:$0x1CA80] =	vst v63  }
0x59: {  	s18 =	sadd.s32 $0x30, s15  }
0x5a: {  	[tilespmem:s25], [sflag:$0x3] =	stream.linear.gather [hbm4b:s18+s3], $0x80, $0x38;
	[tilespmem:$0x1CA80] =	vst v63  }
0x5b: {  	s19 =	sadd.s32 $0x40, s15  }
0x5c: {  	[tilespmem:s26], [sflag:$0x3] =	stream.linear.gather [hbm4b:s19+s3], $0x80, $0x38;
	[tilespmem:$0x1CA80] =	vst v63  }
0x5d: {  	s20 =	rddreg [dreg:$0x8];
	s21 =	simm.s32 $0x13A00  }
0x5e: {  	[tilespmem:s21], [sflag:$0x4] =	stream.linear.gather [hbm4b:s20+s3], $0x80, $0x38;
	[tilespmem:$0x1CA80] =	vst v63  }
0x5f: {  	s30 =	sadd.s32 $0x10, s20;
	s31 =	simm.s32 $0x13C00  }
0x60: {  	[tilespmem:s31], [sflag:$0x4] =	stream.linear.gather [hbm4b:s30+s3], $0x80, $0x38;
	[tilespmem:$0x1CA80] =	vst v63  }
0x61: {  	s9 =	sadd.s32 $0x20, s20;
	s10 =	simm.s32 $0x13E00  }
0x62: {  	[tilespmem:s10], [sflag:$0x4] =	stream.linear.gather [hbm4b:s9+s3], $0x80, $0x38;
	[tilespmem:$0x1CA80] =	vst v63  }
0x63: {  	s11 =	sadd.s32 $0x30, s20;
	s13 =	simm.s32 $0x14000  }
0x64: {  	[tilespmem:s13], [sflag:$0x4] =	stream.linear.gather [hbm4b:s11+s3], $0x80, $0x38;
	[tilespmem:$0x1CA80] =	vst v63  }
0x65: {  	s14 =	rddreg [dreg:$0x9];
	s15 =	simm.s32 $0x14200  }
0x66: {  	[tilespmem:s15], [sflag:$0x4] =	stream.linear.gather [hbm4b:s14+s3], $0x80, $0x38;
	[tilespmem:$0x1CA80] =	vst v63  }
0x67: {  	s16 =	sadd.s32 $0x10, s14;
	s17 =	simm.s32 $0x14400  }
0x68: {  	[tilespmem:s17], [sflag:$0x4] =	stream.linear.gather [hbm4b:s16+s3], $0x80, $0x38;
	[tilespmem:$0x1CA80] =	vst v63  }
0x69: {  	s18 =	sadd.s32 $0x20, s14;
	s19 =	simm.s32 $0x14600  }
0x6a: {  	[tilespmem:s19], [sflag:$0x4] =	stream.linear.gather [hbm4b:s18+s3], $0x80, $0x38;
	[tilespmem:$0x1CA80] =	vst v63  }
0x6b: {  	s20 =	sadd.s32 $0x30, s14;
	s21 =	simm.s32 $0x14800  }
0x6c: {  	[tilespmem:s21], [sflag:$0x4] =	stream.linear.gather [hbm4b:s20+s3], $0x80, $0x38;
	[tilespmem:$0x1CA80] =	vst v63  }
0x6d: {  	s30 =	sadd.s32 $0x40, s14;
	s31 =	simm.s32 $0x14A00;
	s14 =	simm.s32 $0x0  }
0x6e: {  	[tilespmem:s31], [sflag:$0x4] =	stream.linear.gather [hbm4b:s30+s3], $0x80, $0x38;
	[tilespmem:$0x1CA80] =	vst v63  }
.LBB2_2:
0x6f: {  	_ =	swait.ge [sflag:s29], $0x200  }
0x70: {  	[sflag:s29] =	ssyncset.done $0x0  }
0x71: {  	[sflag:s29] =	ssyncadd.s32 $0xFFFFFE00  }
0x72: {  	_ =	swait.ge [sflag:s29], $0x280  }
0x73: {  	s6 =	simm.s32 $0x0;
	[sflag:s29] =	ssyncset.done $0x0  }
0x74: {  	s7 =	sand.u32 $0x40, s6;
	s8 =	sand.u32 $0x600, s6;
	[sflag:s29] =	ssyncadd.s32 $0xFFFFFD80  }
0x75: {  	s7 =	sor.u32 s7, s8;
	v4 =	vld [tilespmem:$0x14880]  }
0x76: {  	v16 =	vld [tilespmem:s7+$0x138B0]  }
0x77: {  	v9 =	vld [tilespmem:s7+$0x138A0]  }
0x78: {  	v10 =	vld [tilespmem:s7+$0x13890]  }
0x79: {  	v14 =	vld [tilespmem:s7+$0x13880]  }
0x7a: {  	v0 =	vld [tilespmem:s7+$0x140B0]  }
0x7b: {  	v1 =	vld [tilespmem:s7+$0x140A0]  }
0x7c: {  	v2 =	vld [tilespmem:s7+$0x14090]  }
0x7d: {  	v3 =	vld [tilespmem:s7+$0x14080];
	v5 =	vadd.s32 $0x2710, v16  }
0x7e: {  	v6 =	vadd.s32 $0x4E20, v16;
	v17 =	vld.idx.msk [tilespmem:v16+s3+$0x0], $0xffff  }
0x7f: {  	v7 =	vadd.s32 $0x7530, v16;
	v19 =	vld.idx.msk [tilespmem:v9+s3+$0x0], $0xffff  }
0x80: {  	v8 =	vadd.s32 $0x9C40, v16;
	v18 =	vld.idx.msk [tilespmem:v10+s3+$0x0], $0xffff  }
0x81: {  	v11 =	vadd.s32 $0xC350, v16;
	v26 =	vld.idx.msk [tilespmem:v14+s3+$0x0], $0xffff  }
0x82: {  	v12 =	vadd.s32 $0x2710, v9;
	v20 =	vld.idx.msk [tilespmem:v5+s3+$0x0], $0xffff  }
0x83: {  	v5 =	vadd.s32 $0x4E20, v9;
	v24 =	vld.idx.msk [tilespmem:v6+s3+$0x0], $0xffff  }
0x84: {  	v6 =	vadd.s32 $0x7530, v9;
	v22 =	vld.idx.msk [tilespmem:v7+s3+$0x0], $0xffff  }
0x85: {  	v7 =	vadd.s32 $0x9C40, v9;
	v27 =	vld.idx.msk [tilespmem:v8+s3+$0x0], $0xffff  }
0x86: {  	v8 =	vadd.s32 $0xC350, v9;
	v21 =	vld.idx.msk [tilespmem:v11+s3+$0x0], $0xffff  }
0x87: {  	v35 =	vadd.s32 $0x2710, v10;
	v29 =	vld.idx.msk [tilespmem:v12+s3+$0x0], $0xffff  }
0x88: {  	v34 =	vadd.s32 $0x2710, v14;
	v23 =	vld.idx.msk [tilespmem:v5+s3+$0x0], $0xffff  }
0x89: {  	v33 =	vadd.s32 $0x4E20, v14;
	v25 =	vld.idx.msk [tilespmem:v6+s3+$0x0], $0xffff  }
0x8a: {  	v32 =	vadd.s32 $0x7530, v14;
	v31 =	vadd.s32 $0x4E20, v10;
	v15 =	vadd.s32 $0xEA60, v16;
	v13 =	vmovc v4;
	v11 =	vmovc v4;
	v28 =	vld.idx.msk [tilespmem:v7+s3+$0x0], $0xffff  }
0x8b: {  	s7 =	simm.s32 $0x40;
	v12 =	vmovc v4;
	v30 =	vld.idx.msk [tilespmem:v8+s3+$0x0], $0xffff;
	v8 =	vmovc v4;
	v7 =	vmov v4;
	v6 =	vmov v4;
	v5 =	vmov v4  }
.LBB2_3:
0x8c: {  	p0 =	sne.s32 s7, $0x1C0;
	v35 =	vld.idx.msk [tilespmem:v35+s3+$0x0], $0xffff;
	v36 =	vadd.s32 $0x7530, v10;
	v37 =	vadd.s32 $0xEA60, v9;
	v16 =	vadd.s32 $0x11170, v16  }
0x8d: {  	v38 =	vadd.s32 $0x9C40, v10;
	v19 =	vmul.f32 v19, v1;
	v17 =	vmul.f32 v17, v0;
	v34 =	vld.idx.msk [tilespmem:v34+s3+$0x0], $0xffff  }
0x8e: {  	v26 =	vmul.f32 v26, v3;
	v18 =	vmul.f32 v18, v2;
	v39 =	vadd.s32 $0xC350, v10;
	v33 =	vld.idx.msk [tilespmem:v33+s3+$0x0], $0xffff  }
0x8f: {  	v40 =	vadd.s32 $0x9C40, v14;
	v20 =	vmul.f32 v20, v0;
	v24 =	vmul.f32 v24, v0;
	v32 =	vld.idx.msk [tilespmem:v32+s3+$0x0], $0xffff  }
0x90: {  	v41 =	vadd.s32 $0xC350, v14;
	v22 =	vmul.f32 v22, v0;
	v27 =	vmul.f32 v27, v0;
	v31 =	vld.idx.msk [tilespmem:v31+s3+$0x0], $0xffff  }
0x91: {  	v42 =	vadd.s32 $0xEA60, v14;
	v29 =	vmul.f32 v29, v1;
	v21 =	vmul.f32 v21, v0;
	v36 =	vld.idx.msk [tilespmem:v36+s3+$0x0], $0xffff  }
0x92: {  	v14 =	vadd.s32 $0x11170, v14;
	v23 =	vmul.f32 v23, v1;
	v25 =	vmul.f32 v25, v1;
	v38 =	vld.idx.msk [tilespmem:v38+s3+$0x0], $0xffff  }
0x93: {  	v43 =	vadd.s32 $0xEA60, v10;
	v28 =	vmul.f32 v28, v1;
	v30 =	vmul.f32 v30, v1;
	v39 =	vld.idx.msk [tilespmem:v39+s3+$0x0], $0xffff  }
0x94: {  	v10 =	vadd.s32 $0x11170, v10;
	v35 =	vmul.f32 v35, v2;
	v34 =	vmul.f32 v34, v3;
	v40 =	vld.idx.msk [tilespmem:v40+s3+$0x0], $0xffff  }
0x95: {  	v9 =	vadd.s32 $0x11170, v9;
	v33 =	vmul.f32 v33, v3;
	v32 =	vmul.f32 v32, v3;
	v41 =	vld.idx.msk [tilespmem:v41+s3+$0x0], $0xffff  }
0x96: {  	v4 =	vadd.f32 v26, v4;
	v13 =	vadd.f32 v34, v13;
	v31 =	vmul.f32 v31, v2;
	v26 =	vld.idx.msk [tilespmem:v42+s3+$0x0], $0xffff  }
0x97: {  	v11 =	vadd.f32 v33, v11;
	v12 =	vadd.f32 v32, v12;
	v32 =	vmul.f32 v36, v2;
	v14 =	vld.idx.msk [tilespmem:v14+s3+$0x0], $0xffff  }
0x98: {  	v4 =	vadd.f32 v18, v4;
	v13 =	vadd.f32 v35, v13;
	v18 =	vmul.f32 v38, v2;
	v33 =	vld.idx.msk [tilespmem:v43+s3+$0x0], $0xffff  }
0x99: {  	v11 =	vadd.f32 v31, v11;
	v12 =	vadd.f32 v32, v12;
	v31 =	vmul.f32 v39, v2;
	v10 =	vld.idx.msk [tilespmem:v10+s3+$0x0], $0xffff  }
0x9a: {  	v4 =	vadd.f32 v19, v4;
	v13 =	vadd.f32 v29, v13;
	v32 =	vmul.f32 v40, v3;
	v19 =	vld.idx.msk [tilespmem:v37+s3+$0x0], $0xffff  }
0x9b: {  	s6 =	sadd.s32 $0x100, s6;
	v11 =	vadd.f32 v23, v11;
	v29 =	vmul.f32 v41, v3;
	v12 =	vadd.f32 v25, v12;
	v23 =	vld.idx.msk [tilespmem:v9+s3+$0x0], $0xffff  }
0x9c: {  	s8 =	sand.u32 $0x40, s7;
	s9 =	sand.u32 $0x600, s6;
	v4 =	vadd.f32 v17, v4;
	v13 =	vadd.f32 v20, v13;
	v25 =	vmul.f32 v26, v3;
	v15 =	vld.idx.msk [tilespmem:v15+s3+$0x0], $0xffff  }
0x9d: {  	s8 =	sor.u32 s8, s9;
	v11 =	vadd.f32 v24, v11;
	v3 =	vmul.f32 v14, v3;
	v12 =	vadd.f32 v22, v12;
	v17 =	vld.idx.msk [tilespmem:v16+s3+$0x0], $0xffff  }
0x9e: {  	v8 =	vadd.f32 v32, v8;
	v7 =	vadd.f32 v29, v7;
	v20 =	vmul.f32 v33, v2;
	v16 =	vld [tilespmem:s8+$0x138B0]  }
0x9f: {  	v6 =	vadd.f32 v25, v6;
	v3 =	vadd.f32 v3, v5;
	v2 =	vmul.f32 v10, v2;
	v9 =	vld [tilespmem:s8+$0x138A0]  }
0xa0: {  	v5 =	vadd.f32 v18, v8;
	v7 =	vadd.f32 v31, v7;
	v8 =	vmul.f32 v19, v1;
	v10 =	vld [tilespmem:s8+$0x13890]  }
0xa1: {  	v6 =	vadd.f32 v20, v6;
	v2 =	vadd.f32 v2, v3;
	v3 =	vmul.f32 v23, v1;
	v14 =	vld [tilespmem:s8+$0x13880]  }
0xa2: {  	v5 =	vadd.f32 v28, v5;
	v7 =	vadd.f32 v30, v7;
	v15 =	vmul.f32 v15, v0;
	v18 =	vld [tilespmem:s8+$0x140B0]  }
0xa3: {  	v6 =	vadd.f32 v8, v6;
	v19 =	vadd.f32 v3, v2;
	v0 =	vmul.f32 v17, v0;
	v1 =	vld [tilespmem:s8+$0x140A0]  }
0xa4: {  	v8 =	vadd.f32 v27, v5;
	v7 =	vadd.f32 v21, v7;
	v2 =	vld [tilespmem:s8+$0x14090]  }
0xa5: {  	v20 =	vadd.s32 $0x2710, v16;
	v6 =	vadd.f32 v15, v6;
	v5 =	vadd.f32 v0, v19;
	v3 =	vld [tilespmem:s8+$0x14080]  }
0xa6: {  	v15 =	vadd.s32 $0x4E20, v16;
	v17 =	vld.idx.msk [tilespmem:v16+s3+$0x0], $0xffff  }
0xa7: {  	v21 =	vadd.s32 $0x7530, v16;
	v19 =	vld.idx.msk [tilespmem:v9+s3+$0x0], $0xffff;
	v0 =	vmov v18  }
0xa8: {  	v23 =	vadd.s32 $0x9C40, v16;
	v18 =	vld.idx.msk [tilespmem:v10+s3+$0x0], $0xffff  }
0xa9: {  	v25 =	vadd.s32 $0xC350, v16;
	v26 =	vld.idx.msk [tilespmem:v14+s3+$0x0], $0xffff  }
0xaa: {  	v28 =	vadd.s32 $0x2710, v9;
	v20 =	vld.idx.msk [tilespmem:v20+s3+$0x0], $0xffff  }
0xab: {  	v30 =	vadd.s32 $0x4E20, v9;
	v24 =	vld.idx.msk [tilespmem:v15+s3+$0x0], $0xffff  }
0xac: {  	v15 =	vadd.s32 $0x7530, v9;
	v22 =	vld.idx.msk [tilespmem:v21+s3+$0x0], $0xffff  }
0xad: {  	v31 =	vadd.s32 $0x9C40, v9;
	v27 =	vld.idx.msk [tilespmem:v23+s3+$0x0], $0xffff  }
0xae: {  	v36 =	vadd.s32 $0xC350, v9;
	v21 =	vld.idx.msk [tilespmem:v25+s3+$0x0], $0xffff  }
.Ltmp2:
0xaf: {  	v35 =	vadd.s32 $0x2710, v10;
	v29 =	vld.idx.msk [tilespmem:v28+s3+$0x0], $0xffff;
	(pc) =	sbr.rel @p0 .LBB2_3-.Ltmp2, $4  }
0xb0: {  	v34 =	vadd.s32 $0x2710, v14;
	v23 =	vld.idx.msk [tilespmem:v30+s3+$0x0], $0xffff  }
0xb1: {  	v33 =	vadd.s32 $0x4E20, v14;
	v25 =	vld.idx.msk [tilespmem:v15+s3+$0x0], $0xffff  }
0xb2: {  	v32 =	vadd.s32 $0x7530, v14;
	v28 =	vld.idx.msk [tilespmem:v31+s3+$0x0], $0xffff  }
0xb3: {  	s7 =	sadd.s32 $0x40, s7;
	v15 =	vadd.s32 $0xEA60, v16;
	v31 =	vadd.s32 $0x4E20, v10;
	v30 =	vld.idx.msk [tilespmem:v36+s3+$0x0], $0xffff  }
0xb4: {  	_ =	sdelay $0x1  }
0xb5: {  	v36 =	vadd.s32 $0x7530, v10;
	v37 =	vadd.s32 $0xEA60, v9  }
0xb6: {  	v16 =	vadd.s32 $0x11170, v16;
	v19 =	vmul.f32 v19, v1;
	v17 =	vmul.f32 v17, v0  }
0xb7: {  	v35 =	vld.idx.msk [tilespmem:v35+s3+$0x0], $0xffff;
	v38 =	vadd.s32 $0x9C40, v10;
	v26 =	vmul.f32 v26, v3;
	v18 =	vmul.f32 v18, v2  }
0xb8: {  	v34 =	vld.idx.msk [tilespmem:v34+s3+$0x0], $0xffff;
	v39 =	vadd.s32 $0xC350, v10;
	v20 =	vmul.f32 v20, v0;
	v24 =	vmul.f32 v24, v0  }
0xb9: {  	v33 =	vld.idx.msk [tilespmem:v33+s3+$0x0], $0xffff;
	v40 =	vadd.s32 $0x9C40, v14;
	v22 =	vmul.f32 v22, v0;
	v27 =	vmul.f32 v27, v0  }
0xba: {  	v32 =	vld.idx.msk [tilespmem:v32+s3+$0x0], $0xffff;
	v41 =	vadd.s32 $0xC350, v14;
	v29 =	vmul.f32 v29, v1;
	v42 =	vadd.s32 $0xEA60, v14  }
0xbb: {  	v31 =	vld.idx.msk [tilespmem:v31+s3+$0x0], $0xffff;
	v21 =	vmul.f32 v21, v0;
	v14 =	vadd.s32 $0x11170, v14;
	v4 =	vadd.f32 v26, v4  }
0xbc: {  	v43 =	vadd.s32 $0xEA60, v10;
	v10 =	vadd.s32 $0x11170, v10;
	v23 =	vmul.f32 v23, v1;
	v36 =	vld.idx.msk [tilespmem:v36+s3+$0x0], $0xffff  }
0xbd: {  	v25 =	vmul.f32 v25, v1;
	v28 =	vmul.f32 v28, v1;
	v4 =	vadd.f32 v18, v4;
	v38 =	vld.idx.msk [tilespmem:v38+s3+$0x0], $0xffff  }
0xbe: {  	v9 =	vadd.s32 $0x11170, v9;
	v34 =	vmul.f32 v34, v3;
	v33 =	vmul.f32 v33, v3;
	v40 =	vld.idx.msk [tilespmem:v40+s3+$0x0], $0xffff  }
0xbf: {  	v35 =	vmul.f32 v35, v2;
	v32 =	vmul.f32 v32, v3;
	v62 =	vld.idx.msk [tilespmem:v42+s3+$0x0], $0xffff;
	v4 =	vadd.f32 v19, v4  }
0xc0: {  	v26 =	vmul.f32 v31, v2;
	v31 =	vld.idx.msk [tilespmem:v41+s3+$0x0], $0xffff;
	v13 =	vadd.f32 v34, v13;
	v11 =	vadd.f32 v33, v11  }
0xc1: {  	v39 =	vld.idx.msk [tilespmem:v39+s3+$0x0], $0xffff;
	v12 =	vadd.f32 v32, v12;
	v4 =	vadd.f32 v17, v4;
	v61 =	vmul.f32 v36, v2  }
0xc2: {  	v30 =	vmul.f32 v30, v1;
	v14 =	vld.idx.msk [tilespmem:v14+s3+$0x0], $0xffff;
	v13 =	vadd.f32 v35, v13;
	v11 =	vadd.f32 v26, v11  }
0xc3: {  	v26 =	vld.idx.msk [tilespmem:v43+s3+$0x0], $0xffff;
	v18 =	vmul.f32 v38, v2;
	v19 =	vmul.f32 v40, v3;
	v12 =	vadd.f32 v61, v12  }
0xc4: {  	v10 =	vld.idx.msk [tilespmem:v10+s3+$0x0], $0xffff;
	v17 =	vmul.f32 v62, v3;
	v13 =	vadd.f32 v29, v13;
	v11 =	vadd.f32 v23, v11  }
0xc5: {  	v23 =	vld.idx.msk [tilespmem:v37+s3+$0x0], $0xffff;
	v8 =	vadd.f32 v19, v8;
	v12 =	vadd.f32 v25, v12;
	v25 =	vmul.f32 v31, v3  }
0xc6: {  	v9 =	vld.idx.msk [tilespmem:v9+s3+$0x0], $0xffff;
	v63 =	vmul.f32 v39, v2;
	v6 =	vadd.f32 v17, v6;
	v13 =	vadd.f32 v20, v13  }
0xc7: {  	v15 =	vld.idx.msk [tilespmem:v15+s3+$0x0], $0xffff;
	s17 =	sshll.u32 s14, $0x6;
	v11 =	vadd.f32 v24, v11;
	v3 =	vmul.f32 v14, v3;
	v7 =	vadd.f32 v25, v7  }
0xc8: {  	s7 =	sand.u32 $0xF80, s17;
	v14 =	vld.idx.msk [tilespmem:v16+s3+$0x0], $0xffff;
	v16 =	vmul.f32 v26, v2;
	v8 =	vadd.f32 v18, v8;
	v12 =	vadd.f32 v22, v12  }
0xc9: {  	s9 =	sand.u32 $0x40, s17;
	s18 =	sadd.s32 $0x15A80, s7;
	v2 =	vmul.f32 v10, v2;
	v3 =	vadd.f32 v3, v5;
	v5 =	vadd.f32 v63, v7  }
0xca: {  	s19 =	sadd.s32 $0x16A80, s7;
	s6 =	sor.u32 s9, s18;
	[tilespmem:s17+$0x14A80] =	vst v4;
	v6 =	vadd.f32 v16, v6;
	v8 =	vadd.f32 v28, v8;
	v7 =	vmul.f32 v23, v1  }
0xcb: {  	s20 =	sadd.s32 $0x17A80, s7;
	s11 =	sor.u32 s9, s19;
	[tilespmem:s6+$0x0] =	vst v13;
	v2 =	vadd.f32 v2, v3;
	v1 =	vmul.f32 v9, v1;
	v3 =	vadd.f32 v30, v5  }
0xcc: {  	s21 =	sadd.s32 $0x18A80, s7;
	s13 =	sor.u32 s9, s20;
	v4 =	vmul.f32 v15, v0;
	[tilespmem:s11+$0x0] =	vst v11;
	v5 =	vadd.f32 v7, v6;
	v6 =	vadd.f32 v27, v8  }
0xcd: {  	s8 =	sadd.s32 $0x19A80, s7;
	s10 =	sor.u32 s9, s21;
	[tilespmem:s13+$0x0] =	vst v12;
	v0 =	vmul.f32 v14, v0;
	v1 =	vadd.f32 v1, v2;
	v2 =	vadd.f32 v21, v3  }
0xce: {  	p0 =	seq.s32 s14, $0x0;
	s15 =	sor.u32 s9, s8;
	s6 =	sadd.s32 $0x1AA80, s7;
	v3 =	vadd.f32 v4, v5;
	[tilespmem:s10+$0x0] =	vst v6  }
0xcf: {  	s16 =	sor.u32 s9, s6;
	v0 =	vadd.f32 v0, v1;
	s10 =	sadd.s32 $0x1BA80, s7;
	[tilespmem:s15+$0x0] =	vst v2;
	s15 =	sshllo.u32 s14, $0x2  }
0xd0: {  	s7 =	sor.u32 s9, s10;
	[tilespmem:s16+$0x0] =	vst v3;
	s9 =	sshll.u32 @!p0 s15, $0x6  }
0xd1: {  	s16 =	simm.s32 @!p0 $0x13A00;
	[tilespmem:s7+$0x0] =	vst v0;
	s7 =	sadd.s32 @!p0 s4, s9;
	s9 =	simm.s32 @!p0 $0x0  }
0xd2: {  	[tilespmem:s16], [sflag:$0x4] =	stream.linear.gather @!p0 [hbm4b:s7+s9], $0x80, $0x38;
	[tilespmem:$0x1CA80] =	vst v63  }
0xd3: {  	s11 =	simm.s32 @!p0 $0x13C00;
	s16 =	sadd.s32 @!p0 $0x10, s7  }
0xd4: {  	[tilespmem:s11], [sflag:$0x4] =	stream.linear.gather @!p0 [hbm4b:s16+s9], $0x80, $0x38;
	[tilespmem:$0x1CA80] =	vst v63  }
0xd5: {  	s11 =	sadd.s32 @!p0 $0x20, s7;
	s16 =	simm.s32 @!p0 $0x13E00  }
0xd6: {  	[tilespmem:s16], [sflag:$0x4] =	stream.linear.gather @!p0 [hbm4b:s11+s9], $0x80, $0x38;
	[tilespmem:$0x1CA80] =	vst v63  }
0xd7: {  	s7 =	sadd.s32 @!p0 $0x30, s7;
	s11 =	simm.s32 @!p0 $0x14000;
	s16 =	smul.u32 @!p0 $0x50, s15  }
0xd8: {  	[tilespmem:s11], [sflag:$0x4] =	stream.linear.gather @!p0 [hbm4b:s7+s9], $0x80, $0x38;
	[tilespmem:$0x1CA80] =	vst v63  }
0xd9: {  	s7 =	sadd.s32 @!p0 s2, s16;
	s11 =	simm.s32 @!p0 $0x14200  }
0xda: {  	[tilespmem:s11], [sflag:$0x4] =	stream.linear.gather @!p0 [hbm4b:s7+s9], $0x80, $0x38;
	[tilespmem:$0x1CA80] =	vst v63  }
0xdb: {  	s16 =	simm.s32 @!p0 $0x14400;
	s11 =	sadd.s32 @!p0 $0x10, s7  }
0xdc: {  	[tilespmem:s16], [sflag:$0x4] =	stream.linear.gather @!p0 [hbm4b:s11+s9], $0x80, $0x38;
	[tilespmem:$0x1CA80] =	vst v63  }
0xdd: {  	s11 =	sadd.s32 @!p0 $0x20, s7;
	s16 =	simm.s32 @!p0 $0x14600  }
0xde: {  	[tilespmem:s16], [sflag:$0x4] =	stream.linear.gather @!p0 [hbm4b:s11+s9], $0x80, $0x38;
	[tilespmem:$0x1CA80] =	vst v63  }
0xdf: {  	s11 =	sadd.s32 @!p0 $0x30, s7;
	s16 =	simm.s32 @!p0 $0x14800  }
0xe0: {  	[tilespmem:s16], [sflag:$0x4] =	stream.linear.gather @!p0 [hbm4b:s11+s9], $0x80, $0x38;
	[tilespmem:$0x1CA80] =	vst v63  }
0xe1: {  	s7 =	sadd.s32 @!p0 $0x40, s7;
	s11 =	simm.s32 @!p0 $0x14A00  }
0xe2: {  	[tilespmem:s11], [sflag:$0x4] =	stream.linear.gather @!p0 [hbm4b:s7+s9], $0x80, $0x38;
	[tilespmem:$0x1CA80] =	vst v63  }
0xe3: {  	_ =	swait.ge [sflag:s28], $0x200  }
0xe4: {  	[sflag:s28] =	ssyncset.done $0x0  }
0xe5: {  	[sflag:s28] =	ssyncadd.s32 $0xFFFFFE00  }
0xe6: {  	_ =	swait.ge [sflag:s28], $0x280  }
0xe7: {  	s7 =	simm.s32 $0x0;
	[sflag:s28] =	ssyncset.done $0x0  }
0xe8: {  	s30 =	sand.u32 $0x40, s7;
	s31 =	sand.u32 $0x600, s7;
	[sflag:s28] =	ssyncadd.s32 $0xFFFFFD80  }
0xe9: {  	s9 =	sor.u32 s30, s31;
	v4 =	vld [tilespmem:$0x14900]  }
0xea: {  	v16 =	vld [tilespmem:s9+$0x13930]  }
0xeb: {  	v9 =	vld [tilespmem:s9+$0x13920]  }
0xec: {  	v10 =	vld [tilespmem:s9+$0x13910]  }
0xed: {  	v14 =	vld [tilespmem:s9+$0x13900]  }
0xee: {  	v0 =	vld [tilespmem:s9+$0x14130]  }
0xef: {  	v1 =	vld [tilespmem:s9+$0x14120]  }
0xf0: {  	v2 =	vld [tilespmem:s9+$0x14110]  }
0xf1: {  	v3 =	vld [tilespmem:s9+$0x14100];
	v5 =	vadd.s32 $0x2710, v16  }
0xf2: {  	v6 =	vadd.s32 $0x4E20, v16;
	v17 =	vld.idx.msk [tilespmem:v16+s3+$0x0], $0xffff  }
0xf3: {  	v7 =	vadd.s32 $0x7530, v16;
	v19 =	vld.idx.msk [tilespmem:v9+s3+$0x0], $0xffff  }
0xf4: {  	v8 =	vadd.s32 $0x9C40, v16;
	v18 =	vld.idx.msk [tilespmem:v10+s3+$0x0], $0xffff  }
0xf5: {  	v11 =	vadd.s32 $0xC350, v16;
	v26 =	vld.idx.msk [tilespmem:v14+s3+$0x0], $0xffff  }
0xf6: {  	v12 =	vadd.s32 $0x2710, v9;
	v20 =	vld.idx.msk [tilespmem:v5+s3+$0x0], $0xffff  }
0xf7: {  	v5 =	vadd.s32 $0x4E20, v9;
	v24 =	vld.idx.msk [tilespmem:v6+s3+$0x0], $0xffff  }
0xf8: {  	v6 =	vadd.s32 $0x7530, v9;
	v22 =	vld.idx.msk [tilespmem:v7+s3+$0x0], $0xffff  }
0xf9: {  	v7 =	vadd.s32 $0x9C40, v9;
	v27 =	vld.idx.msk [tilespmem:v8+s3+$0x0], $0xffff  }
0xfa: {  	v8 =	vadd.s32 $0xC350, v9;
	v21 =	vld.idx.msk [tilespmem:v11+s3+$0x0], $0xffff  }
0xfb: {  	v35 =	vadd.s32 $0x2710, v10;
	v29 =	vld.idx.msk [tilespmem:v12+s3+$0x0], $0xffff  }
0xfc: {  	v34 =	vadd.s32 $0x2710, v14;
	v23 =	vld.idx.msk [tilespmem:v5+s3+$0x0], $0xffff  }
0xfd: {  	v33 =	vadd.s32 $0x4E20, v14;
	v25 =	vld.idx.msk [tilespmem:v6+s3+$0x0], $0xffff  }
0xfe: {  	v32 =	vadd.s32 $0x7530, v14;
	v31 =	vadd.s32 $0x4E20, v10;
	v15 =	vadd.s32 $0xEA60, v16;
	v13 =	vmovc v4;
	v11 =	vmovc v4;
	v28 =	vld.idx.msk [tilespmem:v7+s3+$0x0], $0xffff  }
0xff: {  	s16 =	sshll.u32 s14, $0x2;
	s9 =	simm.s32 $0x40;
	v12 =	vmovc v4;
	v30 =	vld.idx.msk [tilespmem:v8+s3+$0x0], $0xffff;
	v8 =	vmovc v4;
	v7 =	vmov v4;
	v6 =	vmov v4;
	v5 =	vmov v4  }
.LBB2_5:
0x100: {  	p0 =	sne.s32 s9, $0x1C0;
	v35 =	vld.idx.msk [tilespmem:v35+s3+$0x0], $0xffff;
	v36 =	vadd.s32 $0x7530, v10;
	v37 =	vadd.s32 $0xEA60, v9;
	v16 =	vadd.s32 $0x11170, v16  }
0x101: {  	v38 =	vadd.s32 $0x9C40, v10;
	v19 =	vmul.f32 v19, v1;
	v17 =	vmul.f32 v17, v0;
	v34 =	vld.idx.msk [tilespmem:v34+s3+$0x0], $0xffff  }
0x102: {  	v26 =	vmul.f32 v26, v3;
	v18 =	vmul.f32 v18, v2;
	v39 =	vadd.s32 $0xC350, v10;
	v33 =	vld.idx.msk [tilespmem:v33+s3+$0x0], $0xffff  }
0x103: {  	v40 =	vadd.s32 $0x9C40, v14;
	v20 =	vmul.f32 v20, v0;
	v24 =	vmul.f32 v24, v0;
	v32 =	vld.idx.msk [tilespmem:v32+s3+$0x0], $0xffff  }
0x104: {  	v41 =	vadd.s32 $0xC350, v14;
	v22 =	vmul.f32 v22, v0;
	v27 =	vmul.f32 v27, v0;
	v31 =	vld.idx.msk [tilespmem:v31+s3+$0x0], $0xffff  }
0x105: {  	v42 =	vadd.s32 $0xEA60, v14;
	v29 =	vmul.f32 v29, v1;
	v21 =	vmul.f32 v21, v0;
	v36 =	vld.idx.msk [tilespmem:v36+s3+$0x0], $0xffff  }
0x106: {  	v14 =	vadd.s32 $0x11170, v14;
	v23 =	vmul.f32 v23, v1;
	v25 =	vmul.f32 v25, v1;
	v38 =	vld.idx.msk [tilespmem:v38+s3+$0x0], $0xffff  }
0x107: {  	v43 =	vadd.s32 $0xEA60, v10;
	v28 =	vmul.f32 v28, v1;
	v30 =	vmul.f32 v30, v1;
	v39 =	vld.idx.msk [tilespmem:v39+s3+$0x0], $0xffff  }
0x108: {  	v10 =	vadd.s32 $0x11170, v10;
	v35 =	vmul.f32 v35, v2;
	v34 =	vmul.f32 v34, v3;
	v40 =	vld.idx.msk [tilespmem:v40+s3+$0x0], $0xffff  }
0x109: {  	v9 =	vadd.s32 $0x11170, v9;
	v33 =	vmul.f32 v33, v3;
	v32 =	vmul.f32 v32, v3;
	v41 =	vld.idx.msk [tilespmem:v41+s3+$0x0], $0xffff  }
0x10a: {  	v4 =	vadd.f32 v26, v4;
	v13 =	vadd.f32 v34, v13;
	v31 =	vmul.f32 v31, v2;
	v26 =	vld.idx.msk [tilespmem:v42+s3+$0x0], $0xffff  }
0x10b: {  	v11 =	vadd.f32 v33, v11;
	v12 =	vadd.f32 v32, v12;
	v32 =	vmul.f32 v36, v2;
	v14 =	vld.idx.msk [tilespmem:v14+s3+$0x0], $0xffff  }
0x10c: {  	v4 =	vadd.f32 v18, v4;
	v13 =	vadd.f32 v35, v13;
	v18 =	vmul.f32 v38, v2;
	v33 =	vld.idx.msk [tilespmem:v43+s3+$0x0], $0xffff  }
0x10d: {  	v11 =	vadd.f32 v31, v11;
	v12 =	vadd.f32 v32, v12;
	v31 =	vmul.f32 v39, v2;
	v10 =	vld.idx.msk [tilespmem:v10+s3+$0x0], $0xffff  }
0x10e: {  	v4 =	vadd.f32 v19, v4;
	v13 =	vadd.f32 v29, v13;
	v32 =	vmul.f32 v40, v3;
	v19 =	vld.idx.msk [tilespmem:v37+s3+$0x0], $0xffff  }
0x10f: {  	s7 =	sadd.s32 $0x100, s7;
	v11 =	vadd.f32 v23, v11;
	v29 =	vmul.f32 v41, v3;
	v12 =	vadd.f32 v25, v12;
	v23 =	vld.idx.msk [tilespmem:v9+s3+$0x0], $0xffff  }
0x110: {  	s11 =	sand.u32 $0x40, s9;
	s13 =	sand.u32 $0x600, s7;
	v4 =	vadd.f32 v17, v4;
	v13 =	vadd.f32 v20, v13;
	v25 =	vmul.f32 v26, v3;
	v15 =	vld.idx.msk [tilespmem:v15+s3+$0x0], $0xffff  }
0x111: {  	s11 =	sor.u32 s11, s13;
	v11 =	vadd.f32 v24, v11;
	v3 =	vmul.f32 v14, v3;
	v12 =	vadd.f32 v22, v12;
	v17 =	vld.idx.msk [tilespmem:v16+s3+$0x0], $0xffff  }
0x112: {  	v8 =	vadd.f32 v32, v8;
	v7 =	vadd.f32 v29, v7;
	v20 =	vmul.f32 v33, v2;
	v16 =	vld [tilespmem:s11+$0x13930]  }
0x113: {  	v6 =	vadd.f32 v25, v6;
	v3 =	vadd.f32 v3, v5;
	v2 =	vmul.f32 v10, v2;
	v9 =	vld [tilespmem:s11+$0x13920]  }
0x114: {  	v5 =	vadd.f32 v18, v8;
	v7 =	vadd.f32 v31, v7;
	v8 =	vmul.f32 v19, v1;
	v10 =	vld [tilespmem:s11+$0x13910]  }
0x115: {  	v6 =	vadd.f32 v20, v6;
	v2 =	vadd.f32 v2, v3;
	v3 =	vmul.f32 v23, v1;
	v14 =	vld [tilespmem:s11+$0x13900]  }
0x116: {  	v5 =	vadd.f32 v28, v5;
	v7 =	vadd.f32 v30, v7;
	v15 =	vmul.f32 v15, v0;
	v18 =	vld [tilespmem:s11+$0x14130]  }
0x117: {  	v6 =	vadd.f32 v8, v6;
	v19 =	vadd.f32 v3, v2;
	v0 =	vmul.f32 v17, v0;
	v1 =	vld [tilespmem:s11+$0x14120]  }
0x118: {  	v8 =	vadd.f32 v27, v5;
	v7 =	vadd.f32 v21, v7;
	v2 =	vld [tilespmem:s11+$0x14110]  }
0x119: {  	v20 =	vadd.s32 $0x2710, v16;
	v6 =	vadd.f32 v15, v6;
	v5 =	vadd.f32 v0, v19;
	v3 =	vld [tilespmem:s11+$0x14100]  }
0x11a: {  	v15 =	vadd.s32 $0x4E20, v16;
	v17 =	vld.idx.msk [tilespmem:v16+s3+$0x0], $0xffff  }
0x11b: {  	v21 =	vadd.s32 $0x7530, v16;
	v19 =	vld.idx.msk [tilespmem:v9+s3+$0x0], $0xffff;
	v0 =	vmov v18  }
0x11c: {  	v23 =	vadd.s32 $0x9C40, v16;
	v18 =	vld.idx.msk [tilespmem:v10+s3+$0x0], $0xffff  }
0x11d: {  	v25 =	vadd.s32 $0xC350, v16;
	v26 =	vld.idx.msk [tilespmem:v14+s3+$0x0], $0xffff  }
0x11e: {  	v28 =	vadd.s32 $0x2710, v9;
	v20 =	vld.idx.msk [tilespmem:v20+s3+$0x0], $0xffff  }
0x11f: {  	v30 =	vadd.s32 $0x4E20, v9;
	v24 =	vld.idx.msk [tilespmem:v15+s3+$0x0], $0xffff  }
0x120: {  	v15 =	vadd.s32 $0x7530, v9;
	v22 =	vld.idx.msk [tilespmem:v21+s3+$0x0], $0xffff  }
0x121: {  	v31 =	vadd.s32 $0x9C40, v9;
	v27 =	vld.idx.msk [tilespmem:v23+s3+$0x0], $0xffff  }
0x122: {  	v36 =	vadd.s32 $0xC350, v9;
	v21 =	vld.idx.msk [tilespmem:v25+s3+$0x0], $0xffff  }
.Ltmp3:
0x123: {  	v35 =	vadd.s32 $0x2710, v10;
	v29 =	vld.idx.msk [tilespmem:v28+s3+$0x0], $0xffff;
	(pc) =	sbr.rel @p0 .LBB2_5-.Ltmp3, $4  }
0x124: {  	v34 =	vadd.s32 $0x2710, v14;
	v23 =	vld.idx.msk [tilespmem:v30+s3+$0x0], $0xffff  }
0x125: {  	v33 =	vadd.s32 $0x4E20, v14;
	v25 =	vld.idx.msk [tilespmem:v15+s3+$0x0], $0xffff  }
0x126: {  	v32 =	vadd.s32 $0x7530, v14;
	v28 =	vld.idx.msk [tilespmem:v31+s3+$0x0], $0xffff  }
0x127: {  	s9 =	sadd.s32 $0x40, s9;
	v15 =	vadd.s32 $0xEA60, v16;
	v31 =	vadd.s32 $0x4E20, v10;
	v30 =	vld.idx.msk [tilespmem:v36+s3+$0x0], $0xffff  }
0x128: {  	_ =	sdelay $0x1  }
0x129: {  	v36 =	vadd.s32 $0x7530, v10;
	v37 =	vadd.s32 $0xEA60, v9  }
0x12a: {  	v16 =	vadd.s32 $0x11170, v16;
	v19 =	vmul.f32 v19, v1;
	v17 =	vmul.f32 v17, v0  }
0x12b: {  	v35 =	vld.idx.msk [tilespmem:v35+s3+$0x0], $0xffff;
	v38 =	vadd.s32 $0x9C40, v10;
	v26 =	vmul.f32 v26, v3;
	v18 =	vmul.f32 v18, v2  }
0x12c: {  	v34 =	vld.idx.msk [tilespmem:v34+s3+$0x0], $0xffff;
	v39 =	vadd.s32 $0xC350, v10;
	v20 =	vmul.f32 v20, v0;
	v24 =	vmul.f32 v24, v0  }
0x12d: {  	v33 =	vld.idx.msk [tilespmem:v33+s3+$0x0], $0xffff;
	v40 =	vadd.s32 $0x9C40, v14;
	v22 =	vmul.f32 v22, v0;
	v27 =	vmul.f32 v27, v0  }
0x12e: {  	v32 =	vld.idx.msk [tilespmem:v32+s3+$0x0], $0xffff;
	v41 =	vadd.s32 $0xC350, v14;
	v29 =	vmul.f32 v29, v1;
	v42 =	vadd.s32 $0xEA60, v14  }
0x12f: {  	v31 =	vld.idx.msk [tilespmem:v31+s3+$0x0], $0xffff;
	v21 =	vmul.f32 v21, v0;
	v14 =	vadd.s32 $0x11170, v14;
	v4 =	vadd.f32 v26, v4  }
0x130: {  	v43 =	vadd.s32 $0xEA60, v10;
	v10 =	vadd.s32 $0x11170, v10;
	v23 =	vmul.f32 v23, v1;
	v36 =	vld.idx.msk [tilespmem:v36+s3+$0x0], $0xffff  }
0x131: {  	v25 =	vmul.f32 v25, v1;
	v28 =	vmul.f32 v28, v1;
	v4 =	vadd.f32 v18, v4;
	v38 =	vld.idx.msk [tilespmem:v38+s3+$0x0], $0xffff  }
0x132: {  	v9 =	vadd.s32 $0x11170, v9;
	v34 =	vmul.f32 v34, v3;
	v33 =	vmul.f32 v33, v3;
	v40 =	vld.idx.msk [tilespmem:v40+s3+$0x0], $0xffff  }
0x133: {  	v35 =	vmul.f32 v35, v2;
	v32 =	vmul.f32 v32, v3;
	v62 =	vld.idx.msk [tilespmem:v42+s3+$0x0], $0xffff;
	v4 =	vadd.f32 v19, v4  }
0x134: {  	v26 =	vmul.f32 v31, v2;
	v31 =	vld.idx.msk [tilespmem:v41+s3+$0x0], $0xffff;
	v13 =	vadd.f32 v34, v13;
	v11 =	vadd.f32 v33, v11  }
0x135: {  	v39 =	vld.idx.msk [tilespmem:v39+s3+$0x0], $0xffff;
	v12 =	vadd.f32 v32, v12;
	v4 =	vadd.f32 v17, v4;
	v61 =	vmul.f32 v36, v2  }
0x136: {  	v30 =	vmul.f32 v30, v1;
	v14 =	vld.idx.msk [tilespmem:v14+s3+$0x0], $0xffff;
	v13 =	vadd.f32 v35, v13;
	v11 =	vadd.f32 v26, v11  }
0x137: {  	v26 =	vld.idx.msk [tilespmem:v43+s3+$0x0], $0xffff;
	v18 =	vmul.f32 v38, v2;
	v19 =	vmul.f32 v40, v3;
	v12 =	vadd.f32 v61, v12  }
0x138: {  	v10 =	vld.idx.msk [tilespmem:v10+s3+$0x0], $0xffff;
	v17 =	vmul.f32 v62, v3;
	v13 =	vadd.f32 v29, v13;
	v11 =	vadd.f32 v23, v11  }
0x139: {  	v23 =	vld.idx.msk [tilespmem:v37+s3+$0x0], $0xffff;
	v8 =	vadd.f32 v19, v8;
	v12 =	vadd.f32 v25, v12;
	v25 =	vmul.f32 v31, v3  }
0x13a: {  	v9 =	vld.idx.msk [tilespmem:v9+s3+$0x0], $0xffff;
	v63 =	vmul.f32 v39, v2;
	v6 =	vadd.f32 v17, v6;
	v13 =	vadd.f32 v20, v13  }
0x13b: {  	v15 =	vld.idx.msk [tilespmem:v15+s3+$0x0], $0xffff;
	v11 =	vadd.f32 v24, v11;
	v3 =	vmul.f32 v14, v3;
	v7 =	vadd.f32 v25, v7  }
0x13c: {  	s7 =	sor.u32 $0x10, s17;
	v14 =	vld.idx.msk [tilespmem:v16+s3+$0x0], $0xffff;
	v16 =	vmul.f32 v26, v2;
	v8 =	vadd.f32 v18, v8;
	v12 =	vadd.f32 v22, v12  }
0x13d: {  	s7 =	sand.u32 $0x50, s7;
	v2 =	vmul.f32 v10, v2;
	v3 =	vadd.f32 v3, v5;
	v5 =	vadd.f32 v63, v7  }
0x13e: {  	s9 =	sadd.s32 s7, s18;
	[tilespmem:s17+$0x14A90] =	vst v4;
	v6 =	vadd.f32 v16, v6;
	v8 =	vadd.f32 v28, v8;
	v7 =	vmul.f32 v23, v1  }
0x13f: {  	s31 =	sadd.s32 s7, s19;
	[tilespmem:s9+$0x0] =	vst v13;
	v2 =	vadd.f32 v2, v3;
	v1 =	vmul.f32 v9, v1;
	v3 =	vadd.f32 v30, v5  }
0x140: {  	s11 =	sadd.s32 s7, s20;
	v4 =	vmul.f32 v15, v0;
	[tilespmem:s31+$0x0] =	vst v11;
	v5 =	vadd.f32 v7, v6;
	v6 =	vadd.f32 v27, v8  }
0x141: {  	s13 =	sadd.s32 s7, s21;
	[tilespmem:s11+$0x0] =	vst v12;
	v0 =	vmul.f32 v14, v0;
	v1 =	vadd.f32 v1, v2;
	v2 =	vadd.f32 v21, v3  }
0x142: {  	p0 =	seq.s32 s14, $0x3F;
	s30 =	sadd.s32 s7, s8;
	v3 =	vadd.f32 v4, v5;
	[tilespmem:s13+$0x0] =	vst v6  }
0x143: {  	s31 =	sadd.s32 s7, s6;
	s11 =	sadd.s32 @!p0 $0x4, s16;
	v0 =	vadd.f32 v0, v1;
	[tilespmem:s30+$0x0] =	vst v2  }
0x144: {  	s7 =	sadd.s32 s7, s10;
	s9 =	sshll.u32 @!p0 s11, $0x6;
	[tilespmem:s31+$0x0] =	vst v3  }
0x145: {  	s13 =	simm.s32 @!p0 $0x13880;
	[tilespmem:s7+$0x0] =	vst v0;
	s7 =	sadd.s32 @!p0 s4, s9;
	s9 =	simm.s32 @!p0 $0x0  }
0x146: {  	[tilespmem:s13], [sflag:$0x1] =	stream.linear.gather @!p0 [hbm4b:s7+s9], $0x80, $0x38;
	[tilespmem:$0x1CA80] =	vst v63  }
0x147: {  	s30 =	simm.s32 @!p0 $0x13A80;
	s13 =	sadd.s32 @!p0 $0x10, s7  }
0x148: {  	[tilespmem:s30], [sflag:$0x1] =	stream.linear.gather @!p0 [hbm4b:s13+s9], $0x80, $0x38;
	[tilespmem:$0x1CA80] =	vst v63  }
0x149: {  	s13 =	sadd.s32 @!p0 $0x20, s7;
	s30 =	simm.s32 @!p0 $0x13C80  }
0x14a: {  	[tilespmem:s30], [sflag:$0x1] =	stream.linear.gather @!p0 [hbm4b:s13+s9], $0x80, $0x38;
	[tilespmem:$0x1CA80] =	vst v63  }
0x14b: {  	s11 =	smul.u32 @!p0 $0x50, s11;
	s7 =	sadd.s32 @!p0 $0x30, s7;
	s13 =	simm.s32 @!p0 $0x13E80  }
0x14c: {  	[tilespmem:s13], [sflag:$0x1] =	stream.linear.gather @!p0 [hbm4b:s7+s9], $0x80, $0x38;
	[tilespmem:$0x1CA80] =	vst v63  }
0x14d: {  	s7 =	sadd.s32 @!p0 s2, s11;
	s11 =	simm.s32 @!p0 $0x14080  }
0x14e: {  	[tilespmem:s11], [sflag:$0x1] =	stream.linear.gather @!p0 [hbm4b:s7+s9], $0x80, $0x38;
	[tilespmem:$0x1CA80] =	vst v63  }
0x14f: {  	s13 =	simm.s32 @!p0 $0x14280;
	s11 =	sadd.s32 @!p0 $0x10, s7  }
0x150: {  	[tilespmem:s13], [sflag:$0x1] =	stream.linear.gather @!p0 [hbm4b:s11+s9], $0x80, $0x38;
	[tilespmem:$0x1CA80] =	vst v63  }
0x151: {  	s11 =	sadd.s32 @!p0 $0x20, s7;
	s13 =	simm.s32 @!p0 $0x14480  }
0x152: {  	[tilespmem:s13], [sflag:$0x1] =	stream.linear.gather @!p0 [hbm4b:s11+s9], $0x80, $0x38;
	[tilespmem:$0x1CA80] =	vst v63  }
0x153: {  	s11 =	sadd.s32 @!p0 $0x30, s7;
	s13 =	simm.s32 @!p0 $0x14680  }
0x154: {  	[tilespmem:s13], [sflag:$0x1] =	stream.linear.gather @!p0 [hbm4b:s11+s9], $0x80, $0x38;
	[tilespmem:$0x1CA80] =	vst v63  }
0x155: {  	s7 =	sadd.s32 @!p0 $0x40, s7;
	s11 =	simm.s32 @!p0 $0x14880  }
0x156: {  	[tilespmem:s11], [sflag:$0x1] =	stream.linear.gather @!p0 [hbm4b:s7+s9], $0x80, $0x38;
	[tilespmem:$0x1CA80] =	vst v63  }
0x157: {  	_ =	swait.ge [sflag:s5], $0x200  }
0x158: {  	[sflag:s5] =	ssyncset.done $0x0  }
0x159: {  	p1 =	por $0x0, $0x0;
	s7 =	simm.s32 $0x1;
	[sflag:s5] =	ssyncadd.s32 $0xFFFFFE00  }
0x15a: {  	s7 =	simm.s32 @!p1 $0x0;
	_ =	swait.ge [sflag:s5], $0x280  }
0x15b: {  	s7 =	sshll.u32 s7, $0x6;
	[sflag:s5] =	ssyncset.done $0x0  }
0x15c: {  	s7 =	sadd.s32 $0x0, s7;
	[sflag:s5] =	ssyncadd.s32 $0xFFFFFD80  }
0x15d: {  	s13 =	sor.u32 $0x130, s7;
	v4 =	vld [tilespmem:$0x14980]  }
0x15e: {  	s30 =	sor.u32 $0x120, s7;
	v15 =	vld [tilespmem:s13+$0x13880]  }
0x15f: {  	s31 =	sor.u32 $0x110, s7;
	v9 =	vld [tilespmem:s30+$0x13880]  }
0x160: {  	s7 =	sor.u32 $0x100, s7;
	v13 =	vld [tilespmem:s31+$0x13880]  }
0x161: {  	v14 =	vld [tilespmem:s7+$0x13880]  }
0x162: {  	v0 =	vld [tilespmem:s13+$0x14080]  }
0x163: {  	v1 =	vld [tilespmem:s30+$0x14080]  }
0x164: {  	v2 =	vld [tilespmem:s31+$0x14080]  }
0x165: {  	v3 =	vld [tilespmem:s7+$0x14080];
	v5 =	vadd.s32 $0x2710, v15  }
0x166: {  	v6 =	vadd.s32 $0x4E20, v15;
	v16 =	vld.idx.msk [tilespmem:v15+s3+$0x0], $0xffff  }
0x167: {  	v7 =	vadd.s32 $0x7530, v15;
	v19 =	vld.idx.msk [tilespmem:v9+s3+$0x0], $0xffff  }
0x168: {  	v8 =	vadd.s32 $0x9C40, v15;
	v17 =	vld.idx.msk [tilespmem:v13+s3+$0x0], $0xffff  }
0x169: {  	v10 =	vadd.s32 $0xC350, v15;
	v25 =	vld.idx.msk [tilespmem:v14+s3+$0x0], $0xffff  }
0x16a: {  	v11 =	vadd.s32 $0x2710, v9;
	v20 =	vld.idx.msk [tilespmem:v5+s3+$0x0], $0xffff  }
0x16b: {  	v5 =	vadd.s32 $0x4E20, v9;
	v23 =	vld.idx.msk [tilespmem:v6+s3+$0x0], $0xffff  }
0x16c: {  	v6 =	vadd.s32 $0x7530, v9;
	v21 =	vld.idx.msk [tilespmem:v7+s3+$0x0], $0xffff  }
0x16d: {  	v32 =	vadd.s32 $0x9C40, v9;
	v24 =	vld.idx.msk [tilespmem:v8+s3+$0x0], $0xffff  }
0x16e: {  	v31 =	vadd.s32 $0xC350, v9;
	v18 =	vld.idx.msk [tilespmem:v10+s3+$0x0], $0xffff  }
0x16f: {  	v30 =	vadd.s32 $0x2710, v13;
	v26 =	vld.idx.msk [tilespmem:v11+s3+$0x0], $0xffff  }
0x170: {  	v29 =	vadd.s32 $0x2710, v14;
	v28 =	vadd.s32 $0x4E20, v14;
	v12 =	vmovc v4;
	v10 =	vmov v4;
	v22 =	vld.idx.msk [tilespmem:v5+s3+$0x0], $0xffff  }
0x171: {  	s9 =	simm.s32 $0x40;
	s7 =	simm.s32 $0x0;
	v11 =	vmovc v4;
	v8 =	vmovc v4;
	v7 =	vmov v4;
	v27 =	vld.idx.msk [tilespmem:v6+s3+$0x0], $0xffff;
	v6 =	vmov v4;
	v5 =	vmov v4  }
.LBB2_7:
0x172: {  	p2 =	sne.s32 s9, $0x1C0;
	v33 =	vadd.s32 $0x7530, v14;
	v32 =	vld.idx.msk [tilespmem:v32+s3+$0x0], $0xffff  }
0x173: {  	v34 =	vadd.s32 $0x4E20, v13;
	v35 =	vadd.s32 $0xEA60, v15;
	v31 =	vld.idx.msk [tilespmem:v31+s3+$0x0], $0xffff  }
0x174: {  	v36 =	vadd.s32 $0x7530, v13;
	v37 =	vadd.s32 $0xEA60, v9;
	v15 =	vadd.s32 $0x11170, v15;
	v30 =	vld.idx.msk [tilespmem:v30+s3+$0x0], $0xffff  }
0x175: {  	v38 =	vadd.s32 $0x9C40, v13;
	v19 =	vmul.f32 v19, v1;
	v16 =	vmul.f32 v16, v0;
	v29 =	vld.idx.msk [tilespmem:v29+s3+$0x0], $0xffff  }
0x176: {  	v25 =	vmul.f32 v25, v3;
	v17 =	vmul.f32 v17, v2;
	v39 =	vadd.s32 $0xC350, v13;
	v28 =	vld.idx.msk [tilespmem:v28+s3+$0x0], $0xffff  }
0x177: {  	v40 =	vadd.s32 $0x9C40, v14;
	v20 =	vmul.f32 v20, v0;
	v23 =	vmul.f32 v23, v0;
	v33 =	vld.idx.msk [tilespmem:v33+s3+$0x0], $0xffff  }
0x178: {  	v41 =	vadd.s32 $0xC350, v14;
	v21 =	vmul.f32 v21, v0;
	v24 =	vmul.f32 v24, v0;
	v34 =	vld.idx.msk [tilespmem:v34+s3+$0x0], $0xffff  }
0x179: {  	v42 =	vadd.s32 $0xEA60, v14;
	v18 =	vmul.f32 v18, v0;
	v26 =	vmul.f32 v26, v1;
	v36 =	vld.idx.msk [tilespmem:v36+s3+$0x0], $0xffff  }
0x17a: {  	v14 =	vadd.s32 $0x11170, v14;
	v22 =	vmul.f32 v22, v1;
	v27 =	vmul.f32 v27, v1;
	v38 =	vld.idx.msk [tilespmem:v38+s3+$0x0], $0xffff  }
0x17b: {  	v43 =	vadd.s32 $0xEA60, v13;
	v32 =	vmul.f32 v32, v1;
	v31 =	vmul.f32 v31, v1;
	v39 =	vld.idx.msk [tilespmem:v39+s3+$0x0], $0xffff  }
0x17c: {  	v13 =	vadd.s32 $0x11170, v13;
	v30 =	vmul.f32 v30, v2;
	v29 =	vmul.f32 v29, v3;
	v40 =	vld.idx.msk [tilespmem:v40+s3+$0x0], $0xffff  }
0x17d: {  	v9 =	vadd.s32 $0x11170, v9;
	v28 =	vmul.f32 v28, v3;
	v33 =	vmul.f32 v33, v3;
	v41 =	vld.idx.msk [tilespmem:v41+s3+$0x0], $0xffff  }
0x17e: {  	v4 =	vadd.f32 v25, v4;
	v12 =	vadd.f32 v29, v12;
	v29 =	vmul.f32 v34, v2;
	v25 =	vld.idx.msk [tilespmem:v42+s3+$0x0], $0xffff  }
0x17f: {  	v10 =	vadd.f32 v28, v10;
	v11 =	vadd.f32 v33, v11;
	v28 =	vmul.f32 v36, v2;
	v14 =	vld.idx.msk [tilespmem:v14+s3+$0x0], $0xffff  }
0x180: {  	v4 =	vadd.f32 v17, v4;
	v12 =	vadd.f32 v30, v12;
	v17 =	vmul.f32 v38, v2;
	v30 =	vld.idx.msk [tilespmem:v43+s3+$0x0], $0xffff  }
0x181: {  	p1 =	por !p1, !p1;
	s11 =	simm.s32 $0x1;
	v10 =	vadd.f32 v29, v10;
	v11 =	vadd.f32 v28, v11;
	v28 =	vmul.f32 v39, v2;
	v13 =	vld.idx.msk [tilespmem:v13+s3+$0x0], $0xffff  }
0x182: {  	s11 =	simm.s32 @!p1 $0x0;
	v4 =	vadd.f32 v19, v4;
	v12 =	vadd.f32 v26, v12;
	v29 =	vmul.f32 v40, v3;
	v19 =	vld.idx.msk [tilespmem:v37+s3+$0x0], $0xffff  }
0x183: {  	s7 =	sadd.s32 $0x100, s7;
	s11 =	sshll.u32 s11, $0x6;
	v10 =	vadd.f32 v22, v10;
	v26 =	vmul.f32 v41, v3;
	v11 =	vadd.f32 v27, v11;
	v22 =	vld.idx.msk [tilespmem:v9+s3+$0x0], $0xffff  }
0x184: {  	s11 =	sadd.s32 s11, s7;
	v4 =	vadd.f32 v16, v4;
	v12 =	vadd.f32 v20, v12;
	v25 =	vmul.f32 v25, v3;
	v16 =	vld.idx.msk [tilespmem:v35+s3+$0x0], $0xffff  }
0x185: {  	s13 =	sor.u32 $0x130, s11;
	v10 =	vadd.f32 v23, v10;
	v3 =	vmul.f32 v14, v3;
	v11 =	vadd.f32 v21, v11;
	v20 =	vld.idx.msk [tilespmem:v15+s3+$0x0], $0xffff  }
0x186: {  	s30 =	sor.u32 $0x120, s11;
	v8 =	vadd.f32 v29, v8;
	v7 =	vadd.f32 v26, v7;
	v21 =	vmul.f32 v30, v2;
	v15 =	vld [tilespmem:s13+$0x13880]  }
0x187: {  	s31 =	sor.u32 $0x110, s11;
	v6 =	vadd.f32 v25, v6;
	v3 =	vadd.f32 v3, v5;
	v2 =	vmul.f32 v13, v2;
	v9 =	vld [tilespmem:s30+$0x13880]  }
0x188: {  	s11 =	sor.u32 $0x100, s11;
	v5 =	vadd.f32 v17, v8;
	v7 =	vadd.f32 v28, v7;
	v8 =	vmul.f32 v19, v1;
	v13 =	vld [tilespmem:s31+$0x13880]  }
0x189: {  	v6 =	vadd.f32 v21, v6;
	v2 =	vadd.f32 v2, v3;
	v3 =	vmul.f32 v22, v1;
	v14 =	vld [tilespmem:s11+$0x13880]  }
0x18a: {  	v5 =	vadd.f32 v32, v5;
	v7 =	vadd.f32 v31, v7;
	v16 =	vmul.f32 v16, v0;
	v17 =	vld [tilespmem:s13+$0x14080]  }
0x18b: {  	v6 =	vadd.f32 v8, v6;
	v19 =	vadd.f32 v3, v2;
	v0 =	vmul.f32 v20, v0;
	v1 =	vld [tilespmem:s30+$0x14080]  }
0x18c: {  	v8 =	vadd.f32 v24, v5;
	v7 =	vadd.f32 v18, v7;
	v2 =	vld [tilespmem:s31+$0x14080]  }
0x18d: {  	v18 =	vadd.s32 $0x2710, v15;
	v6 =	vadd.f32 v16, v6;
	v5 =	vadd.f32 v0, v19;
	v3 =	vld [tilespmem:s11+$0x14080]  }
0x18e: {  	v21 =	vadd.s32 $0x4E20, v15;
	v16 =	vld.idx.msk [tilespmem:v15+s3+$0x0], $0xffff  }
0x18f: {  	v22 =	vadd.s32 $0x7530, v15;
	v19 =	vld.idx.msk [tilespmem:v9+s3+$0x0], $0xffff;
	v0 =	vmov v17  }
0x190: {  	v24 =	vadd.s32 $0x9C40, v15;
	v17 =	vld.idx.msk [tilespmem:v13+s3+$0x0], $0xffff  }
0x191: {  	v26 =	vadd.s32 $0xC350, v15;
	v25 =	vld.idx.msk [tilespmem:v14+s3+$0x0], $0xffff  }
0x192: {  	v27 =	vadd.s32 $0x2710, v9;
	v20 =	vld.idx.msk [tilespmem:v18+s3+$0x0], $0xffff  }
0x193: {  	v28 =	vadd.s32 $0x4E20, v9;
	v23 =	vld.idx.msk [tilespmem:v21+s3+$0x0], $0xffff  }
0x194: {  	v33 =	vadd.s32 $0x7530, v9;
	v21 =	vld.idx.msk [tilespmem:v22+s3+$0x0], $0xffff  }
.Ltmp4:
0x195: {  	v32 =	vadd.s32 $0x9C40, v9;
	v24 =	vld.idx.msk [tilespmem:v24+s3+$0x0], $0xffff;
	(pc) =	sbr.rel @p2 .LBB2_7-.Ltmp4, $4  }
0x196: {  	v31 =	vadd.s32 $0xC350, v9;
	v18 =	vld.idx.msk [tilespmem:v26+s3+$0x0], $0xffff  }
0x197: {  	v30 =	vadd.s32 $0x2710, v13;
	v26 =	vld.idx.msk [tilespmem:v27+s3+$0x0], $0xffff  }
0x198: {  	v29 =	vadd.s32 $0x2710, v14;
	v22 =	vld.idx.msk [tilespmem:v28+s3+$0x0], $0xffff  }
0x199: {  	s9 =	sadd.s32 $0x40, s9;
	v28 =	vadd.s32 $0x4E20, v14;
	v27 =	vld.idx.msk [tilespmem:v33+s3+$0x0], $0xffff  }
0x19a: {  	_ =	sdelay $0x2  }
0x19b: {  	v33 =	vadd.s32 $0x7530, v14;
	v34 =	vadd.s32 $0x4E20, v13  }
0x19c: {  	v32 =	vld.idx.msk [tilespmem:v32+s3+$0x0], $0xffff;
	v35 =	vadd.s32 $0xEA60, v15;
	v36 =	vadd.s32 $0x7530, v13;
	v37 =	vadd.s32 $0xEA60, v9  }
0x19d: {  	v30 =	vld.idx.msk [tilespmem:v30+s3+$0x0], $0xffff;
	v15 =	vadd.s32 $0x11170, v15;
	v19 =	vmul.f32 v19, v1;
	v16 =	vmul.f32 v16, v0  }
0x19e: {  	v29 =	vld.idx.msk [tilespmem:v29+s3+$0x0], $0xffff;
	v38 =	vadd.s32 $0x9C40, v13;
	v25 =	vmul.f32 v25, v3;
	v40 =	vadd.s32 $0x9C40, v14  }
0x19f: {  	v17 =	vmul.f32 v17, v2;
	v28 =	vld.idx.msk [tilespmem:v28+s3+$0x0], $0xffff;
	v20 =	vmul.f32 v20, v0;
	v42 =	vadd.s32 $0xEA60, v14  }
0x1a0: {  	v39 =	vadd.s32 $0xC350, v13;
	v23 =	vmul.f32 v23, v0;
	v21 =	vmul.f32 v21, v0;
	v33 =	vld.idx.msk [tilespmem:v33+s3+$0x0], $0xffff  }
0x1a1: {  	v24 =	vmul.f32 v24, v0;
	v41 =	vadd.s32 $0xC350, v14;
	v14 =	vadd.s32 $0x11170, v14;
	v34 =	vld.idx.msk [tilespmem:v34+s3+$0x0], $0xffff  }
0x1a2: {  	v43 =	vadd.s32 $0xEA60, v13;
	v13 =	vadd.s32 $0x11170, v13;
	v4 =	vadd.f32 v25, v4;
	v36 =	vld.idx.msk [tilespmem:v36+s3+$0x0], $0xffff  }
0x1a3: {  	v9 =	vadd.s32 $0x11170, v9;
	v18 =	vmul.f32 v18, v0;
	v29 =	vmul.f32 v29, v3;
	v40 =	vld.idx.msk [tilespmem:v40+s3+$0x0], $0xffff  }
0x1a4: {  	v26 =	vmul.f32 v26, v1;
	v22 =	vmul.f32 v22, v1;
	v4 =	vadd.f32 v17, v4;
	v63 =	vld.idx.msk [tilespmem:v42+s3+$0x0], $0xffff  }
0x1a5: {  	v38 =	vld.idx.msk [tilespmem:v38+s3+$0x0], $0xffff;
	v30 =	vmul.f32 v30, v2;
	v28 =	vmul.f32 v28, v3;
	v12 =	vadd.f32 v29, v12  }
0x1a6: {  	v27 =	vmul.f32 v27, v1;
	v32 =	vmul.f32 v32, v1;
	v4 =	vadd.f32 v19, v4;
	v29 =	vld.idx.msk [tilespmem:v41+s3+$0x0], $0xffff  }
0x1a7: {  	v14 =	vld.idx.msk [tilespmem:v14+s3+$0x0], $0xffff;
	v10 =	vadd.f32 v28, v10;
	v12 =	vadd.f32 v30, v12;
	v33 =	vmul.f32 v33, v3  }
0x1a8: {  	v31 =	vld.idx.msk [tilespmem:v31+s3+$0x0], $0xffff;
	v4 =	vadd.f32 v16, v4;
	v25 =	vmul.f32 v34, v2;
	v28 =	vmul.f32 v36, v2  }
0x1a9: {  	v39 =	vld.idx.msk [tilespmem:v39+s3+$0x0], $0xffff;
	v19 =	vmul.f32 v40, v3;
	v16 =	vmul.f32 v63, v3;
	v12 =	vadd.f32 v26, v12  }
0x1aa: {  	v17 =	vmul.f32 v38, v2;
	v11 =	vadd.f32 v33, v11;
	v10 =	vadd.f32 v25, v10;
	v25 =	vld.idx.msk [tilespmem:v43+s3+$0x0], $0xffff  }
0x1ab: {  	v13 =	vld.idx.msk [tilespmem:v13+s3+$0x0], $0xffff;
	v26 =	vmul.f32 v29, v3;
	v8 =	vadd.f32 v19, v8;
	v6 =	vadd.f32 v16, v6  }
0x1ac: {  	v3 =	vmul.f32 v14, v3;
	v12 =	vadd.f32 v20, v12;
	v10 =	vadd.f32 v22, v10;
	v22 =	vld.idx.msk [tilespmem:v37+s3+$0x0], $0xffff  }
0x1ad: {  	v31 =	vmul.f32 v31, v1;
	v9 =	vld.idx.msk [tilespmem:v9+s3+$0x0], $0xffff;
	v11 =	vadd.f32 v28, v11;
	v7 =	vadd.f32 v26, v7  }
0x1ae: {  	v19 =	vld.idx.msk [tilespmem:v35+s3+$0x0], $0xffff;
	v28 =	vmul.f32 v39, v2;
	v8 =	vadd.f32 v17, v8;
	v3 =	vadd.f32 v3, v5  }
0x1af: {  	s7 =	sor.u32 $0x20, s17;
	v14 =	vld.idx.msk [tilespmem:v15+s3+$0x0], $0xffff;
	v11 =	vadd.f32 v27, v11;
	v10 =	vadd.f32 v23, v10;
	v15 =	vmul.f32 v25, v2  }
0x1b0: {  	s7 =	sand.u32 $0x60, s7;
	v5 =	vadd.f32 v28, v7;
	v8 =	vadd.f32 v32, v8;
	v2 =	vmul.f32 v13, v2  }
0x1b1: {  	s9 =	sadd.s32 s7, s18;
	[tilespmem:s17+$0x14AA0] =	vst v4;
	v11 =	vadd.f32 v21, v11;
	v7 =	vmul.f32 v22, v1;
	v6 =	vadd.f32 v15, v6  }
0x1b2: {  	s13 =	sadd.s32 s7, s19;
	[tilespmem:s9+$0x0] =	vst v12;
	v2 =	vadd.f32 v2, v3;
	v1 =	vmul.f32 v9, v1;
	v3 =	vadd.f32 v31, v5  }
0x1b3: {  	s17 =	sadd.s32 s7, s20;
	v4 =	vmul.f32 v19, v0;
	[tilespmem:s13+$0x0] =	vst v10;
	v5 =	vadd.f32 v7, v6;
	v6 =	vadd.f32 v24, v8  }
0x1b4: {  	s18 =	sadd.s32 s7, s21;
	v0 =	vmul.f32 v14, v0;
	[tilespmem:s17+$0x0] =	vst v11;
	v1 =	vadd.f32 v1, v2;
	v2 =	vadd.f32 v18, v3  }
0x1b5: {  	s8 =	sadd.s32 s7, s8;
	v3 =	vadd.f32 v4, v5;
	[tilespmem:s18+$0x0] =	vst v6  }
0x1b6: {  	s6 =	sadd.s32 s7, s6;
	v0 =	vadd.f32 v0, v1;
	[tilespmem:s8+$0x0] =	vst v2;
	s8 =	sadd.s32 @!p0 $0x5, s16  }
0x1b7: {  	s19 =	sadd.s32 s7, s10;
	[tilespmem:s6+$0x0] =	vst v3;
	s7 =	sshll.u32 @!p0 s8, $0x6  }
0x1b8: {  	s9 =	simm.s32 @!p0 $0x13900;
	[tilespmem:s19+$0x0] =	vst v0;
	s6 =	sadd.s32 @!p0 s4, s7;
	s7 =	simm.s32 @!p0 $0x0  }
0x1b9: {  	[tilespmem:s9], [sflag:$0x2] =	stream.linear.gather @!p0 [hbm4b:s6+s7], $0x80, $0x38;
	[tilespmem:$0x1CA80] =	vst v63  }
0x1ba: {  	s10 =	simm.s32 @!p0 $0x13B00;
	s9 =	sadd.s32 @!p0 $0x10, s6  }
0x1bb: {  	[tilespmem:s10], [sflag:$0x2] =	stream.linear.gather @!p0 [hbm4b:s9+s7], $0x80, $0x38;
	[tilespmem:$0x1CA80] =	vst v63  }
0x1bc: {  	s9 =	sadd.s32 @!p0 $0x20, s6;
	s10 =	simm.s32 @!p0 $0x13D00  }
0x1bd: {  	[tilespmem:s10], [sflag:$0x2] =	stream.linear.gather @!p0 [hbm4b:s9+s7], $0x80, $0x38;
	[tilespmem:$0x1CA80] =	vst v63  }
0x1be: {  	s8 =	smul.u32 @!p0 $0x50, s8;
	s6 =	sadd.s32 @!p0 $0x30, s6;
	s9 =	simm.s32 @!p0 $0x13F00  }
0x1bf: {  	[tilespmem:s9], [sflag:$0x2] =	stream.linear.gather @!p0 [hbm4b:s6+s7], $0x80, $0x38;
	[tilespmem:$0x1CA80] =	vst v63  }
0x1c0: {  	s6 =	sadd.s32 @!p0 s2, s8;
	s8 =	simm.s32 @!p0 $0x14100  }
0x1c1: {  	[tilespmem:s8], [sflag:$0x2] =	stream.linear.gather @!p0 [hbm4b:s6+s7], $0x80, $0x38;
	[tilespmem:$0x1CA80] =	vst v63  }
0x1c2: {  	s9 =	simm.s32 @!p0 $0x14300;
	s8 =	sadd.s32 @!p0 $0x10, s6  }
0x1c3: {  	[tilespmem:s9], [sflag:$0x2] =	stream.linear.gather @!p0 [hbm4b:s8+s7], $0x80, $0x38;
	[tilespmem:$0x1CA80] =	vst v63  }
0x1c4: {  	s8 =	sadd.s32 @!p0 $0x20, s6;
	s9 =	simm.s32 @!p0 $0x14500  }
0x1c5: {  	[tilespmem:s9], [sflag:$0x2] =	stream.linear.gather @!p0 [hbm4b:s8+s7], $0x80, $0x38;
	[tilespmem:$0x1CA80] =	vst v63  }
0x1c6: {  	s8 =	sadd.s32 @!p0 $0x30, s6;
	s9 =	simm.s32 @!p0 $0x14700  }
0x1c7: {  	[tilespmem:s9], [sflag:$0x2] =	stream.linear.gather @!p0 [hbm4b:s8+s7], $0x80, $0x38;
	[tilespmem:$0x1CA80] =	vst v63  }
0x1c8: {  	s6 =	sadd.s32 @!p0 $0x40, s6;
	s8 =	simm.s32 @!p0 $0x14900  }
0x1c9: {  	[tilespmem:s8], [sflag:$0x2] =	stream.linear.gather @!p0 [hbm4b:s6+s7], $0x80, $0x38;
	[tilespmem:$0x1CA80] =	vst v63  }
0x1ca: {  	_ =	swait.ge [sflag:s12], $0x200  }
0x1cb: {  	[sflag:s12] =	ssyncset.done $0x0  }
0x1cc: {  	[sflag:s12] =	ssyncadd.s32 $0xFFFFFE00  }
0x1cd: {  	_ =	swait.ge [sflag:s12], $0x280  }
0x1ce: {  	s6 =	simm.s32 $0x0;
	[sflag:s12] =	ssyncset.done $0x0  }
0x1cf: {  	s20 =	sor.u32 s6, s6;
	[sflag:s12] =	ssyncadd.s32 $0xFFFFFD80  }
0x1d0: {  	s21 =	sor.u32 $0x1B0, s20;
	v4 =	vld [tilespmem:$0x14A00]  }
0x1d1: {  	s30 =	sor.u32 $0x1A0, s20;
	v16 =	vld [tilespmem:s21+$0x13880]  }
0x1d2: {  	s31 =	sor.u32 $0x190, s20;
	v9 =	vld [tilespmem:s30+$0x13880]  }
0x1d3: {  	s7 =	sor.u32 $0x180, s20;
	v10 =	vld [tilespmem:s31+$0x13880]  }
0x1d4: {  	v14 =	vld [tilespmem:s7+$0x13880]  }
0x1d5: {  	v0 =	vld [tilespmem:s21+$0x14080]  }
0x1d6: {  	v1 =	vld [tilespmem:s30+$0x14080]  }
0x1d7: {  	v2 =	vld [tilespmem:s31+$0x14080]  }
0x1d8: {  	v3 =	vld [tilespmem:s7+$0x14080];
	v5 =	vadd.s32 $0x2710, v16  }
0x1d9: {  	v6 =	vadd.s32 $0x4E20, v16;
	v17 =	vld.idx.msk [tilespmem:v16+s3+$0x0], $0xffff  }
0x1da: {  	v7 =	vadd.s32 $0x7530, v16;
	v19 =	vld.idx.msk [tilespmem:v9+s3+$0x0], $0xffff  }
0x1db: {  	v8 =	vadd.s32 $0x9C40, v16;
	v18 =	vld.idx.msk [tilespmem:v10+s3+$0x0], $0xffff  }
0x1dc: {  	v11 =	vadd.s32 $0xC350, v16;
	v26 =	vld.idx.msk [tilespmem:v14+s3+$0x0], $0xffff  }
0x1dd: {  	v12 =	vadd.s32 $0x2710, v9;
	v20 =	vld.idx.msk [tilespmem:v5+s3+$0x0], $0xffff  }
0x1de: {  	v5 =	vadd.s32 $0x4E20, v9;
	v24 =	vld.idx.msk [tilespmem:v6+s3+$0x0], $0xffff  }
0x1df: {  	v6 =	vadd.s32 $0x7530, v9;
	v22 =	vld.idx.msk [tilespmem:v7+s3+$0x0], $0xffff  }
0x1e0: {  	v7 =	vadd.s32 $0x9C40, v9;
	v27 =	vld.idx.msk [tilespmem:v8+s3+$0x0], $0xffff  }
0x1e1: {  	v8 =	vadd.s32 $0xC350, v9;
	v21 =	vld.idx.msk [tilespmem:v11+s3+$0x0], $0xffff  }
0x1e2: {  	v35 =	vadd.s32 $0x2710, v10;
	v29 =	vld.idx.msk [tilespmem:v12+s3+$0x0], $0xffff  }
0x1e3: {  	v34 =	vadd.s32 $0x2710, v14;
	v23 =	vld.idx.msk [tilespmem:v5+s3+$0x0], $0xffff  }
0x1e4: {  	v33 =	vadd.s32 $0x4E20, v14;
	v25 =	vld.idx.msk [tilespmem:v6+s3+$0x0], $0xffff  }
0x1e5: {  	v32 =	vadd.s32 $0x7530, v14;
	v31 =	vadd.s32 $0x4E20, v10;
	v15 =	vadd.s32 $0xEA60, v16;
	v13 =	vmovc v4;
	v11 =	vmovc v4;
	v28 =	vld.idx.msk [tilespmem:v7+s3+$0x0], $0xffff  }
0x1e6: {  	s7 =	simm.s32 $0x40;
	v12 =	vmovc v4;
	v30 =	vld.idx.msk [tilespmem:v8+s3+$0x0], $0xffff;
	v8 =	vmovc v4;
	v7 =	vmov v4;
	v6 =	vmov v4;
	v5 =	vmov v4  }
.LBB2_9:
0x1e7: {  	p1 =	sne.s32 s7, $0x1C0;
	v35 =	vld.idx.msk [tilespmem:v35+s3+$0x0], $0xffff;
	v36 =	vadd.s32 $0x7530, v10;
	v37 =	vadd.s32 $0xEA60, v9;
	v16 =	vadd.s32 $0x11170, v16  }
0x1e8: {  	v38 =	vadd.s32 $0x9C40, v10;
	v19 =	vmul.f32 v19, v1;
	v17 =	vmul.f32 v17, v0;
	v34 =	vld.idx.msk [tilespmem:v34+s3+$0x0], $0xffff  }
0x1e9: {  	v26 =	vmul.f32 v26, v3;
	v18 =	vmul.f32 v18, v2;
	v39 =	vadd.s32 $0xC350, v10;
	v33 =	vld.idx.msk [tilespmem:v33+s3+$0x0], $0xffff  }
0x1ea: {  	v40 =	vadd.s32 $0x9C40, v14;
	v20 =	vmul.f32 v20, v0;
	v24 =	vmul.f32 v24, v0;
	v32 =	vld.idx.msk [tilespmem:v32+s3+$0x0], $0xffff  }
0x1eb: {  	v41 =	vadd.s32 $0xC350, v14;
	v22 =	vmul.f32 v22, v0;
	v27 =	vmul.f32 v27, v0;
	v31 =	vld.idx.msk [tilespmem:v31+s3+$0x0], $0xffff  }
0x1ec: {  	v42 =	vadd.s32 $0xEA60, v14;
	v29 =	vmul.f32 v29, v1;
	v21 =	vmul.f32 v21, v0;
	v36 =	vld.idx.msk [tilespmem:v36+s3+$0x0], $0xffff  }
0x1ed: {  	v14 =	vadd.s32 $0x11170, v14;
	v23 =	vmul.f32 v23, v1;
	v25 =	vmul.f32 v25, v1;
	v38 =	vld.idx.msk [tilespmem:v38+s3+$0x0], $0xffff  }
0x1ee: {  	v43 =	vadd.s32 $0xEA60, v10;
	v28 =	vmul.f32 v28, v1;
	v30 =	vmul.f32 v30, v1;
	v39 =	vld.idx.msk [tilespmem:v39+s3+$0x0], $0xffff  }
0x1ef: {  	v10 =	vadd.s32 $0x11170, v10;
	v35 =	vmul.f32 v35, v2;
	v34 =	vmul.f32 v34, v3;
	v40 =	vld.idx.msk [tilespmem:v40+s3+$0x0], $0xffff  }
0x1f0: {  	v9 =	vadd.s32 $0x11170, v9;
	v33 =	vmul.f32 v33, v3;
	v32 =	vmul.f32 v32, v3;
	v41 =	vld.idx.msk [tilespmem:v41+s3+$0x0], $0xffff  }
0x1f1: {  	v4 =	vadd.f32 v26, v4;
	v13 =	vadd.f32 v34, v13;
	v31 =	vmul.f32 v31, v2;
	v26 =	vld.idx.msk [tilespmem:v42+s3+$0x0], $0xffff  }
0x1f2: {  	v11 =	vadd.f32 v33, v11;
	v12 =	vadd.f32 v32, v12;
	v32 =	vmul.f32 v36, v2;
	v14 =	vld.idx.msk [tilespmem:v14+s3+$0x0], $0xffff  }
0x1f3: {  	v4 =	vadd.f32 v18, v4;
	v13 =	vadd.f32 v35, v13;
	v18 =	vmul.f32 v38, v2;
	v33 =	vld.idx.msk [tilespmem:v43+s3+$0x0], $0xffff  }
0x1f4: {  	v11 =	vadd.f32 v31, v11;
	v12 =	vadd.f32 v32, v12;
	v31 =	vmul.f32 v39, v2;
	v10 =	vld.idx.msk [tilespmem:v10+s3+$0x0], $0xffff  }
0x1f5: {  	v4 =	vadd.f32 v19, v4;
	v13 =	vadd.f32 v29, v13;
	v32 =	vmul.f32 v40, v3;
	v19 =	vld.idx.msk [tilespmem:v37+s3+$0x0], $0xffff  }
0x1f6: {  	s6 =	sadd.s32 $0x100, s6;
	v11 =	vadd.f32 v23, v11;
	v29 =	vmul.f32 v41, v3;
	v12 =	vadd.f32 v25, v12;
	v23 =	vld.idx.msk [tilespmem:v9+s3+$0x0], $0xffff  }
0x1f7: {  	s8 =	sor.u32 s7, s6;
	v4 =	vadd.f32 v17, v4;
	v13 =	vadd.f32 v20, v13;
	v25 =	vmul.f32 v26, v3;
	v15 =	vld.idx.msk [tilespmem:v15+s3+$0x0], $0xffff  }
0x1f8: {  	s9 =	sor.u32 $0x1B0, s8;
	v11 =	vadd.f32 v24, v11;
	v3 =	vmul.f32 v14, v3;
	v12 =	vadd.f32 v22, v12;
	v17 =	vld.idx.msk [tilespmem:v16+s3+$0x0], $0xffff  }
0x1f9: {  	s10 =	sor.u32 $0x1A0, s8;
	v8 =	vadd.f32 v32, v8;
	v7 =	vadd.f32 v29, v7;
	v20 =	vmul.f32 v33, v2;
	v16 =	vld [tilespmem:s9+$0x13880]  }
0x1fa: {  	s11 =	sor.u32 $0x190, s8;
	v6 =	vadd.f32 v25, v6;
	v3 =	vadd.f32 v3, v5;
	v2 =	vmul.f32 v10, v2;
	v9 =	vld [tilespmem:s10+$0x13880]  }
0x1fb: {  	s8 =	sor.u32 $0x180, s8;
	v5 =	vadd.f32 v18, v8;
	v7 =	vadd.f32 v31, v7;
	v8 =	vmul.f32 v19, v1;
	v10 =	vld [tilespmem:s11+$0x13880]  }
0x1fc: {  	v6 =	vadd.f32 v20, v6;
	v2 =	vadd.f32 v2, v3;
	v3 =	vmul.f32 v23, v1;
	v14 =	vld [tilespmem:s8+$0x13880]  }
0x1fd: {  	v5 =	vadd.f32 v28, v5;
	v7 =	vadd.f32 v30, v7;
	v15 =	vmul.f32 v15, v0;
	v18 =	vld [tilespmem:s9+$0x14080]  }
0x1fe: {  	v6 =	vadd.f32 v8, v6;
	v19 =	vadd.f32 v3, v2;
	v0 =	vmul.f32 v17, v0;
	v1 =	vld [tilespmem:s10+$0x14080]  }
0x1ff: {  	v8 =	vadd.f32 v27, v5;
	v7 =	vadd.f32 v21, v7;
	v2 =	vld [tilespmem:s11+$0x14080]  }
0x200: {  	v20 =	vadd.s32 $0x2710, v16;
	v6 =	vadd.f32 v15, v6;
	v5 =	vadd.f32 v0, v19;
	v3 =	vld [tilespmem:s8+$0x14080]  }
0x201: {  	v15 =	vadd.s32 $0x4E20, v16;
	v17 =	vld.idx.msk [tilespmem:v16+s3+$0x0], $0xffff  }
0x202: {  	v21 =	vadd.s32 $0x7530, v16;
	v19 =	vld.idx.msk [tilespmem:v9+s3+$0x0], $0xffff;
	v0 =	vmov v18  }
0x203: {  	v23 =	vadd.s32 $0x9C40, v16;
	v18 =	vld.idx.msk [tilespmem:v10+s3+$0x0], $0xffff  }
0x204: {  	v25 =	vadd.s32 $0xC350, v16;
	v26 =	vld.idx.msk [tilespmem:v14+s3+$0x0], $0xffff  }
0x205: {  	v28 =	vadd.s32 $0x2710, v9;
	v20 =	vld.idx.msk [tilespmem:v20+s3+$0x0], $0xffff  }
0x206: {  	v30 =	vadd.s32 $0x4E20, v9;
	v24 =	vld.idx.msk [tilespmem:v15+s3+$0x0], $0xffff  }
0x207: {  	v15 =	vadd.s32 $0x7530, v9;
	v22 =	vld.idx.msk [tilespmem:v21+s3+$0x0], $0xffff  }
0x208: {  	v31 =	vadd.s32 $0x9C40, v9;
	v27 =	vld.idx.msk [tilespmem:v23+s3+$0x0], $0xffff  }
0x209: {  	v36 =	vadd.s32 $0xC350, v9;
	v21 =	vld.idx.msk [tilespmem:v25+s3+$0x0], $0xffff  }
.Ltmp5:
0x20a: {  	v35 =	vadd.s32 $0x2710, v10;
	v29 =	vld.idx.msk [tilespmem:v28+s3+$0x0], $0xffff;
	(pc) =	sbr.rel @p1 .LBB2_9-.Ltmp5, $4  }
0x20b: {  	v34 =	vadd.s32 $0x2710, v14;
	v23 =	vld.idx.msk [tilespmem:v30+s3+$0x0], $0xffff  }
0x20c: {  	v33 =	vadd.s32 $0x4E20, v14;
	v25 =	vld.idx.msk [tilespmem:v15+s3+$0x0], $0xffff  }
0x20d: {  	v32 =	vadd.s32 $0x7530, v14;
	v28 =	vld.idx.msk [tilespmem:v31+s3+$0x0], $0xffff  }
0x20e: {  	s7 =	sadd.s32 $0x40, s7;
	v15 =	vadd.s32 $0xEA60, v16;
	v31 =	vadd.s32 $0x4E20, v10;
	v30 =	vld.idx.msk [tilespmem:v36+s3+$0x0], $0xffff  }
0x20f: {  	_ =	sdelay $0x2  }
0x210: {  	v36 =	vadd.s32 $0x7530, v10;
	v37 =	vadd.s32 $0xEA60, v9  }
0x211: {  	v35 =	vld.idx.msk [tilespmem:v35+s3+$0x0], $0xffff;
	v16 =	vadd.s32 $0x11170, v16;
	v19 =	vmul.f32 v19, v1;
	v17 =	vmul.f32 v17, v0  }
0x212: {  	v34 =	vld.idx.msk [tilespmem:v34+s3+$0x0], $0xffff;
	v38 =	vadd.s32 $0x9C40, v10;
	v26 =	vmul.f32 v26, v3;
	v40 =	vadd.s32 $0x9C40, v14  }
0x213: {  	v18 =	vmul.f32 v18, v2;
	v33 =	vld.idx.msk [tilespmem:v33+s3+$0x0], $0xffff;
	v39 =	vadd.s32 $0xC350, v10;
	v41 =	vadd.s32 $0xC350, v14  }
0x214: {  	v20 =	vmul.f32 v20, v0;
	v24 =	vmul.f32 v24, v0;
	v32 =	vld.idx.msk [tilespmem:v32+s3+$0x0], $0xffff;
	v42 =	vadd.s32 $0xEA60, v14  }
0x215: {  	v22 =	vmul.f32 v22, v0;
	v27 =	vmul.f32 v27, v0;
	v31 =	vld.idx.msk [tilespmem:v31+s3+$0x0], $0xffff;
	v59 =	vadd.s32 $0x11170, v14  }
0x216: {  	v29 =	vmul.f32 v29, v1;
	v21 =	vmul.f32 v21, v0;
	v4 =	vadd.f32 v26, v4;
	v36 =	vld.idx.msk [tilespmem:v36+s3+$0x0], $0xffff  }
0x217: {  	v43 =	vadd.s32 $0xEA60, v10;
	v23 =	vmul.f32 v23, v1;
	v25 =	vmul.f32 v25, v1;
	v40 =	vld.idx.msk [tilespmem:v40+s3+$0x0], $0xffff  }
0x218: {  	v28 =	vmul.f32 v28, v1;
	v4 =	vadd.f32 v18, v4;
	v34 =	vmul.f32 v34, v3;
	v62 =	vld.idx.msk [tilespmem:v41+s3+$0x0], $0xffff  }
0x219: {  	v60 =	vadd.s32 $0x11170, v10;
	v33 =	vmul.f32 v33, v3;
	v32 =	vmul.f32 v32, v3;
	v41 =	vld.idx.msk [tilespmem:v42+s3+$0x0], $0xffff  }
0x21a: {  	v35 =	vmul.f32 v35, v2;
	v14 =	vld.idx.msk [tilespmem:v59+s3+$0x0], $0xffff;
	v4 =	vadd.f32 v19, v4;
	v13 =	vadd.f32 v34, v13  }
0x21b: {  	v38 =	vld.idx.msk [tilespmem:v38+s3+$0x0], $0xffff;
	v61 =	vmul.f32 v31, v2;
	v11 =	vadd.f32 v33, v11;
	v12 =	vadd.f32 v32, v12  }
0x21c: {  	v39 =	vld.idx.msk [tilespmem:v39+s3+$0x0], $0xffff;
	v13 =	vadd.f32 v35, v13;
	v63 =	vmul.f32 v36, v2;
	v36 =	vadd.s32 $0x11170, v9  }
0x21d: {  	v44 =	vld.idx.msk [tilespmem:v43+s3+$0x0], $0xffff;
	v4 =	vadd.f32 v17, v4;
	v11 =	vadd.f32 v61, v11;
	v46 =	vmul.f32 v40, v3  }
0x21e: {  	v10 =	vld.idx.msk [tilespmem:v60+s3+$0x0], $0xffff;
	v48 =	vmul.f32 v62, v3;
	v49 =	vmul.f32 v41, v3;
	v13 =	vadd.f32 v29, v13  }
0x21f: {  	v50 =	vmul.f32 v14, v3;
	v11 =	vadd.f32 v23, v11;
	v12 =	vadd.f32 v63, v12  }
0x220: {  	v47 =	vld.idx.msk [tilespmem:v37+s3+$0x0], $0xffff;
	v42 =	vmul.f32 v38, v2;
	v8 =	vadd.f32 v46, v8;
	v7 =	vadd.f32 v48, v7  }
0x221: {  	v45 =	vmul.f32 v39, v2;
	v6 =	vadd.f32 v49, v6;
	v3 =	vadd.f32 v50, v5;
	v9 =	vld.idx.msk [tilespmem:v36+s3+$0x0], $0xffff  }
0x222: {  	v15 =	vld.idx.msk [tilespmem:v15+s3+$0x0], $0xffff;
	v52 =	vmul.f32 v44, v2;
	v13 =	vadd.f32 v20, v13;
	v11 =	vadd.f32 v24, v11  }
0x223: {  	v51 =	vld.idx.msk [tilespmem:v16+s3+$0x0], $0xffff;
	v53 =	vmul.f32 v10, v2;
	v12 =	vadd.f32 v25, v12;
	v8 =	vadd.f32 v42, v8  }
0x224: {  	s6 =	sshll.u32 s15, $0x4;
	v30 =	vmul.f32 v30, v1;
	v54 =	vadd.f32 v45, v7;
	v6 =	vadd.f32 v52, v6  }
0x225: {  	v55 =	vmul.f32 v47, v1;
	v2 =	vadd.f32 v53, v3;
	[tilespmem:s6+$0x14A80] =	vst v4;
	s6 =	sand.u32 $0xFF0, s6;
	v8 =	vadd.f32 v28, v8  }
0x226: {  	v12 =	vadd.f32 v22, v12;
	v57 =	vadd.f32 v30, v54;
	[tilespmem:s6+$0x15A80] =	vst v13;
	v56 =	vmul.f32 v9, v1  }
0x227: {  	v58 =	vmul.f32 v15, v0;
	v59 =	vadd.f32 v55, v6;
	[tilespmem:s6+$0x16A80] =	vst v11;
	v60 =	vadd.f32 v27, v8  }
.Ltmp6:
0x228: {  	v61 =	vmul.f32 v51, v0;
	v62 =	vadd.f32 v21, v57;
	[tilespmem:s6+$0x17A80] =	vst v12;
	v1 =	vadd.f32 v56, v2;
	(pc) =	sbr.rel @p0 .LBB2_12-.Ltmp6, $4  }
0x229: {  	v63 =	vadd.f32 v58, v59;
	[tilespmem:s6+$0x18A80] =	vst v60  }
0x22a: {  	[tilespmem:s6+$0x19A80] =	vst v62;
	v0 =	vadd.f32 v61, v1  }
0x22b: {  	[tilespmem:s6+$0x1AA80] =	vst v63  }
0x22c: {  	[tilespmem:s6+$0x1BA80] =	vst v0  }
0x22d: {  	s6 =	sadd.s32 $0x6, s16  }
0x22e: {  	s7 =	sshll.u32 s6, $0x6  }
0x22f: {  	s8 =	simm.s32 $0x13980;
	s7 =	sadd.s32 s4, s7  }
0x230: {  	[tilespmem:s8], [sflag:$0x3] =	stream.linear.gather [hbm4b:s7+s3], $0x80, $0x38;
	[tilespmem:$0x1CA80] =	vst v63  }
0x231: {  	s9 =	simm.s32 $0x13B80;
	s19 =	sadd.s32 $0x10, s7  }
0x232: {  	[tilespmem:s9], [sflag:$0x3] =	stream.linear.gather [hbm4b:s19+s3], $0x80, $0x38;
	[tilespmem:$0x1CA80] =	vst v63  }
0x233: {  	s20 =	sadd.s32 $0x20, s7  }
0x234: {  	[tilespmem:s1], [sflag:$0x3] =	stream.linear.gather [hbm4b:s20+s3], $0x80, $0x38;
	[tilespmem:$0x1CA80] =	vst v63  }
0x235: {  	s6 =	smul.u32 $0x50, s6;
	s7 =	sadd.s32 $0x30, s7  }
0x236: {  	[tilespmem:s0], [sflag:$0x3] =	stream.linear.gather [hbm4b:s7+s3], $0x80, $0x38;
	[tilespmem:$0x1CA80] =	vst v63  }
0x237: {  	s6 =	sadd.s32 s2, s6  }
0x238: {  	[tilespmem:s22], [sflag:$0x3] =	stream.linear.gather [hbm4b:s6+s3], $0x80, $0x38;
	[tilespmem:$0x1CA80] =	vst v63  }
0x239: {  	s21 =	sadd.s32 $0x10, s6  }
0x23a: {  	[tilespmem:s23], [sflag:$0x3] =	stream.linear.gather [hbm4b:s21+s3], $0x80, $0x38;
	[tilespmem:$0x1CA80] =	vst v63  }
0x23b: {  	s30 =	sadd.s32 $0x20, s6  }
0x23c: {  	[tilespmem:s24], [sflag:$0x3] =	stream.linear.gather [hbm4b:s30+s3], $0x80, $0x38;
	[tilespmem:$0x1CA80] =	vst v63  }
.Ltmp7:
0x23d: {  	_ = 	snop;
	(pc) =	sbr.rel .LBB2_2-.Ltmp7, $4  }
0x23e: {  	s31 =	sadd.s32 $0x30, s6  }
0x23f: {  	[tilespmem:s25], [sflag:$0x3] =	stream.linear.gather [hbm4b:s31+s3], $0x80, $0x38;
	[tilespmem:$0x1CA80] =	vst v63  }
0x240: {  	s14 =	sadd.s32 $0x1, s14;
	s6 =	sadd.s32 $0x40, s6  }
0x241: {  	[tilespmem:s26], [sflag:$0x3] =	stream.linear.gather [hbm4b:s6+s3], $0x80, $0x38;
	[tilespmem:$0x1CA80] =	vst v63  }
.LBB2_13:
0x242: {  	_ =	sfence.sel $0x180000  }
0x243: {  	[bflag:$0x0] =	sbarrier.arrive $0xFFFF  }
0x244: {  	_ =	strace $0x90000047  }
0x245: {  	s0 =	stileid.u32;
	[bflag:$0x2] =	sbarrier.arrive $0xFFFF  }
0x246: {  	p0 =	sne.s32 s0, $0x0;
	s0 =	rddreg [dreg:$0x2]  }
0x247: {  	s0 =	sadd.s32 @!p0 $0x100000, s0  }
0x248: {  	[sflag:s0] =	ssyncadd.tile.s32 @!p0 $0x1;
	_ =	shalt  }
.Lfunc_end2:
_tile_overlayer_lowered:
.L_overlay_start_2:
0x249: {  	(tag) =	ssettag $0x2  }
0x24a: {  	s0 =	rddreg [dreg:$0x0];
	s2 =	stileid.u32  }
0x24b: {  	s1 =	rddreg [dreg:$0x1];
	p0 =	sne.s32 s2, $0x0  }
0x24c: {  	s3 =	rddreg [dreg:$0x2];
	[bflag:$0x3] =	sbarrier.arrive $0xFFFF;
	s2 =	simm.s32 @!p0 $0x1C05  }
0x24d: {  	[timem:s3], [sflag:s2] =	dma.local @!p0 [hbm:s0], s1  }
0x24e: {  	s0 =	simm.s32 @!p0 $0x5  }
0x24f: {  	_ =	swait.ge @!p0 [sflag:s0], s1  }
0x250: {  	s1 =	ssub.s32 @!p0 $0x0, s1;
	[sflag:s0] =	ssyncset.done @!p0 $0x0  }
0x251: {  	[sflag:s0] =	ssyncadd.s32 @!p0 s1  }
0x252: {  	[bflag:$0x3] =	sbarrier.arrive $0xFFFF  }
0x253: {  	_ =	shalt  }

</sc_bundles>
